<compile_context>
chip_gen: v7x
topology: tpu7x:2x2x1
jax: 0.10.2.dev20260603
libtpu: 0.0.44.dev20260713+nightly
codegen_flags: <defaults>
</compile_context>

<pallas_src>
import functools

import jax
import jax.numpy as jnp
from jax import lax
from jax.experimental import pallas as pl
from jax.experimental.pallas import tpu as pltpu
from jax.experimental.pallas import tpu_sc as plsc

EPS = 1e-05
_N = 65536
_D = 64
_NW = 32
_RAYS_PER_W = _N // _NW
_CHUNK = 1024
_NCHUNK = _RAYS_PER_W // _CHUNK


def _sc_body(w_hbm, o_hbm, buf, sem_i, sem_o):
    cid = lax.axis_index("c")
    sid = lax.axis_index("s")
    wid = sid * 2 + cid
    base = wid * _RAYS_PER_W

    def compute():
        def col_group(j, carry):
            sl = pl.ds(j * 16, 16)
            s = buf[0, sl]
            for c in range(1, _D):
                s = s + buf[c, sl]
            pad = jnp.maximum(EPS - s, 0.0)
            inv = 1.0 / (s + pad)
            a = pad * (1.0 / _D)
            for c in range(_D):
                buf[c, sl] = (buf[c, sl] + a) * inv
            return carry

        lax.fori_loop(0, _CHUNK // 16, col_group, 0)

    for g in range(_NCHUNK):
        sl = pl.ds(base + g * _CHUNK, _CHUNK)
        pltpu.async_copy(w_hbm.at[:, sl], buf, sem_i).wait()
        compute()
        pltpu.async_copy(buf, o_hbm.at[:, sl], sem_o).wait()


@functools.cache
def _sc_pdf():
    mesh = plsc.VectorSubcoreMesh(core_axis_name="c", subcore_axis_name="s")
    return pl.kernel(
        _sc_body,
        out_type=jax.ShapeDtypeStruct((_D, _N), jnp.float32),
        mesh=mesh,
        scratch_types=[
            pltpu.VMEM((_D, _CHUNK), jnp.float32),
            pltpu.SemaphoreType.DMA,
            pltpu.SemaphoreType.DMA,
        ],
    )


def kernel(weights, stratified):
    wt = weights.T
    out_t = _sc_pdf()(wt)
    return out_t.T

# --- scband reference (transcript-rebuilt; emitter-appended) ---
"""Pipeline reference for scband-ray-sampler-pdf-86801289052672 (READ-ONLY COPY).

The authoritative reference and input builder live on the scoring server;
editing this copy changes nothing except your own understanding.
"""

import jax, jax.numpy as jnp
import numpy as np

EPS = 1e-05

def setup_inputs(seed: int = 0) -> dict:
    key = jax.random.key(seed)
    weights = jax.random.uniform(key, (65536, 64), dtype=jnp.float32)
    stratified = False
    return {"weights": weights, "stratified": stratified}

def reference(weights, stratified):
    # Faithful translation of RaySamplerPDF.forward (pdf normalization stage)
    weights_sum = jnp.sum(weights, axis=-1, keepdims=True)
    padding = jax.nn.relu(EPS - weights_sum)
    weights = weights + padding / weights.shape[-1]
    weights_sum = weights_sum + padding
    pdf = weights / weights_sum
    return pdf

if __name__ == "__main__":
    import jax
    _d = setup_inputs()
    print(jax.jit(kernel)(*tuple(_d.values())))

</pallas_src>

<mosaic_0001>
#map = affine_map<(d0, d1) -> (0, 0)>
module attributes {stable_mosaic.version = 14 : i64} {
  func.func @_sc_body(%arg0: i32, %arg1: i32, %arg2: memref<64x65536xf32, #tpu.memory_space<hbm>>, %arg3: memref<64x65536xf32, #tpu.memory_space<hbm>>, %arg4: memref<64x1024xf32, #tpu.memory_space<vmem>>, %arg5: memref<!tpu.dma_semaphore, #tpu.memory_space<semaphore_mem>>, %arg6: memref<!tpu.dma_semaphore, #tpu.memory_space<semaphore_mem>>) attributes {dimension_semantics = [#tpu.dimension_semantics<core_parallel>, #tpu.dimension_semantics<subcore_parallel>], iteration_bounds = array<i64: 2, 16>, scalar_prefetch = 0 : i64, scratch_operands = 3 : i64, tpu.core_type = #tpu.core_type<sc_vector_subcore>, window_params = [{transform_indices = #map}, {transform_indices = #map}]} {
    %mul3A = arith.constant 2 : i32
    %mul3A_0 = arith.muli %arg1, %mul3A : i32
    %add3A = arith.addi %mul3A_0, %arg0 : i32
    %mul3A_1 = arith.constant 2048 : i32
    %mul3A_2 = arith.muli %add3A, %mul3A_1 : i32
    %add3A_3 = arith.constant 0 : i32
    %add3A_4 = arith.addi %mul3A_2, %add3A_3 : i32
    %dma_start3A = arith.constant 0 : i32
    %dma_start3A_5 = tpu.memref_slice %arg2[%dma_start3A, %add3A_4] : memref<64x65536xf32, #tpu.memory_space<hbm>> -> memref<64x1024xf32, #tpu.memory_space<hbm>>
    %dma_start3A_6 = arith.constant 0 : i32
    %dma_start3A_7 = tpu.memref_slice %arg2[%dma_start3A_6, %add3A_4] : memref<64x65536xf32, #tpu.memory_space<hbm>> -> memref<64x1024xf32, #tpu.memory_space<hbm>>
    tpu.enqueue_dma source(%dma_start3A_7 : memref<64x1024xf32, #tpu.memory_space<hbm>>) target(%arg4 : memref<64x1024xf32, #tpu.memory_space<vmem>>) target_semaphore(%arg5 : memref<!tpu.dma_semaphore, #tpu.memory_space<semaphore_mem>>)
    %dma_wait3A = arith.constant 0 : i32
    %dma_wait3A_8 = tpu.memref_slice %arg2[%dma_wait3A, %add3A_4] : memref<64x65536xf32, #tpu.memory_space<hbm>> -> memref<64x1024xf32, #tpu.memory_space<hbm>>
    %dma_wait3A_9 = arith.constant 0 : i32
    %dma_wait3A_10 = tpu.memref_slice %arg2[%dma_wait3A_9, %add3A_4] : memref<64x65536xf32, #tpu.memory_space<hbm>> -> memref<64x1024xf32, #tpu.memory_space<hbm>>
    tpu.wait_dma2 semaphore(%arg5 : memref<!tpu.dma_semaphore, #tpu.memory_space<semaphore_mem>>) src(%dma_wait3A_10 : memref<64x1024xf32, #tpu.memory_space<hbm>>) dst(%arg4 : memref<64x1024xf32, #tpu.memory_space<vmem>>)
    %scan3A = arith.constant 0 : i32
    %scan3A_11 = arith.constant 0 : i32
    %scan3A_12 = arith.constant 64 : i32
    %scan3A_13 = arith.addi %scan3A_11, %scan3A_12 : i32
    %scan3A_14 = arith.constant 1 : i32
    scf.for %scan3A_48 = %scan3A_11 to %scan3A_13 step %scan3A_14  : i32 {
      %mul3A_49 = arith.constant 16 : i32
      %mul3A_50 = arith.muli %scan3A_48, %mul3A_49 : i32
      %get3A = arith.constant 0 : i32
      %get3A_51 = arith.index_cast %get3A : i32 to index
      %get3A_52 = arith.index_cast %mul3A_50 : i32 to index
      %get3A_53 = tpu.vector_load %arg4[%get3A_51, %get3A_52] {strides = array<i32>} : memref<64x1024xf32, #tpu.memory_space<vmem>>, vector<1x16xf32>,
      %get3A_54 = vector.shape_cast %get3A_53 : vector<1x16xf32> to vector<16xf32>
      %get3A_55 = arith.constant 1 : i32
      %get3A_56 = arith.index_cast %get3A_55 : i32 to index
      %get3A_57 = arith.index_cast %mul3A_50 : i32 to index
      %get3A_58 = tpu.vector_load %arg4[%get3A_56, %get3A_57] {strides = array<i32>} : memref<64x1024xf32, #tpu.memory_space<vmem>>, vector<1x16xf32>,
      %get3A_59 = vector.shape_cast %get3A_58 : vector<1x16xf32> to vector<16xf32>
      %add3A_60 = arith.addf %get3A_54, %get3A_59 : vector<16xf32>
      %get3A_61 = arith.constant 2 : i32
      %get3A_62 = arith.index_cast %get3A_61 : i32 to index
      %get3A_63 = arith.index_cast %mul3A_50 : i32 to index
      %get3A_64 = tpu.vector_load %arg4[%get3A_62, %get3A_63] {strides = array<i32>} : memref<64x1024xf32, #tpu.memory_space<vmem>>, vector<1x16xf32>,
      %get3A_65 = vector.shape_cast %get3A_64 : vector<1x16xf32> to vector<16xf32>
      %add3A_66 = arith.addf %add3A_60, %get3A_65 : vector<16xf32>
      %get3A_67 = arith.constant 3 : i32
      %get3A_68 = arith.index_cast %get3A_67 : i32 to index
      %get3A_69 = arith.index_cast %mul3A_50 : i32 to index
      %get3A_70 = tpu.vector_load %arg4[%get3A_68, %get3A_69] {strides = array<i32>} : memref<64x1024xf32, #tpu.memory_space<vmem>>, vector<1x16xf32>,
      %get3A_71 = vector.shape_cast %get3A_70 : vector<1x16xf32> to vector<16xf32>
      %add3A_72 = arith.addf %add3A_66, %get3A_71 : vector<16xf32>
      %get3A_73 = arith.constant 4 : i32
      %get3A_74 = arith.index_cast %get3A_73 : i32 to index
      %get3A_75 = arith.index_cast %mul3A_50 : i32 to index
      %get3A_76 = tpu.vector_load %arg4[%get3A_74, %get3A_75] {strides = array<i32>} : memref<64x1024xf32, #tpu.memory_space<vmem>>, vector<1x16xf32>,
      %get3A_77 = vector.shape_cast %get3A_76 : vector<1x16xf32> to vector<16xf32>
      %add3A_78 = arith.addf %add3A_72, %get3A_77 : vector<16xf32>
      %get3A_79 = arith.constant 5 : i32
      %get3A_80 = arith.index_cast %get3A_79 : i32 to index
      %get3A_81 = arith.index_cast %mul3A_50 : i32 to index
      %get3A_82 = tpu.vector_load %arg4[%get3A_80, %get3A_81] {strides = array<i32>} : memref<64x1024xf32, #tpu.memory_space<vmem>>, vector<1x16xf32>,
      %get3A_83 = vector.shape_cast %get3A_82 : vector<1x16xf32> to vector<16xf32>
      %add3A_84 = arith.addf %add3A_78, %get3A_83 : vector<16xf32>
      %get3A_85 = arith.constant 6 : i32
      %get3A_86 = arith.index_cast %get3A_85 : i32 to index
      %get3A_87 = arith.index_cast %mul3A_50 : i32 to index
      %get3A_88 = tpu.vector_load %arg4[%get3A_86, %get3A_87] {strides = array<i32>} : memref<64x1024xf32, #tpu.memory_space<vmem>>, vector<1x16xf32>,
      %get3A_89 = vector.shape_cast %get3A_88 : vector<1x16xf32> to vector<16xf32>
      %add3A_90 = arith.addf %add3A_84, %get3A_89 : vector<16xf32>
      %get3A_91 = arith.constant 7 : i32
      %get3A_92 = arith.index_cast %get3A_91 : i32 to index
      %get3A_93 = arith.index_cast %mul3A_50 : i32 to index
      %get3A_94 = tpu.vector_load %arg4[%get3A_92, %get3A_93] {strides = array<i32>} : memref<64x1024xf32, #tpu.memory_space<vmem>>, vector<1x16xf32>,
      %get3A_95 = vector.shape_cast %get3A_94 : vector<1x16xf32> to vector<16xf32>
      %add3A_96 = arith.addf %add3A_90, %get3A_95 : vector<16xf32>
      %get3A_97 = arith.constant 8 : i32
      %get3A_98 = arith.index_cast %get3A_97 : i32 to index
      %get3A_99 = arith.index_cast %mul3A_50 : i32 to index
      %get3A_100 = tpu.vector_load %arg4[%get3A_98, %get3A_99] {strides = array<i32>} : memref<64x1024xf32, #tpu.memory_space<vmem>>, vector<1x16xf32>,
      %get3A_101 = vector.shape_cast %get3A_100 : vector<1x16xf32> to vector<16xf32>
      %add3A_102 = arith.addf %add3A_96, %get3A_101 : vector<16xf32>
      %get3A_103 = arith.constant 9 : i32
      %get3A_104 = arith.index_cast %get3A_103 : i32 to index
      %get3A_105 = arith.index_cast %mul3A_50 : i32 to index
      %get3A_106 = tpu.vector_load %arg4[%get3A_104, %get3A_105] {strides = array<i32>} : memref<64x1024xf32, #tpu.memory_space<vmem>>, vector<1x16xf32>,
      %get3A_107 = vector.shape_cast %get3A_106 : vector<1x16xf32> to vector<16xf32>
      %add3A_108 = arith.addf %add3A_102, %get3A_107 : vector<16xf32>
      %get3A_109 = arith.constant 10 : i32
      %get3A_110 = arith.index_cast %get3A_109 : i32 to index
      %get3A_111 = arith.index_cast %mul3A_50 : i32 to index
      %get3A_112 = tpu.vector_load %arg4[%get3A_110, %get3A_111] {strides = array<i32>} : memref<64x1024xf32, #tpu.memory_space<vmem>>, vector<1x16xf32>,
      %get3A_113 = vector.shape_cast %get3A_112 : vector<1x16xf32> to vector<16xf32>
      %add3A_114 = arith.addf %add3A_108, %get3A_113 : vector<16xf32>
      %get3A_115 = arith.constant 11 : i32
      %get3A_116 = arith.index_cast %get3A_115 : i32 to index
      %get3A_117 = arith.index_cast %mul3A_50 : i32 to index
      %get3A_118 = tpu.vector_load %arg4[%get3A_116, %get3A_117] {strides = array<i32>} : memref<64x1024xf32, #tpu.memory_space<vmem>>, vector<1x16xf32>,
      %get3A_119 = vector.shape_cast %get3A_118 : vector<1x16xf32> to vector<16xf32>
      %add3A_120 = arith.addf %add3A_114, %get3A_119 : vector<16xf32>
      %get3A_121 = arith.constant 12 : i32
      %get3A_122 = arith.index_cast %get3A_121 : i32 to index
      %get3A_123 = arith.index_cast %mul3A_50 : i32 to index
      %get3A_124 = tpu.vector_load %arg4[%get3A_122, %get3A_123] {strides = array<i32>} : memref<64x1024xf32, #tpu.memory_space<vmem>>, vector<1x16xf32>,
      %get3A_125 = vector.shape_cast %get3A_124 : vector<1x16xf32> to vector<16xf32>
      %add3A_126 = arith.addf %add3A_120, %get3A_125 : vector<16xf32>
      %get3A_127 = arith.constant 13 : i32
      %get3A_128 = arith.index_cast %get3A_127 : i32 to index
      %get3A_129 = arith.index_cast %mul3A_50 : i32 to index
      %get3A_130 = tpu.vector_load %arg4[%get3A_128, %get3A_129] {strides = array<i32>} : memref<64x1024xf32, #tpu.memory_space<vmem>>, vector<1x16xf32>,
      %get3A_131 = vector.shape_cast %get3A_130 : vector<1x16xf32> to vector<16xf32>
      %add3A_132 = arith.addf %add3A_126, %get3A_131 : vector<16xf32>
      %get3A_133 = arith.constant 14 : i32
      %get3A_134 = arith.index_cast %get3A_133 : i32 to index
      %get3A_135 = arith.index_cast %mul3A_50 : i32 to index
      %get3A_136 = tpu.vector_load %arg4[%get3A_134, %get3A_135] {strides = array<i32>} : memref<64x1024xf32, #tpu.memory_space<vmem>>, vector<1x16xf32>,
      %get3A_137 = vector.shape_cast %get3A_136 : vector<1x16xf32> to vector<16xf32>
      %add3A_138 = arith.addf %add3A_132, %get3A_137 : vector<16xf32>
      %get3A_139 = arith.constant 15 : i32
      %get3A_140 = arith.index_cast %get3A_139 : i32 to index
      %get3A_141 = arith.index_cast %mul3A_50 : i32 to index
      %get3A_142 = tpu.vector_load %arg4[%get3A_140, %get3A_141] {strides = array<i32>} : memref<64x1024xf32, #tpu.memory_space<vmem>>, vector<1x16xf32>,
      %get3A_143 = vector.shape_cast %get3A_142 : vector<1x16xf32> to vector<16xf32>
      %add3A_144 = arith.addf %add3A_138, %get3A_143 : vector<16xf32>
      %get3A_145 = arith.constant 16 : i32
      %get3A_146 = arith.index_cast %get3A_145 : i32 to index
      %get3A_147 = arith.index_cast %mul3A_50 : i32 to index
      %get3A_148 = tpu.vector_load %arg4[%get3A_146, %get3A_147] {strides = array<i32>} : memref<64x1024xf32, #tpu.memory_space<vmem>>, vector<1x16xf32>,
      %get3A_149 = vector.shape_cast %get3A_148 : vector<1x16xf32> to vector<16xf32>
      %add3A_150 = arith.addf %add3A_144, %get3A_149 : vector<16xf32>
      %get3A_151 = arith.constant 17 : i32
      %get3A_152 = arith.index_cast %get3A_151 : i32 to index
      %get3A_153 = arith.index_cast %mul3A_50 : i32 to index
      %get3A_154 = tpu.vector_load %arg4[%get3A_152, %get3A_153] {strides = array<i32>} : memref<64x1024xf32, #tpu.memory_space<vmem>>, vector<1x16xf32>,
      %get3A_155 = vector.shape_cast %get3A_154 : vector<1x16xf32> to vector<16xf32>
      %add3A_156 = arith.addf %add3A_150, %get3A_155 : vector<16xf32>
      %get3A_157 = arith.constant 18 : i32
      %get3A_158 = arith.index_cast %get3A_157 : i32 to index
      %get3A_159 = arith.index_cast %mul3A_50 : i32 to index
      %get3A_160 = tpu.vector_load %arg4[%get3A_158, %get3A_159] {strides = array<i32>} : memref<64x1024xf32, #tpu.memory_space<vmem>>, vector<1x16xf32>,
      %get3A_161 = vector.shape_cast %get3A_160 : vector<1x16xf32> to vector<16xf32>
      %add3A_162 = arith.addf %add3A_156, %get3A_161 : vector<16xf32>
      %get3A_163 = arith.constant 19 : i32
      %get3A_164 = arith.index_cast %get3A_163 : i32 to index
      %get3A_165 = arith.index_cast %mul3A_50 : i32 to index
      %get3A_166 = tpu.vector_load %arg4[%get3A_164, %get3A_165] {strides = array<i32>} : memref<64x1024xf32, #tpu.memory_space<vmem>>, vector<1x16xf32>,
      %get3A_167 = vector.shape_cast %get3A_166 : vector<1x16xf32> to vector<16xf32>
      %add3A_168 = arith.addf %add3A_162, %get3A_167 : vector<16xf32>
      %get3A_169 = arith.constant 20 : i32
      %get3A_170 = arith.index_cast %get3A_169 : i32 to index
      %get3A_171 = arith.index_cast %mul3A_50 : i32 to index
      %get3A_172 = tpu.vector_load %arg4[%get3A_170, %get3A_171] {strides = array<i32>} : memref<64x1024xf32, #tpu.memory_space<vmem>>, vector<1x16xf32>,
      %get3A_173 = vector.shape_cast %get3A_172 : vector<1x16xf32> to vector<16xf32>
      %add3A_174 = arith.addf %add3A_168, %get3A_173 : vector<16xf32>
      %get3A_175 = arith.constant 21 : i32
      %get3A_176 = arith.index_cast %get3A_175 : i32 to index
      %get3A_177 = arith.index_cast %mul3A_50 : i32 to index
      %get3A_178 = tpu.vector_load %arg4[%get3A_176, %get3A_177] {strides = array<i32>} : memref<64x1024xf32, #tpu.memory_space<vmem>>, vector<1x16xf32>,
      %get3A_179 = vector.shape_cast %get3A_178 : vector<1x16xf32> to vector<16xf32>
      %add3A_180 = arith.addf %add3A_174, %get3A_179 : vector<16xf32>
      %get3A_181 = arith.constant 22 : i32
      %get3A_182 = arith.index_cast %get3A_181 : i32 to index
      %get3A_183 = arith.index_cast %mul3A_50 : i32 to index
      %get3A_184 = tpu.vector_load %arg4[%get3A_182, %get3A_183] {strides = array<i32>} : memref<64x1024xf32, #tpu.memory_space<vmem>>, vector<1x16xf32>,
      %get3A_185 = vector.shape_cast %get3A_184 : vector<1x16xf32> to vector<16xf32>
      %add3A_186 = arith.addf %add3A_180, %get3A_185 : vector<16xf32>
      %get3A_187 = arith.constant 23 : i32
      %get3A_188 = arith.index_cast %get3A_187 : i32 to index
      %get3A_189 = arith.index_cast %mul3A_50 : i32 to index
      %get3A_190 = tpu.vector_load %arg4[%get3A_188, %get3A_189] {strides = array<i32>} : memref<64x1024xf32, #tpu.memory_space<vmem>>, vector<1x16xf32>,
      %get3A_191 = vector.shape_cast %get3A_190 : vector<1x16xf32> to vector<16xf32>
      %add3A_192 = arith.addf %add3A_186, %get3A_191 : vector<16xf32>
      %get3A_193 = arith.constant 24 : i32
      %get3A_194 = arith.index_cast %get3A_193 : i32 to index
      %get3A_195 = arith.index_cast %mul3A_50 : i32 to index
      %get3A_196 = tpu.vector_load %arg4[%get3A_194, %get3A_195] {strides = array<i32>} : memref<64x1024xf32, #tpu.memory_space<vmem>>, vector<1x16xf32>,
      %get3A_197 = vector.shape_cast %get3A_196 : vector<1x16xf32> to vector<16xf32>
      %add3A_198 = arith.addf %add3A_192, %get3A_197 : vector<16xf32>
      %get3A_199 = arith.constant 25 : i32
      %get3A_200 = arith.index_cast %get3A_199 : i32 to index
      %get3A_201 = arith.index_cast %mul3A_50 : i32 to index
      %get3A_202 = tpu.vector_load %arg4[%get3A_200, %get3A_201] {strides = array<i32>} : memref<64x1024xf32, #tpu.memory_space<vmem>>, vector<1x16xf32>,
      %get3A_203 = vector.shape_cast %get3A_202 : vector<1x16xf32> to vector<16xf32>
      %add3A_204 = arith.addf %add3A_198, %get3A_203 : vector<16xf32>
      %get3A_205 = arith.constant 26 : i32
      %get3A_206 = arith.index_cast %get3A_205 : i32 to index
      %get3A_207 = arith.index_cast %mul3A_50 : i32 to index
      %get3A_208 = tpu.vector_load %arg4[%get3A_206, %get3A_207] {strides = array<i32>} : memref<64x1024xf32, #tpu.memory_space<vmem>>, vector<1x16xf32>,
      %get3A_209 = vector.shape_cast %get3A_208 : vector<1x16xf32> to vector<16xf32>
      %add3A_210 = arith.addf %add3A_204, %get3A_209 : vector<16xf32>
      %get3A_211 = arith.constant 27 : i32
      %get3A_212 = arith.index_cast %get3A_211 : i32 to index
      %get3A_213 = arith.index_cast %mul3A_50 : i32 to index
      %get3A_214 = tpu.vector_load %arg4[%get3A_212, %get3A_213] {strides = array<i32>} : memref<64x1024xf32, #tpu.memory_space<vmem>>, vector<1x16xf32>,
      %get3A_215 = vector.shape_cast %get3A_214 : vector<1x16xf32> to vector<16xf32>
      %add3A_216 = arith.addf %add3A_210, %get3A_215 : vector<16xf32>
      %get3A_217 = arith.constant 28 : i32
      %get3A_218 = arith.index_cast %get3A_217 : i32 to index
      %get3A_219 = arith.index_cast %mul3A_50 : i32 to index
      %get3A_220 = tpu.vector_load %arg4[%get3A_218, %get3A_219] {strides = array<i32>} : memref<64x1024xf32, #tpu.memory_space<vmem>>, vector<1x16xf32>,
      %get3A_221 = vector.shape_cast %get3A_220 : vector<1x16xf32> to vector<16xf32>
      %add3A_222 = arith.addf %add3A_216, %get3A_221 : vector<16xf32>
      %get3A_223 = arith.constant 29 : i32
      %get3A_224 = arith.index_cast %get3A_223 : i32 to index
      %get3A_225 = arith.index_cast %mul3A_50 : i32 to index
      %get3A_226 = tpu.vector_load %arg4[%get3A_224, %get3A_225] {strides = array<i32>} : memref<64x1024xf32, #tpu.memory_space<vmem>>, vector<1x16xf32>,
      %get3A_227 = vector.shape_cast %get3A_226 : vector<1x16xf32> to vector<16xf32>
      %add3A_228 = arith.addf %add3A_222, %get3A_227 : vector<16xf32>
      %get3A_229 = arith.constant 30 : i32
      %get3A_230 = arith.index_cast %get3A_229 : i32 to index
      %get3A_231 = arith.index_cast %mul3A_50 : i32 to index
      %get3A_232 = tpu.vector_load %arg4[%get3A_230, %get3A_231] {strides = array<i32>} : memref<64x1024xf32, #tpu.memory_space<vmem>>, vector<1x16xf32>,
      %get3A_233 = vector.shape_cast %get3A_232 : vector<1x16xf32> to vector<16xf32>
      %add3A_234 = arith.addf %add3A_228, %get3A_233 : vector<16xf32>
      %get3A_235 = arith.constant 31 : i32
      %get3A_236 = arith.index_cast %get3A_235 : i32 to index
      %get3A_237 = arith.index_cast %mul3A_50 : i32 to index
      %get3A_238 = tpu.vector_load %arg4[%get3A_236, %get3A_237] {strides = array<i32>} : memref<64x1024xf32, #tpu.memory_space<vmem>>, vector<1x16xf32>,
      %get3A_239 = vector.shape_cast %get3A_238 : vector<1x16xf32> to vector<16xf32>
      %add3A_240 = arith.addf %add3A_234, %get3A_239 : vector<16xf32>
      %get3A_241 = arith.constant 32 : i32
      %get3A_242 = arith.index_cast %get3A_241 : i32 to index
      %get3A_243 = arith.index_cast %mul3A_50 : i32 to index
      %get3A_244 = tpu.vector_load %arg4[%get3A_242, %get3A_243] {strides = array<i32>} : memref<64x1024xf32, #tpu.memory_space<vmem>>, vector<1x16xf32>,
      %get3A_245 = vector.shape_cast %get3A_244 : vector<1x16xf32> to vector<16xf32>
      %add3A_246 = arith.addf %add3A_240, %get3A_245 : vector<16xf32>
      %get3A_247 = arith.constant 33 : i32
      %get3A_248 = arith.index_cast %get3A_247 : i32 to index
      %get3A_249 = arith.index_cast %mul3A_50 : i32 to index
      %get3A_250 = tpu.vector_load %arg4[%get3A_248, %get3A_249] {strides = array<i32>} : memref<64x1024xf32, #tpu.memory_space<vmem>>, vector<1x16xf32>,
      %get3A_251 = vector.shape_cast %get3A_250 : vector<1x16xf32> to vector<16xf32>
      %add3A_252 = arith.addf %add3A_246, %get3A_251 : vector<16xf32>
      %get3A_253 = arith.constant 34 : i32
      %get3A_254 = arith.index_cast %get3A_253 : i32 to index
      %get3A_255 = arith.index_cast %mul3A_50 : i32 to index
      %get3A_256 = tpu.vector_load %arg4[%get3A_254, %get3A_255] {strides = array<i32>} : memref<64x1024xf32, #tpu.memory_space<vmem>>, vector<1x16xf32>,
      %get3A_257 = vector.shape_cast %get3A_256 : vector<1x16xf32> to vector<16xf32>
      %add3A_258 = arith.addf %add3A_252, %get3A_257 : vector<16xf32>
      %get3A_259 = arith.constant 35 : i32
      %get3A_260 = arith.index_cast %get3A_259 : i32 to index
      %get3A_261 = arith.index_cast %mul3A_50 : i32 to index
      %get3A_262 = tpu.vector_load %arg4[%get3A_260, %get3A_261] {strides = array<i32>} : memref<64x1024xf32, #tpu.memory_space<vmem>>, vector<1x16xf32>,
      %get3A_263 = vector.shape_cast %get3A_262 : vector<1x16xf32> to vector<16xf32>
      %add3A_264 = arith.addf %add3A_258, %get3A_263 : vector<16xf32>
      %get3A_265 = arith.constant 36 : i32
      %get3A_266 = arith.index_cast %get3A_265 : i32 to index
      %get3A_267 = arith.index_cast %mul3A_50 : i32 to index
      %get3A_268 = tpu.vector_load %arg4[%get3A_266, %get3A_267] {strides = array<i32>} : memref<64x1024xf32, #tpu.memory_space<vmem>>, vector<1x16xf32>,
      %get3A_269 = vector.shape_cast %get3A_268 : vector<1x16xf32> to vector<16xf32>
      %add3A_270 = arith.addf %add3A_264, %get3A_269 : vector<16xf32>
      %get3A_271 = arith.constant 37 : i32
      %get3A_272 = arith.index_cast %get3A_271 : i32 to index
      %get3A_273 = arith.index_cast %mul3A_50 : i32 to index
      %get3A_274 = tpu.vector_load %arg4[%get3A_272, %get3A_273] {strides = array<i32>} : memref<64x1024xf32, #tpu.memory_space<vmem>>, vector<1x16xf32>,
      %get3A_275 = vector.shape_cast %get3A_274 : vector<1x16xf32> to vector<16xf32>
      %add3A_276 = arith.addf %add3A_270, %get3A_275 : vector<16xf32>
      %get3A_277 = arith.constant 38 : i32
      %get3A_278 = arith.index_cast %get3A_277 : i32 to index
      %get3A_279 = arith.index_cast %mul3A_50 : i32 to index
      %get3A_280 = tpu.vector_load %arg4[%get3A_278, %get3A_279] {strides = array<i32>} : memref<64x1024xf32, #tpu.memory_space<vmem>>, vector<1x16xf32>,
      %get3A_281 = vector.shape_cast %get3A_280 : vector<1x16xf32> to vector<16xf32>
      %add3A_282 = arith.addf %add3A_276, %get3A_281 : vector<16xf32>
      %get3A_283 = arith.constant 39 : i32
      %get3A_284 = arith.index_cast %get3A_283 : i32 to index
      %get3A_285 = arith.index_cast %mul3A_50 : i32 to index
      %get3A_286 = tpu.vector_load %arg4[%get3A_284, %get3A_285] {strides = array<i32>} : memref<64x1024xf32, #tpu.memory_space<vmem>>, vector<1x16xf32>,
      %get3A_287 = vector.shape_cast %get3A_286 : vector<1x16xf32> to vector<16xf32>
      %add3A_288 = arith.addf %add3A_282, %get3A_287 : vector<16xf32>
      %get3A_289 = arith.constant 40 : i32
      %get3A_290 = arith.index_cast %get3A_289 : i32 to index
      %get3A_291 = arith.index_cast %mul3A_50 : i32 to index
      %get3A_292 = tpu.vector_load %arg4[%get3A_290, %get3A_291] {strides = array<i32>} : memref<64x1024xf32, #tpu.memory_space<vmem>>, vector<1x16xf32>,
      %get3A_293 = vector.shape_cast %get3A_292 : vector<1x16xf32> to vector<16xf32>
      %add3A_294 = arith.addf %add3A_288, %get3A_293 : vector<16xf32>
      %get3A_295 = arith.constant 41 : i32
      %get3A_296 = arith.index_cast %get3A_295 : i32 to index
      %get3A_297 = arith.index_cast %mul3A_50 : i32 to index
      %get3A_298 = tpu.vector_load %arg4[%get3A_296, %get3A_297] {strides = array<i32>} : memref<64x1024xf32, #tpu.memory_space<vmem>>, vector<1x16xf32>,
      %get3A_299 = vector.shape_cast %get3A_298 : vector<1x16xf32> to vector<16xf32>
      %add3A_300 = arith.addf %add3A_294, %get3A_299 : vector<16xf32>
      %get3A_301 = arith.constant 42 : i32
      %get3A_302 = arith.index_cast %get3A_301 : i32 to index
      %get3A_303 = arith.index_cast %mul3A_50 : i32 to index
      %get3A_304 = tpu.vector_load %arg4[%get3A_302, %get3A_303] {strides = array<i32>} : memref<64x1024xf32, #tpu.memory_space<vmem>>, vector<1x16xf32>,
      %get3A_305 = vector.shape_cast %get3A_304 : vector<1x16xf32> to vector<16xf32>
      %add3A_306 = arith.addf %add3A_300, %get3A_305 : vector<16xf32>
      %get3A_307 = arith.constant 43 : i32
      %get3A_308 = arith.index_cast %get3A_307 : i32 to index
      %get3A_309 = arith.index_cast %mul3A_50 : i32 to index
      %get3A_310 = tpu.vector_load %arg4[%get3A_308, %get3A_309] {strides = array<i32>} : memref<64x1024xf32, #tpu.memory_space<vmem>>, vector<1x16xf32>,
      %get3A_311 = vector.shape_cast %get3A_310 : vector<1x16xf32> to vector<16xf32>
      %add3A_312 = arith.addf %add3A_306, %get3A_311 : vector<16xf32>
      %get3A_313 = arith.constant 44 : i32
      %get3A_314 = arith.index_cast %get3A_313 : i32 to index
      %get3A_315 = arith.index_cast %mul3A_50 : i32 to index
      %get3A_316 = tpu.vector_load %arg4[%get3A_314, %get3A_315] {strides = array<i32>} : memref<64x1024xf32, #tpu.memory_space<vmem>>, vector<1x16xf32>,
      %get3A_317 = vector.shape_cast %get3A_316 : vector<1x16xf32> to vector<16xf32>
      %add3A_318 = arith.addf %add3A_312, %get3A_317 : vector<16xf32>
      %get3A_319 = arith.constant 45 : i32
      %get3A_320 = arith.index_cast %get3A_319 : i32 to index
      %get3A_321 = arith.index_cast %mul3A_50 : i32 to index
      %get3A_322 = tpu.vector_load %arg4[%get3A_320, %get3A_321] {strides = array<i32>} : memref<64x1024xf32, #tpu.memory_space<vmem>>, vector<1x16xf32>,
      %get3A_323 = vector.shape_cast %get3A_322 : vector<1x16xf32> to vector<16xf32>
      %add3A_324 = arith.addf %add3A_318, %get3A_323 : vector<16xf32>
      %get3A_325 = arith.constant 46 : i32
      %get3A_326 = arith.index_cast %get3A_325 : i32 to index
      %get3A_327 = arith.index_cast %mul3A_50 : i32 to index
      %get3A_328 = tpu.vector_load %arg4[%get3A_326, %get3A_327] {strides = array<i32>} : memref<64x1024xf32, #tpu.memory_space<vmem>>, vector<1x16xf32>,
      %get3A_329 = vector.shape_cast %get3A_328 : vector<1x16xf32> to vector<16xf32>
      %add3A_330 = arith.addf %add3A_324, %get3A_329 : vector<16xf32>
      %get3A_331 = arith.constant 47 : i32
      %get3A_332 = arith.index_cast %get3A_331 : i32 to index
      %get3A_333 = arith.index_cast %mul3A_50 : i32 to index
      %get3A_334 = tpu.vector_load %arg4[%get3A_332, %get3A_333] {strides = array<i32>} : memref<64x1024xf32, #tpu.memory_space<vmem>>, vector<1x16xf32>,
      %get3A_335 = vector.shape_cast %get3A_334 : vector<1x16xf32> to vector<16xf32>
      %add3A_336 = arith.addf %add3A_330, %get3A_335 : vector<16xf32>
      %get3A_337 = arith.constant 48 : i32
      %get3A_338 = arith.index_cast %get3A_337 : i32 to index
      %get3A_339 = arith.index_cast %mul3A_50 : i32 to index
      %get3A_340 = tpu.vector_load %arg4[%get3A_338, %get3A_339] {strides = array<i32>} : memref<64x1024xf32, #tpu.memory_space<vmem>>, vector<1x16xf32>,
      %get3A_341 = vector.shape_cast %get3A_340 : vector<1x16xf32> to vector<16xf32>
      %add3A_342 = arith.addf %add3A_336, %get3A_341 : vector<16xf32>
      %get3A_343 = arith.constant 49 : i32
      %get3A_344 = arith.index_cast %get3A_343 : i32 to index
      %get3A_345 = arith.index_cast %mul3A_50 : i32 to index
      %get3A_346 = tpu.vector_load %arg4[%get3A_344, %get3A_345] {strides = array<i32>} : memref<64x1024xf32, #tpu.memory_space<vmem>>, vector<1x16xf32>,
      %get3A_347 = vector.shape_cast %get3A_346 : vector<1x16xf32> to vector<16xf32>
      %add3A_348 = arith.addf %add3A_342, %get3A_347 : vector<16xf32>
      %get3A_349 = arith.constant 50 : i32
      %get3A_350 = arith.index_cast %get3A_349 : i32 to index
      %get3A_351 = arith.index_cast %mul3A_50 : i32 to index
      %get3A_352 = tpu.vector_load %arg4[%get3A_350, %get3A_351] {strides = array<i32>} : memref<64x1024xf32, #tpu.memory_space<vmem>>, vector<1x16xf32>,
      %get3A_353 = vector.shape_cast %get3A_352 : vector<1x16xf32> to vector<16xf32>
      %add3A_354 = arith.addf %add3A_348, %get3A_353 : vector<16xf32>
      %get3A_355 = arith.constant 51 : i32
      %get3A_356 = arith.index_cast %get3A_355 : i32 to index
      %get3A_357 = arith.index_cast %mul3A_50 : i32 to index
      %get3A_358 = tpu.vector_load %arg4[%get3A_356, %get3A_357] {strides = array<i32>} : memref<64x1024xf32, #tpu.memory_space<vmem>>, vector<1x16xf32>,
      %get3A_359 = vector.shape_cast %get3A_358 : vector<1x16xf32> to vector<16xf32>
      %add3A_360 = arith.addf %add3A_354, %get3A_359 : vector<16xf32>
      %get3A_361 = arith.constant 52 : i32
      %get3A_362 = arith.index_cast %get3A_361 : i32 to index
      %get3A_363 = arith.index_cast %mul3A_50 : i32 to index
      %get3A_364 = tpu.vector_load %arg4[%get3A_362, %get3A_363] {strides = array<i32>} : memref<64x1024xf32, #tpu.memory_space<vmem>>, vector<1x16xf32>,
      %get3A_365 = vector.shape_cast %get3A_364 : vector<1x16xf32> to vector<16xf32>
      %add3A_366 = arith.addf %add3A_360, %get3A_365 : vector<16xf32>
      %get3A_367 = arith.constant 53 : i32
      %get3A_368 = arith.index_cast %get3A_367 : i32 to index
      %get3A_369 = arith.index_cast %mul3A_50 : i32 to index
      %get3A_370 = tpu.vector_load %arg4[%get3A_368, %get3A_369] {strides = array<i32>} : memref<64x1024xf32, #tpu.memory_space<vmem>>, vector<1x16xf32>,
      %get3A_371 = vector.shape_cast %get3A_370 : vector<1x16xf32> to vector<16xf32>
      %add3A_372 = arith.addf %add3A_366, %get3A_371 : vector<16xf32>
      %get3A_373 = arith.constant 54 : i32
      %get3A_374 = arith.index_cast %get3A_373 : i32 to index
      %get3A_375 = arith.index_cast %mul3A_50 : i32 to index
      %get3A_376 = tpu.vector_load %arg4[%get3A_374, %get3A_375] {strides = array<i32>} : memref<64x1024xf32, #tpu.memory_space<vmem>>, vector<1x16xf32>,
      %get3A_377 = vector.shape_cast %get3A_376 : vector<1x16xf32> to vector<16xf32>
      %add3A_378 = arith.addf %add3A_372, %get3A_377 : vector<16xf32>
      %get3A_379 = arith.constant 55 : i32
      %get3A_380 = arith.index_cast %get3A_379 : i32 to index
      %get3A_381 = arith.index_cast %mul3A_50 : i32 to index
      %get3A_382 = tpu.vector_load %arg4[%get3A_380, %get3A_381] {strides = array<i32>} : memref<64x1024xf32, #tpu.memory_space<vmem>>, vector<1x16xf32>,
      %get3A_383 = vector.shape_cast %get3A_382 : vector<1x16xf32> to vector<16xf32>
      %add3A_384 = arith.addf %add3A_378, %get3A_383 : vector<16xf32>
      %get3A_385 = arith.constant 56 : i32
      %get3A_386 = arith.index_cast %get3A_385 : i32 to index
      %get3A_387 = arith.index_cast %mul3A_50 : i32 to index
      %get3A_388 = tpu.vector_load %arg4[%get3A_386, %get3A_387] {strides = array<i32>} : memref<64x1024xf32, #tpu.memory_space<vmem>>, vector<1x16xf32>,
      %get3A_389 = vector.shape_cast %get3A_388 : vector<1x16xf32> to vector<16xf32>
      %add3A_390 = arith.addf %add3A_384, %get3A_389 : vector<16xf32>
      %get3A_391 = arith.constant 57 : i32
      %get3A_392 = arith.index_cast %get3A_391 : i32 to index
      %get3A_393 = arith.index_cast %mul3A_50 : i32 to index
      %get3A_394 = tpu.vector_load %arg4[%get3A_392, %get3A_393] {strides = array<i32>} : memref<64x1024xf32, #tpu.memory_space<vmem>>, vector<1x16xf32>,
      %get3A_395 = vector.shape_cast %get3A_394 : vector<1x16xf32> to vector<16xf32>
      %add3A_396 = arith.addf %add3A_390, %get3A_395 : vector<16xf32>
      %get3A_397 = arith.constant 58 : i32
      %get3A_398 = arith.index_cast %get3A_397 : i32 to index
      %get3A_399 = arith.index_cast %mul3A_50 : i32 to index
      %get3A_400 = tpu.vector_load %arg4[%get3A_398, %get3A_399] {strides = array<i32>} : memref<64x1024xf32, #tpu.memory_space<vmem>>, vector<1x16xf32>,
      %get3A_401 = vector.shape_cast %get3A_400 : vector<1x16xf32> to vector<16xf32>
      %add3A_402 = arith.addf %add3A_396, %get3A_401 : vector<16xf32>
      %get3A_403 = arith.constant 59 : i32
      %get3A_404 = arith.index_cast %get3A_403 : i32 to index
      %get3A_405 = arith.index_cast %mul3A_50 : i32 to index
      %get3A_406 = tpu.vector_load %arg4[%get3A_404, %get3A_405] {strides = array<i32>} : memref<64x1024xf32, #tpu.memory_space<vmem>>, vector<1x16xf32>,
      %get3A_407 = vector.shape_cast %get3A_406 : vector<1x16xf32> to vector<16xf32>
      %add3A_408 = arith.addf %add3A_402, %get3A_407 : vector<16xf32>
      %get3A_409 = arith.constant 60 : i32
      %get3A_410 = arith.index_cast %get3A_409 : i32 to index
      %get3A_411 = arith.index_cast %mul3A_50 : i32 to index
      %get3A_412 = tpu.vector_load %arg4[%get3A_410, %get3A_411] {strides = array<i32>} : memref<64x1024xf32, #tpu.memory_space<vmem>>, vector<1x16xf32>,
      %get3A_413 = vector.shape_cast %get3A_412 : vector<1x16xf32> to vector<16xf32>
      %add3A_414 = arith.addf %add3A_408, %get3A_413 : vector<16xf32>
      %get3A_415 = arith.constant 61 : i32
      %get3A_416 = arith.index_cast %get3A_415 : i32 to index
      %get3A_417 = arith.index_cast %mul3A_50 : i32 to index
      %get3A_418 = tpu.vector_load %arg4[%get3A_416, %get3A_417] {strides = array<i32>} : memref<64x1024xf32, #tpu.memory_space<vmem>>, vector<1x16xf32>,
      %get3A_419 = vector.shape_cast %get3A_418 : vector<1x16xf32> to vector<16xf32>
      %add3A_420 = arith.addf %add3A_414, %get3A_419 : vector<16xf32>
      %get3A_421 = arith.constant 62 : i32
      %get3A_422 = arith.index_cast %get3A_421 : i32 to index
      %get3A_423 = arith.index_cast %mul3A_50 : i32 to index
      %get3A_424 = tpu.vector_load %arg4[%get3A_422, %get3A_423] {strides = array<i32>} : memref<64x1024xf32, #tpu.memory_space<vmem>>, vector<1x16xf32>,
      %get3A_425 = vector.shape_cast %get3A_424 : vector<1x16xf32> to vector<16xf32>
      %add3A_426 = arith.addf %add3A_420, %get3A_425 : vector<16xf32>
      %get3A_427 = arith.constant 63 : i32
      %get3A_428 = arith.index_cast %get3A_427 : i32 to index
      %get3A_429 = arith.index_cast %mul3A_50 : i32 to index
      %get3A_430 = tpu.vector_load %arg4[%get3A_428, %get3A_429] {strides = array<i32>} : memref<64x1024xf32, #tpu.memory_space<vmem>>, vector<1x16xf32>,
      %get3A_431 = vector.shape_cast %get3A_430 : vector<1x16xf32> to vector<16xf32>
      %add3A_432 = arith.addf %add3A_426, %get3A_431 : vector<16xf32>
      %sub3A = arith.constant 9.99999974E-6 : f32
      %sub3A_433 = vector.broadcast %sub3A : f32 to vector<16xf32>
      %sub3A_434 = arith.subf %sub3A_433, %add3A_432 : vector<16xf32>
      %max3A = arith.constant 0.000000e+00 : f32
      %max3A_435 = vector.broadcast %max3A : f32 to vector<16xf32>
      %max3A_436 = arith.maximumf %sub3A_434, %max3A_435 : vector<16xf32>
      %add3A_437 = arith.addf %add3A_432, %max3A_436 : vector<16xf32>
      %div3A = arith.constant 1.000000e+00 : f32
      %div3A_438 = vector.broadcast %div3A : f32 to vector<16xf32>
      %div3A_439 = arith.divf %div3A_438, %add3A_437 : vector<16xf32>
      %mul3A_440 = arith.constant 1.562500e-02 : f32
      %mul3A_441 = vector.broadcast %mul3A_440 : f32 to vector<16xf32>
      %mul3A_442 = arith.mulf %max3A_436, %mul3A_441 : vector<16xf32>
      %get3A_443 = arith.constant 0 : i32
      %get3A_444 = arith.index_cast %get3A_443 : i32 to index
      %get3A_445 = arith.index_cast %mul3A_50 : i32 to index
      %get3A_446 = tpu.vector_load %arg4[%get3A_444, %get3A_445] {strides = array<i32>} : memref<64x1024xf32, #tpu.memory_space<vmem>>, vector<1x16xf32>,
      %get3A_447 = vector.shape_cast %get3A_446 : vector<1x16xf32> to vector<16xf32>
      %add3A_448 = arith.addf %get3A_447, %mul3A_442 : vector<16xf32>
      %mul3A_449 = arith.mulf %add3A_448, %div3A_439 : vector<16xf32>
      %swap3A = arith.constant 0 : i32
      %swap3A_450 = arith.index_cast %swap3A : i32 to index
      %swap3A_451 = arith.index_cast %mul3A_50 : i32 to index
      %swap3A_452 = tpu.vector_load %arg4[%swap3A_450, %swap3A_451] {strides = array<i32>} : memref<64x1024xf32, #tpu.memory_space<vmem>>, vector<1x16xf32>,
      %swap3A_453 = vector.shape_cast %swap3A_452 : vector<1x16xf32> to vector<16xf32>
      %swap3A_454 = vector.shape_cast %mul3A_449 : vector<16xf32> to vector<1x16xf32>
      tpu.vector_store %arg4[%swap3A_450, %swap3A_451], %swap3A_454 {strides = array<i32>} : memref<64x1024xf32, #tpu.memory_space<vmem>>, vector<1x16xf32>,
      %get3A_455 = arith.constant 1 : i32
      %get3A_456 = arith.index_cast %get3A_455 : i32 to index
      %get3A_457 = arith.index_cast %mul3A_50 : i32 to index
      %get3A_458 = tpu.vector_load %arg4[%get3A_456, %get3A_457] {strides = array<i32>} : memref<64x1024xf32, #tpu.memory_space<vmem>>, vector<1x16xf32>,
      %get3A_459 = vector.shape_cast %get3A_458 : vector<1x16xf32> to vector<16xf32>
      %add3A_460 = arith.addf %get3A_459, %mul3A_442 : vector<16xf32>
      %mul3A_461 = arith.mulf %add3A_460, %div3A_439 : vector<16xf32>
      %swap3A_462 = arith.constant 1 : i32
      %swap3A_463 = arith.index_cast %swap3A_462 : i32 to index
      %swap3A_464 = arith.index_cast %mul3A_50 : i32 to index
      %swap3A_465 = tpu.vector_load %arg4[%swap3A_463, %swap3A_464] {strides = array<i32>} : memref<64x1024xf32, #tpu.memory_space<vmem>>, vector<1x16xf32>,
      %swap3A_466 = vector.shape_cast %swap3A_465 : vector<1x16xf32> to vector<16xf32>
      %swap3A_467 = vector.shape_cast %mul3A_461 : vector<16xf32> to vector<1x16xf32>
      tpu.vector_store %arg4[%swap3A_463, %swap3A_464], %swap3A_467 {strides = array<i32>} : memref<64x1024xf32, #tpu.memory_space<vmem>>, vector<1x16xf32>,
      %get3A_468 = arith.constant 2 : i32
      %get3A_469 = arith.index_cast %get3A_468 : i32 to index
      %get3A_470 = arith.index_cast %mul3A_50 : i32 to index
      %get3A_471 = tpu.vector_load %arg4[%get3A_469, %get3A_470] {strides = array<i32>} : memref<64x1024xf32, #tpu.memory_space<vmem>>, vector<1x16xf32>,
      %get3A_472 = vector.shape_cast %get3A_471 : vector<1x16xf32> to vector<16xf32>
      %add3A_473 = arith.addf %get3A_472, %mul3A_442 : vector<16xf32>
      %mul3A_474 = arith.mulf %add3A_473, %div3A_439 : vector<16xf32>
      %swap3A_475 = arith.constant 2 : i32
      %swap3A_476 = arith.index_cast %swap3A_475 : i32 to index
      %swap3A_477 = arith.index_cast %mul3A_50 : i32 to index
      %swap3A_478 = tpu.vector_load %arg4[%swap3A_476, %swap3A_477] {strides = array<i32>} : memref<64x1024xf32, #tpu.memory_space<vmem>>, vector<1x16xf32>,
      %swap3A_479 = vector.shape_cast %swap3A_478 : vector<1x16xf32> to vector<16xf32>
      %swap3A_480 = vector.shape_cast %mul3A_474 : vector<16xf32> to vector<1x16xf32>
      tpu.vector_store %arg4[%swap3A_476, %swap3A_477], %swap3A_480 {strides = array<i32>} : memref<64x1024xf32, #tpu.memory_space<vmem>>, vector<1x16xf32>,
      %get3A_481 = arith.constant 3 : i32
      %get3A_482 = arith.index_cast %get3A_481 : i32 to index
      %get3A_483 = arith.index_cast %mul3A_50 : i32 to index
      %get3A_484 = tpu.vector_load %arg4[%get3A_482, %get3A_483] {strides = array<i32>} : memref<64x1024xf32, #tpu.memory_space<vmem>>, vector<1x16xf32>,
      %get3A_485 = vector.shape_cast %get3A_484 : vector<1x16xf32> to vector<16xf32>
      %add3A_486 = arith.addf %get3A_485, %mul3A_442 : vector<16xf32>
      %mul3A_487 = arith.mulf %add3A_486, %div3A_439 : vector<16xf32>
      %swap3A_488 = arith.constant 3 : i32
      %swap3A_489 = arith.index_cast %swap3A_488 : i32 to index
      %swap3A_490 = arith.index_cast %mul3A_50 : i32 to index
      %swap3A_491 = tpu.vector_load %arg4[%swap3A_489, %swap3A_490] {strides = array<i32>} : memref<64x1024xf32, #tpu.memory_space<vmem>>, vector<1x16xf32>,
      %swap3A_492 = vector.shape_cast %swap3A_491 : vector<1x16xf32> to vector<16xf32>
      %swap3A_493 = vector.shape_cast %mul3A_487 : vector<16xf32> to vector<1x16xf32>
      tpu.vector_store %arg4[%swap3A_489, %swap3A_490], %swap3A_493 {strides = array<i32>} : memref<64x1024xf32, #tpu.memory_space<vmem>>, vector<1x16xf32>,
      %get3A_494 = arith.constant 4 : i32
      %get3A_495 = arith.index_cast %get3A_494 : i32 to index
      %get3A_496 = arith.index_cast %mul3A_50 : i32 to index
      %get3A_497 = tpu.vector_load %arg4[%get3A_495, %get3A_496] {strides = array<i32>} : memref<64x1024xf32, #tpu.memory_space<vmem>>, vector<1x16xf32>,
      %get3A_498 = vector.shape_cast %get3A_497 : vector<1x16xf32> to vector<16xf32>
      %add3A_499 = arith.addf %get3A_498, %mul3A_442 : vector<16xf32>
      %mul3A_500 = arith.mulf %add3A_499, %div3A_439 : vector<16xf32>
      %swap3A_501 = arith.constant 4 : i32
      %swap3A_502 = arith.index_cast %swap3A_501 : i32 to index
      %swap3A_503 = arith.index_cast %mul3A_50 : i32 to index
      %swap3A_504 = tpu.vector_load %arg4[%swap3A_502, %swap3A_503] {strides = array<i32>} : memref<64x1024xf32, #tpu.memory_space<vmem>>, vector<1x16xf32>,
      %swap3A_505 = vector.shape_cast %swap3A_504 : vector<1x16xf32> to vector<16xf32>
      %swap3A_506 = vector.shape_cast %mul3A_500 : vector<16xf32> to vector<1x16xf32>
      tpu.vector_store %arg4[%swap3A_502, %swap3A_503], %swap3A_506 {strides = array<i32>} : memref<64x1024xf32, #tpu.memory_space<vmem>>, vector<1x16xf32>,
      %get3A_507 = arith.constant 5 : i32
      %get3A_508 = arith.index_cast %get3A_507 : i32 to index
      %get3A_509 = arith.index_cast %mul3A_50 : i32 to index
      %get3A_510 = tpu.vector_load %arg4[%get3A_508, %get3A_509] {strides = array<i32>} : memref<64x1024xf32, #tpu.memory_space<vmem>>, vector<1x16xf32>,
      %get3A_511 = vector.shape_cast %get3A_510 : vector<1x16xf32> to vector<16xf32>
      %add3A_512 = arith.addf %get3A_511, %mul3A_442 : vector<16xf32>
      %mul3A_513 = arith.mulf %add3A_512, %div3A_439 : vector<16xf32>
      %swap3A_514 = arith.constant 5 : i32
      %swap3A_515 = arith.index_cast %swap3A_514 : i32 to index
      %swap3A_516 = arith.index_cast %mul3A_50 : i32 to index
      %swap3A_517 = tpu.vector_load %arg4[%swap3A_515, %swap3A_516] {strides = array<i32>} : memref<64x1024xf32, #tpu.memory_space<vmem>>, vector<1x16xf32>,
      %swap3A_518 = vector.shape_cast %swap3A_517 : vector<1x16xf32> to vector<16xf32>
      %swap3A_519 = vector.shape_cast %mul3A_513 : vector<16xf32> to vector<1x16xf32>
      tpu.vector_store %arg4[%swap3A_515, %swap3A_516], %swap3A_519 {strides = array<i32>} : memref<64x1024xf32, #tpu.memory_space<vmem>>, vector<1x16xf32>,
      %get3A_520 = arith.constant 6 : i32
      %get3A_521 = arith.index_cast %get3A_520 : i32 to index
      %get3A_522 = arith.index_cast %mul3A_50 : i32 to index
      %get3A_523 = tpu.vector_load %arg4[%get3A_521, %get3A_522] {strides = array<i32>} : memref<64x1024xf32, #tpu.memory_space<vmem>>, vector<1x16xf32>,
      %get3A_524 = vector.shape_cast %get3A_523 : vector<1x16xf32> to vector<16xf32>
      %add3A_525 = arith.addf %get3A_524, %mul3A_442 : vector<16xf32>
      %mul3A_526 = arith.mulf %add3A_525, %div3A_439 : vector<16xf32>
      %swap3A_527 = arith.constant 6 : i32
      %swap3A_528 = arith.index_cast %swap3A_527 : i32 to index
      %swap3A_529 = arith.index_cast %mul3A_50 : i32 to index
      %swap3A_530 = tpu.vector_load %arg4[%swap3A_528, %swap3A_529] {strides = array<i32>} : memref<64x1024xf32, #tpu.memory_space<vmem>>, vector<1x16xf32>,
      %swap3A_531 = vector.shape_cast %swap3A_530 : vector<1x16xf32> to vector<16xf32>
      %swap3A_532 = vector.shape_cast %mul3A_526 : vector<16xf32> to vector<1x16xf32>
      tpu.vector_store %arg4[%swap3A_528, %swap3A_529], %swap3A_532 {strides = array<i32>} : memref<64x1024xf32, #tpu.memory_space<vmem>>, vector<1x16xf32>,
      %get3A_533 = arith.constant 7 : i32
      %get3A_534 = arith.index_cast %get3A_533 : i32 to index
      %get3A_535 = arith.index_cast %mul3A_50 : i32 to index
      %get3A_536 = tpu.vector_load %arg4[%get3A_534, %get3A_535] {strides = array<i32>} : memref<64x1024xf32, #tpu.memory_space<vmem>>, vector<1x16xf32>,
      %get3A_537 = vector.shape_cast %get3A_536 : vector<1x16xf32> to vector<16xf32>
      %add3A_538 = arith.addf %get3A_537, %mul3A_442 : vector<16xf32>
      %mul3A_539 = arith.mulf %add3A_538, %div3A_439 : vector<16xf32>
      %swap3A_540 = arith.constant 7 : i32
      %swap3A_541 = arith.index_cast %swap3A_540 : i32 to index
      %swap3A_542 = arith.index_cast %mul3A_50 : i32 to index
      %swap3A_543 = tpu.vector_load %arg4[%swap3A_541, %swap3A_542] {strides = array<i32>} : memref<64x1024xf32, #tpu.memory_space<vmem>>, vector<1x16xf32>,
      %swap3A_544 = vector.shape_cast %swap3A_543 : vector<1x16xf32> to vector<16xf32>
      %swap3A_545 = vector.shape_cast %mul3A_539 : vector<16xf32> to vector<1x16xf32>
      tpu.vector_store %arg4[%swap3A_541, %swap3A_542], %swap3A_545 {strides = array<i32>} : memref<64x1024xf32, #tpu.memory_space<vmem>>, vector<1x16xf32>,
      %get3A_546 = arith.constant 8 : i32
      %get3A_547 = arith.index_cast %get3A_546 : i32 to index
      %get3A_548 = arith.index_cast %mul3A_50 : i32 to index
      %get3A_549 = tpu.vector_load %arg4[%get3A_547, %get3A_548] {strides = array<i32>} : memref<64x1024xf32, #tpu.memory_space<vmem>>, vector<1x16xf32>,
      %get3A_550 = vector.shape_cast %get3A_549 : vector<1x16xf32> to vector<16xf32>
      %add3A_551 = arith.addf %get3A_550, %mul3A_442 : vector<16xf32>
      %mul3A_552 = arith.mulf %add3A_551, %div3A_439 : vector<16xf32>
      %swap3A_553 = arith.constant 8 : i32
      %swap3A_554 = arith.index_cast %swap3A_553 : i32 to index
      %swap3A_555 = arith.index_cast %mul3A_50 : i32 to index
      %swap3A_556 = tpu.vector_load %arg4[%swap3A_554, %swap3A_555] {strides = array<i32>} : memref<64x1024xf32, #tpu.memory_space<vmem>>, vector<1x16xf32>,
      %swap3A_557 = vector.shape_cast %swap3A_556 : vector<1x16xf32> to vector<16xf32>
      %swap3A_558 = vector.shape_cast %mul3A_552 : vector<16xf32> to vector<1x16xf32>
      tpu.vector_store %arg4[%swap3A_554, %swap3A_555], %swap3A_558 {strides = array<i32>} : memref<64x1024xf32, #tpu.memory_space<vmem>>, vector<1x16xf32>,
      %get3A_559 = arith.constant 9 : i32
      %get3A_560 = arith.index_cast %get3A_559 : i32 to index
      %get3A_561 = arith.index_cast %mul3A_50 : i32 to index
      %get3A_562 = tpu.vector_load %arg4[%get3A_560, %get3A_561] {strides = array<i32>} : memref<64x1024xf32, #tpu.memory_space<vmem>>, vector<1x16xf32>,
      %get3A_563 = vector.shape_cast %get3A_562 : vector<1x16xf32> to vector<16xf32>
      %add3A_564 = arith.addf %get3A_563, %mul3A_442 : vector<16xf32>
      %mul3A_565 = arith.mulf %add3A_564, %div3A_439 : vector<16xf32>
      %swap3A_566 = arith.constant 9 : i32
      %swap3A_567 = arith.index_cast %swap3A_566 : i32 to index
      %swap3A_568 = arith.index_cast %mul3A_50 : i32 to index
      %swap3A_569 = tpu.vector_load %arg4[%swap3A_567, %swap3A_568] {strides = array<i32>} : memref<64x1024xf32, #tpu.memory_space<vmem>>, vector<1x16xf32>,
      %swap3A_570 = vector.shape_cast %swap3A_569 : vector<1x16xf32> to vector<16xf32>
      %swap3A_571 = vector.shape_cast %mul3A_565 : vector<16xf32> to vector<1x16xf32>
      tpu.vector_store %arg4[%swap3A_567, %swap3A_568], %swap3A_571 {strides = array<i32>} : memref<64x1024xf32, #tpu.memory_space<vmem>>, vector<1x16xf32>,
      %get3A_572 = arith.constant 10 : i32
      %get3A_573 = arith.index_cast %get3A_572 : i32 to index
      %get3A_574 = arith.index_cast %mul3A_50 : i32 to index
      %get3A_575 = tpu.vector_load %arg4[%get3A_573, %get3A_574] {strides = array<i32>} : memref<64x1024xf32, #tpu.memory_space<vmem>>, vector<1x16xf32>,
      %get3A_576 = vector.shape_cast %get3A_575 : vector<1x16xf32> to vector<16xf32>
      %add3A_577 = arith.addf %get3A_576, %mul3A_442 : vector<16xf32>
      %mul3A_578 = arith.mulf %add3A_577, %div3A_439 : vector<16xf32>
      %swap3A_579 = arith.constant 10 : i32
      %swap3A_580 = arith.index_cast %swap3A_579 : i32 to index
      %swap3A_581 = arith.index_cast %mul3A_50 : i32 to index
      %swap3A_582 = tpu.vector_load %arg4[%swap3A_580, %swap3A_581] {strides = array<i32>} : memref<64x1024xf32, #tpu.memory_space<vmem>>, vector<1x16xf32>,
      %swap3A_583 = vector.shape_cast %swap3A_582 : vector<1x16xf32> to vector<16xf32>
      %swap3A_584 = vector.shape_cast %mul3A_578 : vector<16xf32> to vector<1x16xf32>
      tpu.vector_store %arg4[%swap3A_580, %swap3A_581], %swap3A_584 {strides = array<i32>} : memref<64x1024xf32, #tpu.memory_space<vmem>>, vector<1x16xf32>,
      %get3A_585 = arith.constant 11 : i32
      %get3A_586 = arith.index_cast %get3A_585 : i32 to index
      %get3A_587 = arith.index_cast %mul3A_50 : i32 to index
      %get3A_588 = tpu.vector_load %arg4[%get3A_586, %get3A_587] {strides = array<i32>} : memref<64x1024xf32, #tpu.memory_space<vmem>>, vector<1x16xf32>,
      %get3A_589 = vector.shape_cast %get3A_588 : vector<1x16xf32> to vector<16xf32>
      %add3A_590 = arith.addf %get3A_589, %mul3A_442 : vector<16xf32>
      %mul3A_591 = arith.mulf %add3A_590, %div3A_439 : vector<16xf32>
      %swap3A_592 = arith.constant 11 : i32
      %swap3A_593 = arith.index_cast %swap3A_592 : i32 to index
      %swap3A_594 = arith.index_cast %mul3A_50 : i32 to index
      %swap3A_595 = tpu.vector_load %arg4[%swap3A_593, %swap3A_594] {strides = array<i32>} : memref<64x1024xf32, #tpu.memory_space<vmem>>, vector<1x16xf32>,
      %swap3A_596 = vector.shape_cast %swap3A_595 : vector<1x16xf32> to vector<16xf32>
      %swap3A_597 = vector.shape_cast %mul3A_591 : vector<16xf32> to vector<1x16xf32>
      tpu.vector_store %arg4[%swap3A_593, %swap3A_594], %swap3A_597 {strides = array<i32>} : memref<64x1024xf32, #tpu.memory_space<vmem>>, vector<1x16xf32>,
      %get3A_598 = arith.constant 12 : i32
      %get3A_599 = arith.index_cast %get3A_598 : i32 to index
      %get3A_600 = arith.index_cast %mul3A_50 : i32 to index
      %get3A_601 = tpu.vector_load %arg4[%get3A_599, %get3A_600] {strides = array<i32>} : memref<64x1024xf32, #tpu.memory_space<vmem>>, vector<1x16xf32>,
      %get3A_602 = vector.shape_cast %get3A_601 : vector<1x16xf32> to vector<16xf32>
      %add3A_603 = arith.addf %get3A_602, %mul3A_442 : vector<16xf32>
      %mul3A_604 = arith.mulf %add3A_603, %div3A_439 : vector<16xf32>
      %swap3A_605 = arith.constant 12 : i32
      %swap3A_606 = arith.index_cast %swap3A_605 : i32 to index
      %swap3A_607 = arith.index_cast %mul3A_50 : i32 to index
      %swap3A_608 = tpu.vector_load %arg4[%swap3A_606, %swap3A_607] {strides = array<i32>} : memref<64x1024xf32, #tpu.memory_space<vmem>>, vector<1x16xf32>,
      %swap3A_609 = vector.shape_cast %swap3A_608 : vector<1x16xf32> to vector<16xf32>
      %swap3A_610 = vector.shape_cast %mul3A_604 : vector<16xf32> to vector<1x16xf32>
      tpu.vector_store %arg4[%swap3A_606, %swap3A_607], %swap3A_610 {strides = array<i32>} : memref<64x1024xf32, #tpu.memory_space<vmem>>, vector<1x16xf32>,
      %get3A_611 = arith.constant 13 : i32
      %get3A_612 = arith.index_cast %get3A_611 : i32 to index
      %get3A_613 = arith.index_cast %mul3A_50 : i32 to index
      %get3A_614 = tpu.vector_load %arg4[%get3A_612, %get3A_613] {strides = array<i32>} : memref<64x1024xf32, #tpu.memory_space<vmem>>, vector<1x16xf32>,
      %get3A_615 = vector.shape_cast %get3A_614 : vector<1x16xf32> to vector<16xf32>
      %add3A_616 = arith.addf %get3A_615, %mul3A_442 : vector<16xf32>
      %mul3A_617 = arith.mulf %add3A_616, %div3A_439 : vector<16xf32>
      %swap3A_618 = arith.constant 13 : i32
      %swap3A_619 = arith.index_cast %swap3A_618 : i32 to index
      %swap3A_620 = arith.index_cast %mul3A_50 : i32 to index
      %swap3A_621 = tpu.vector_load %arg4[%swap3A_619, %swap3A_620] {strides = array<i32>} : memref<64x1024xf32, #tpu.memory_space<vmem>>, vector<1x16xf32>,
      %swap3A_622 = vector.shape_cast %swap3A_621 : vector<1x16xf32> to vector<16xf32>
      %swap3A_623 = vector.shape_cast %mul3A_617 : vector<16xf32> to vector<1x16xf32>
      tpu.vector_store %arg4[%swap3A_619, %swap3A_620], %swap3A_623 {strides = array<i32>} : memref<64x1024xf32, #tpu.memory_space<vmem>>, vector<1x16xf32>,
      %get3A_624 = arith.constant 14 : i32
      %get3A_625 = arith.index_cast %get3A_624 : i32 to index
      %get3A_626 = arith.index_cast %mul3A_50 : i32 to index
      %get3A_627 = tpu.vector_load %arg4[%get3A_625, %get3A_626] {strides = array<i32>} : memref<64x1024xf32, #tpu.memory_space<vmem>>, vector<1x16xf32>,
      %get3A_628 = vector.shape_cast %get3A_627 : vector<1x16xf32> to vector<16xf32>
      %add3A_629 = arith.addf %get3A_628, %mul3A_442 : vector<16xf32>
      %mul3A_630 = arith.mulf %add3A_629, %div3A_439 : vector<16xf32>
      %swap3A_631 = arith.constant 14 : i32
      %swap3A_632 = arith.index_cast %swap3A_631 : i32 to index
      %swap3A_633 = arith.index_cast %mul3A_50 : i32 to index
      %swap3A_634 = tpu.vector_load %arg4[%swap3A_632, %swap3A_633] {strides = array<i32>} : memref<64x1024xf32, #tpu.memory_space<vmem>>, vector<1x16xf32>,
      %swap3A_635 = vector.shape_cast %swap3A_634 : vector<1x16xf32> to vector<16xf32>
      %swap3A_636 = vector.shape_cast %mul3A_630 : vector<16xf32> to vector<1x16xf32>
      tpu.vector_store %arg4[%swap3A_632, %swap3A_633], %swap3A_636 {strides = array<i32>} : memref<64x1024xf32, #tpu.memory_space<vmem>>, vector<1x16xf32>,
      %get3A_637 = arith.constant 15 : i32
      %get3A_638 = arith.index_cast %get3A_637 : i32 to index
      %get3A_639 = arith.index_cast %mul3A_50 : i32 to index
      %get3A_640 = tpu.vector_load %arg4[%get3A_638, %get3A_639] {strides = array<i32>} : memref<64x1024xf32, #tpu.memory_space<vmem>>, vector<1x16xf32>,
      %get3A_641 = vector.shape_cast %get3A_640 : vector<1x16xf32> to vector<16xf32>
      %add3A_642 = arith.addf %get3A_641, %mul3A_442 : vector<16xf32>
      %mul3A_643 = arith.mulf %add3A_642, %div3A_439 : vector<16xf32>
      %swap3A_644 = arith.constant 15 : i32
      %swap3A_645 = arith.index_cast %swap3A_644 : i32 to index
      %swap3A_646 = arith.index_cast %mul3A_50 : i32 to index
      %swap3A_647 = tpu.vector_load %arg4[%swap3A_645, %swap3A_646] {strides = array<i32>} : memref<64x1024xf32, #tpu.memory_space<vmem>>, vector<1x16xf32>,
      %swap3A_648 = vector.shape_cast %swap3A_647 : vector<1x16xf32> to vector<16xf32>
      %swap3A_649 = vector.shape_cast %mul3A_643 : vector<16xf32> to vector<1x16xf32>
      tpu.vector_store %arg4[%swap3A_645, %swap3A_646], %swap3A_649 {strides = array<i32>} : memref<64x1024xf32, #tpu.memory_space<vmem>>, vector<1x16xf32>,
      %get3A_650 = arith.constant 16 : i32
      %get3A_651 = arith.index_cast %get3A_650 : i32 to index
      %get3A_652 = arith.index_cast %mul3A_50 : i32 to index
      %get3A_653 = tpu.vector_load %arg4[%get3A_651, %get3A_652] {strides = array<i32>} : memref<64x1024xf32, #tpu.memory_space<vmem>>, vector<1x16xf32>,
      %get3A_654 = vector.shape_cast %get3A_653 : vector<1x16xf32> to vector<16xf32>
      %add3A_655 = arith.addf %get3A_654, %mul3A_442 : vector<16xf32>
      %mul3A_656 = arith.mulf %add3A_655, %div3A_439 : vector<16xf32>
      %swap3A_657 = arith.constant 16 : i32
      %swap3A_658 = arith.index_cast %swap3A_657 : i32 to index
      %swap3A_659 = arith.index_cast %mul3A_50 : i32 to index
      %swap3A_660 = tpu.vector_load %arg4[%swap3A_658, %swap3A_659] {strides = array<i32>} : memref<64x1024xf32, #tpu.memory_space<vmem>>, vector<1x16xf32>,
      %swap3A_661 = vector.shape_cast %swap3A_660 : vector<1x16xf32> to vector<16xf32>
      %swap3A_662 = vector.shape_cast %mul3A_656 : vector<16xf32> to vector<1x16xf32>
      tpu.vector_store %arg4[%swap3A_658, %swap3A_659], %swap3A_662 {strides = array<i32>} : memref<64x1024xf32, #tpu.memory_space<vmem>>, vector<1x16xf32>,
      %get3A_663 = arith.constant 17 : i32
      %get3A_664 = arith.index_cast %get3A_663 : i32 to index
      %get3A_665 = arith.index_cast %mul3A_50 : i32 to index
      %get3A_666 = tpu.vector_load %arg4[%get3A_664, %get3A_665] {strides = array<i32>} : memref<64x1024xf32, #tpu.memory_space<vmem>>, vector<1x16xf32>,
      %get3A_667 = vector.shape_cast %get3A_666 : vector<1x16xf32> to vector<16xf32>
      %add3A_668 = arith.addf %get3A_667, %mul3A_442 : vector<16xf32>
      %mul3A_669 = arith.mulf %add3A_668, %div3A_439 : vector<16xf32>
      %swap3A_670 = arith.constant 17 : i32
      %swap3A_671 = arith.index_cast %swap3A_670 : i32 to index
      %swap3A_672 = arith.index_cast %mul3A_50 : i32 to index
      %swap3A_673 = tpu.vector_load %arg4[%swap3A_671, %swap3A_672] {strides = array<i32>} : memref<64x1024xf32, #tpu.memory_space<vmem>>, vector<1x16xf32>,
      %swap3A_674 = vector.shape_cast %swap3A_673 : vector<1x16xf32> to vector<16xf32>
      %swap3A_675 = vector.shape_cast %mul3A_669 : vector<16xf32> to vector<1x16xf32>
      tpu.vector_store %arg4[%swap3A_671, %swap3A_672], %swap3A_675 {strides = array<i32>} : memref<64x1024xf32, #tpu.memory_space<vmem>>, vector<1x16xf32>,
      %get3A_676 = arith.constant 18 : i32
      %get3A_677 = arith.index_cast %get3A_676 : i32 to index
      %get3A_678 = arith.index_cast %mul3A_50 : i32 to index
      %get3A_679 = tpu.vector_load %arg4[%get3A_677, %get3A_678] {strides = array<i32>} : memref<64x1024xf32, #tpu.memory_space<vmem>>, vector<1x16xf32>,
      %get3A_680 = vector.shape_cast %get3A_679 : vector<1x16xf32> to vector<16xf32>
      %add3A_681 = arith.addf %get3A_680, %mul3A_442 : vector<16xf32>
      %mul3A_682 = arith.mulf %add3A_681, %div3A_439 : vector<16xf32>
      %swap3A_683 = arith.constant 18 : i32
      %swap3A_684 = arith.index_cast %swap3A_683 : i32 to index
      %swap3A_685 = arith.index_cast %mul3A_50 : i32 to index
      %swap3A_686 = tpu.vector_load %arg4[%swap3A_684, %swap3A_685] {strides = array<i32>} : memref<64x1024xf32, #tpu.memory_space<vmem>>, vector<1x16xf32>,
      %swap3A_687 = vector.shape_cast %swap3A_686 : vector<1x16xf32> to vector<16xf32>
      %swap3A_688 = vector.shape_cast %mul3A_682 : vector<16xf32> to vector<1x16xf32>
      tpu.vector_store %arg4[%swap3A_684, %swap3A_685], %swap3A_688 {strides = array<i32>} : memref<64x1024xf32, #tpu.memory_space<vmem>>, vector<1x16xf32>,
      %get3A_689 = arith.constant 19 : i32
      %get3A_690 = arith.index_cast %get3A_689 : i32 to index
      %get3A_691 = arith.index_cast %mul3A_50 : i32 to index
      %get3A_692 = tpu.vector_load %arg4[%get3A_690, %get3A_691] {strides = array<i32>} : memref<64x1024xf32, #tpu.memory_space<vmem>>, vector<1x16xf32>,
      %get3A_693 = vector.shape_cast %get3A_692 : vector<1x16xf32> to vector<16xf32>
      %add3A_694 = arith.addf %get3A_693, %mul3A_442 : vector<16xf32>
      %mul3A_695 = arith.mulf %add3A_694, %div3A_439 : vector<16xf32>
      %swap3A_696 = arith.constant 19 : i32
      %swap3A_697 = arith.index_cast %swap3A_696 : i32 to index
      %swap3A_698 = arith.index_cast %mul3A_50 : i32 to index
      %swap3A_699 = tpu.vector_load %arg4[%swap3A_697, %swap3A_698] {strides = array<i32>} : memref<64x1024xf32, #tpu.memory_space<vmem>>, vector<1x16xf32>,
      %swap3A_700 = vector.shape_cast %swap3A_699 : vector<1x16xf32> to vector<16xf32>
      %swap3A_701 = vector.shape_cast %mul3A_695 : vector<16xf32> to vector<1x16xf32>
      tpu.vector_store %arg4[%swap3A_697, %swap3A_698], %swap3A_701 {strides = array<i32>} : memref<64x1024xf32, #tpu.memory_space<vmem>>, vector<1x16xf32>,
      %get3A_702 = arith.constant 20 : i32
      %get3A_703 = arith.index_cast %get3A_702 : i32 to index
      %get3A_704 = arith.index_cast %mul3A_50 : i32 to index
      %get3A_705 = tpu.vector_load %arg4[%get3A_703, %get3A_704] {strides = array<i32>} : memref<64x1024xf32, #tpu.memory_space<vmem>>, vector<1x16xf32>,
      %get3A_706 = vector.shape_cast %get3A_705 : vector<1x16xf32> to vector<16xf32>
      %add3A_707 = arith.addf %get3A_706, %mul3A_442 : vector<16xf32>
      %mul3A_708 = arith.mulf %add3A_707, %div3A_439 : vector<16xf32>
      %swap3A_709 = arith.constant 20 : i32
      %swap3A_710 = arith.index_cast %swap3A_709 : i32 to index
      %swap3A_711 = arith.index_cast %mul3A_50 : i32 to index
      %swap3A_712 = tpu.vector_load %arg4[%swap3A_710, %swap3A_711] {strides = array<i32>} : memref<64x1024xf32, #tpu.memory_space<vmem>>, vector<1x16xf32>,
      %swap3A_713 = vector.shape_cast %swap3A_712 : vector<1x16xf32> to vector<16xf32>
      %swap3A_714 = vector.shape_cast %mul3A_708 : vector<16xf32> to vector<1x16xf32>
      tpu.vector_store %arg4[%swap3A_710, %swap3A_711], %swap3A_714 {strides = array<i32>} : memref<64x1024xf32, #tpu.memory_space<vmem>>, vector<1x16xf32>,
      %get3A_715 = arith.constant 21 : i32
      %get3A_716 = arith.index_cast %get3A_715 : i32 to index
      %get3A_717 = arith.index_cast %mul3A_50 : i32 to index
      %get3A_718 = tpu.vector_load %arg4[%get3A_716, %get3A_717] {strides = array<i32>} : memref<64x1024xf32, #tpu.memory_space<vmem>>, vector<1x16xf32>,
      %get3A_719 = vector.shape_cast %get3A_718 : vector<1x16xf32> to vector<16xf32>
      %add3A_720 = arith.addf %get3A_719, %mul3A_442 : vector<16xf32>
      %mul3A_721 = arith.mulf %add3A_720, %div3A_439 : vector<16xf32>
      %swap3A_722 = arith.constant 21 : i32
      %swap3A_723 = arith.index_cast %swap3A_722 : i32 to index
      %swap3A_724 = arith.index_cast %mul3A_50 : i32 to index
      %swap3A_725 = tpu.vector_load %arg4[%swap3A_723, %swap3A_724] {strides = array<i32>} : memref<64x1024xf32, #tpu.memory_space<vmem>>, vector<1x16xf32>,
      %swap3A_726 = vector.shape_cast %swap3A_725 : vector<1x16xf32> to vector<16xf32>
      %swap3A_727 = vector.shape_cast %mul3A_721 : vector<16xf32> to vector<1x16xf32>
      tpu.vector_store %arg4[%swap3A_723, %swap3A_724], %swap3A_727 {strides = array<i32>} : memref<64x1024xf32, #tpu.memory_space<vmem>>, vector<1x16xf32>,
      %get3A_728 = arith.constant 22 : i32
      %get3A_729 = arith.index_cast %get3A_728 : i32 to index
      %get3A_730 = arith.index_cast %mul3A_50 : i32 to index
      %get3A_731 = tpu.vector_load %arg4[%get3A_729, %get3A_730] {strides = array<i32>} : memref<64x1024xf32, #tpu.memory_space<vmem>>, vector<1x16xf32>,
      %get3A_732 = vector.shape_cast %get3A_731 : vector<1x16xf32> to vector<16xf32>
      %add3A_733 = arith.addf %get3A_732, %mul3A_442 : vector<16xf32>
      %mul3A_734 = arith.mulf %add3A_733, %div3A_439 : vector<16xf32>
      %swap3A_735 = arith.constant 22 : i32
      %swap3A_736 = arith.index_cast %swap3A_735 : i32 to index
      %swap3A_737 = arith.index_cast %mul3A_50 : i32 to index
      %swap3A_738 = tpu.vector_load %arg4[%swap3A_736, %swap3A_737] {strides = array<i32>} : memref<64x1024xf32, #tpu.memory_space<vmem>>, vector<1x16xf32>,
      %swap3A_739 = vector.shape_cast %swap3A_738 : vector<1x16xf32> to vector<16xf32>
      %swap3A_740 = vector.shape_cast %mul3A_734 : vector<16xf32> to vector<1x16xf32>
      tpu.vector_store %arg4[%swap3A_736, %swap3A_737], %swap3A_740 {strides = array<i32>} : memref<64x1024xf32, #tpu.memory_space<vmem>>, vector<1x16xf32>,
      %get3A_741 = arith.constant 23 : i32
      %get3A_742 = arith.index_cast %get3A_741 : i32 to index
      %get3A_743 = arith.index_cast %mul3A_50 : i32 to index
      %get3A_744 = tpu.vector_load %arg4[%get3A_742, %get3A_743] {strides = array<i32>} : memref<64x1024xf32, #tpu.memory_space<vmem>>, vector<1x16xf32>,
      %get3A_745 = vector.shape_cast %get3A_744 : vector<1x16xf32> to vector<16xf32>
      %add3A_746 = arith.addf %get3A_745, %mul3A_442 : vector<16xf32>
      %mul3A_747 = arith.mulf %add3A_746, %div3A_439 : vector<16xf32>
      %swap3A_748 = arith.constant 23 : i32
      %swap3A_749 = arith.index_cast %swap3A_748 : i32 to index
      %swap3A_750 = arith.index_cast %mul3A_50 : i32 to index
      %swap3A_751 = tpu.vector_load %arg4[%swap3A_749, %swap3A_750] {strides = array<i32>} : memref<64x1024xf32, #tpu.memory_space<vmem>>, vector<1x16xf32>,
      %swap3A_752 = vector.shape_cast %swap3A_751 : vector<1x16xf32> to vector<16xf32>
      %swap3A_753 = vector.shape_cast %mul3A_747 : vector<16xf32> to vector<1x16xf32>
      tpu.vector_store %arg4[%swap3A_749, %swap3A_750], %swap3A_753 {strides = array<i32>} : memref<64x1024xf32, #tpu.memory_space<vmem>>, vector<1x16xf32>,
      %get3A_754 = arith.constant 24 : i32
      %get3A_755 = arith.index_cast %get3A_754 : i32 to index
      %get3A_756 = arith.index_cast %mul3A_50 : i32 to index
      %get3A_757 = tpu.vector_load %arg4[%get3A_755, %get3A_756] {strides = array<i32>} : memref<64x1024xf32, #tpu.memory_space<vmem>>, vector<1x16xf32>,
      %get3A_758 = vector.shape_cast %get3A_757 : vector<1x16xf32> to vector<16xf32>
      %add3A_759 = arith.addf %get3A_758, %mul3A_442 : vector<16xf32>
      %mul3A_760 = arith.mulf %add3A_759, %div3A_439 : vector<16xf32>
      %swap3A_761 = arith.constant 24 : i32
      %swap3A_762 = arith.index_cast %swap3A_761 : i32 to index
      %swap3A_763 = arith.index_cast %mul3A_50 : i32 to index
      %swap3A_764 = tpu.vector_load %arg4[%swap3A_762, %swap3A_763] {strides = array<i32>} : memref<64x1024xf32, #tpu.memory_space<vmem>>, vector<1x16xf32>,
      %swap3A_765 = vector.shape_cast %swap3A_764 : vector<1x16xf32> to vector<16xf32>
      %swap3A_766 = vector.shape_cast %mul3A_760 : vector<16xf32> to vector<1x16xf32>
      tpu.vector_store %arg4[%swap3A_762, %swap3A_763], %swap3A_766 {strides = array<i32>} : memref<64x1024xf32, #tpu.memory_space<vmem>>, vector<1x16xf32>,
      %get3A_767 = arith.constant 25 : i32
      %get3A_768 = arith.index_cast %get3A_767 : i32 to index
      %get3A_769 = arith.index_cast %mul3A_50 : i32 to index
      %get3A_770 = tpu.vector_load %arg4[%get3A_768, %get3A_769] {strides = array<i32>} : memref<64x1024xf32, #tpu.memory_space<vmem>>, vector<1x16xf32>,
      %get3A_771 = vector.shape_cast %get3A_770 : vector<1x16xf32> to vector<16xf32>
      %add3A_772 = arith.addf %get3A_771, %mul3A_442 : vector<16xf32>
      %mul3A_773 = arith.mulf %add3A_772, %div3A_439 : vector<16xf32>
      %swap3A_774 = arith.constant 25 : i32
      %swap3A_775 = arith.index_cast %swap3A_774 : i32 to index
      %swap3A_776 = arith.index_cast %mul3A_50 : i32 to index
      %swap3A_777 = tpu.vector_load %arg4[%swap3A_775, %swap3A_776] {strides = array<i32>} : memref<64x1024xf32, #tpu.memory_space<vmem>>, vector<1x16xf32>,
      %swap3A_778 = vector.shape_cast %swap3A_777 : vector<1x16xf32> to vector<16xf32>
      %swap3A_779 = vector.shape_cast %mul3A_773 : vector<16xf32> to vector<1x16xf32>
      tpu.vector_store %arg4[%swap3A_775, %swap3A_776], %swap3A_779 {strides = array<i32>} : memref<64x1024xf32, #tpu.memory_space<vmem>>, vector<1x16xf32>,
      %get3A_780 = arith.constant 26 : i32
      %get3A_781 = arith.index_cast %get3A_780 : i32 to index
      %get3A_782 = arith.index_cast %mul3A_50 : i32 to index
      %get3A_783 = tpu.vector_load %arg4[%get3A_781, %get3A_782] {strides = array<i32>} : memref<64x1024xf32, #tpu.memory_space<vmem>>, vector<1x16xf32>,
      %get3A_784 = vector.shape_cast %get3A_783 : vector<1x16xf32> to vector<16xf32>
      %add3A_785 = arith.addf %get3A_784, %mul3A_442 : vector<16xf32>
      %mul3A_786 = arith.mulf %add3A_785, %div3A_439 : vector<16xf32>
      %swap3A_787 = arith.constant 26 : i32
      %swap3A_788 = arith.index_cast %swap3A_787 : i32 to index
      %swap3A_789 = arith.index_cast %mul3A_50 : i32 to index
      %swap3A_790 = tpu.vector_load %arg4[%swap3A_788, %swap3A_789] {strides = array<i32>} : memref<64x1024xf32, #tpu.memory_space<vmem>>, vector<1x16xf32>,
      %swap3A_791 = vector.shape_cast %swap3A_790 : vector<1x16xf32> to vector<16xf32>
      %swap3A_792 = vector.shape_cast %mul3A_786 : vector<16xf32> to vector<1x16xf32>
      tpu.vector_store %arg4[%swap3A_788, %swap3A_789], %swap3A_792 {strides = array<i32>} : memref<64x1024xf32, #tpu.memory_space<vmem>>, vector<1x16xf32>,
      %get3A_793 = arith.constant 27 : i32
      %get3A_794 = arith.index_cast %get3A_793 : i32 to index
      %get3A_795 = arith.index_cast %mul3A_50 : i32 to index
      %get3A_796 = tpu.vector_load %arg4[%get3A_794, %get3A_795] {strides = array<i32>} : memref<64x1024xf32, #tpu.memory_space<vmem>>, vector<1x16xf32>,
      %get3A_797 = vector.shape_cast %get3A_796 : vector<1x16xf32> to vector<16xf32>
      %add3A_798 = arith.addf %get3A_797, %mul3A_442 : vector<16xf32>
      %mul3A_799 = arith.mulf %add3A_798, %div3A_439 : vector<16xf32>
      %swap3A_800 = arith.constant 27 : i32
      %swap3A_801 = arith.index_cast %swap3A_800 : i32 to index
      %swap3A_802 = arith.index_cast %mul3A_50 : i32 to index
      %swap3A_803 = tpu.vector_load %arg4[%swap3A_801, %swap3A_802] {strides = array<i32>} : memref<64x1024xf32, #tpu.memory_space<vmem>>, vector<1x16xf32>,
      %swap3A_804 = vector.shape_cast %swap3A_803 : vector<1x16xf32> to vector<16xf32>
      %swap3A_805 = vector.shape_cast %mul3A_799 : vector<16xf32> to vector<1x16xf32>
      tpu.vector_store %arg4[%swap3A_801, %swap3A_802], %swap3A_805 {strides = array<i32>} : memref<64x1024xf32, #tpu.memory_space<vmem>>, vector<1x16xf32>,
      %get3A_806 = arith.constant 28 : i32
      %get3A_807 = arith.index_cast %get3A_806 : i32 to index
      %get3A_808 = arith.index_cast %mul3A_50 : i32 to index
      %get3A_809 = tpu.vector_load %arg4[%get3A_807, %get3A_808] {strides = array<i32>} : memref<64x1024xf32, #tpu.memory_space<vmem>>, vector<1x16xf32>,
      %get3A_810 = vector.shape_cast %get3A_809 : vector<1x16xf32> to vector<16xf32>
      %add3A_811 = arith.addf %get3A_810, %mul3A_442 : vector<16xf32>
      %mul3A_812 = arith.mulf %add3A_811, %div3A_439 : vector<16xf32>
      %swap3A_813 = arith.constant 28 : i32
      %swap3A_814 = arith.index_cast %swap3A_813 : i32 to index
      %swap3A_815 = arith.index_cast %mul3A_50 : i32 to index
      %swap3A_816 = tpu.vector_load %arg4[%swap3A_814, %swap3A_815] {strides = array<i32>} : memref<64x1024xf32, #tpu.memory_space<vmem>>, vector<1x16xf32>,
      %swap3A_817 = vector.shape_cast %swap3A_816 : vector<1x16xf32> to vector<16xf32>
      %swap3A_818 = vector.shape_cast %mul3A_812 : vector<16xf32> to vector<1x16xf32>
      tpu.vector_store %arg4[%swap3A_814, %swap3A_815], %swap3A_818 {strides = array<i32>} : memref<64x1024xf32, #tpu.memory_space<vmem>>, vector<1x16xf32>,
      %get3A_819 = arith.constant 29 : i32
      %get3A_820 = arith.index_cast %get3A_819 : i32 to index
      %get3A_821 = arith.index_cast %mul3A_50 : i32 to index
      %get3A_822 = tpu.vector_load %arg4[%get3A_820, %get3A_821] {strides = array<i32>} : memref<64x1024xf32, #tpu.memory_space<vmem>>, vector<1x16xf32>,
      %get3A_823 = vector.shape_cast %get3A_822 : vector<1x16xf32> to vector<16xf32>
      %add3A_824 = arith.addf %get3A_823, %mul3A_442 : vector<16xf32>
      %mul3A_825 = arith.mulf %add3A_824, %div3A_439 : vector<16xf32>
      %swap3A_826 = arith.constant 29 : i32
      %swap3A_827 = arith.index_cast %swap3A_826 : i32 to index
      %swap3A_828 = arith.index_cast %mul3A_50 : i32 to index
      %swap3A_829 = tpu.vector_load %arg4[%swap3A_827, %swap3A_828] {strides = array<i32>} : memref<64x1024xf32, #tpu.memory_space<vmem>>, vector<1x16xf32>,
      %swap3A_830 = vector.shape_cast %swap3A_829 : vector<1x16xf32> to vector<16xf32>
      %swap3A_831 = vector.shape_cast %mul3A_825 : vector<16xf32> to vector<1x16xf32>
      tpu.vector_store %arg4[%swap3A_827, %swap3A_828], %swap3A_831 {strides = array<i32>} : memref<64x1024xf32, #tpu.memory_space<vmem>>, vector<1x16xf32>,
      %get3A_832 = arith.constant 30 : i32
      %get3A_833 = arith.index_cast %get3A_832 : i32 to index
      %get3A_834 = arith.index_cast %mul3A_50 : i32 to index
      %get3A_835 = tpu.vector_load %arg4[%get3A_833, %get3A_834] {strides = array<i32>} : memref<64x1024xf32, #tpu.memory_space<vmem>>, vector<1x16xf32>,
      %get3A_836 = vector.shape_cast %get3A_835 : vector<1x16xf32> to vector<16xf32>
      %add3A_837 = arith.addf %get3A_836, %mul3A_442 : vector<16xf32>
      %mul3A_838 = arith.mulf %add3A_837, %div3A_439 : vector<16xf32>
      %swap3A_839 = arith.constant 30 : i32
      %swap3A_840 = arith.index_cast %swap3A_839 : i32 to index
      %swap3A_841 = arith.index_cast %mul3A_50 : i32 to index
      %swap3A_842 = tpu.vector_load %arg4[%swap3A_840, %swap3A_841] {strides = array<i32>} : memref<64x1024xf32, #tpu.memory_space<vmem>>, vector<1x16xf32>,
      %swap3A_843 = vector.shape_cast %swap3A_842 : vector<1x16xf32> to vector<16xf32>
      %swap3A_844 = vector.shape_cast %mul3A_838 : vector<16xf32> to vector<1x16xf32>
      tpu.vector_store %arg4[%swap3A_840, %swap3A_841], %swap3A_844 {strides = array<i32>} : memref<64x1024xf32, #tpu.memory_space<vmem>>, vector<1x16xf32>,
      %get3A_845 = arith.constant 31 : i32
      %get3A_846 = arith.index_cast %get3A_845 : i32 to index
      %get3A_847 = arith.index_cast %mul3A_50 : i32 to index
      %get3A_848 = tpu.vector_load %arg4[%get3A_846, %get3A_847] {strides = array<i32>} : memref<64x1024xf32, #tpu.memory_space<vmem>>, vector<1x16xf32>,
      %get3A_849 = vector.shape_cast %get3A_848 : vector<1x16xf32> to vector<16xf32>
      %add3A_850 = arith.addf %get3A_849, %mul3A_442 : vector<16xf32>
      %mul3A_851 = arith.mulf %add3A_850, %div3A_439 : vector<16xf32>
      %swap3A_852 = arith.constant 31 : i32
      %swap3A_853 = arith.index_cast %swap3A_852 : i32 to index
      %swap3A_854 = arith.index_cast %mul3A_50 : i32 to index
      %swap3A_855 = tpu.vector_load %arg4[%swap3A_853, %swap3A_854] {strides = array<i32>} : memref<64x1024xf32, #tpu.memory_space<vmem>>, vector<1x16xf32>,
      %swap3A_856 = vector.shape_cast %swap3A_855 : vector<1x16xf32> to vector<16xf32>
      %swap3A_857 = vector.shape_cast %mul3A_851 : vector<16xf32> to vector<1x16xf32>
      tpu.vector_store %arg4[%swap3A_853, %swap3A_854], %swap3A_857 {strides = array<i32>} : memref<64x1024xf32, #tpu.memory_space<vmem>>, vector<1x16xf32>,
      %get3A_858 = arith.constant 32 : i32
      %get3A_859 = arith.index_cast %get3A_858 : i32 to index
      %get3A_860 = arith.index_cast %mul3A_50 : i32 to index
      %get3A_861 = tpu.vector_load %arg4[%get3A_859, %get3A_860] {strides = array<i32>} : memref<64x1024xf32, #tpu.memory_space<vmem>>, vector<1x16xf32>,
      %get3A_862 = vector.shape_cast %get3A_861 : vector<1x16xf32> to vector<16xf32>
      %add3A_863 = arith.addf %get3A_862, %mul3A_442 : vector<16xf32>
      %mul3A_864 = arith.mulf %add3A_863, %div3A_439 : vector<16xf32>
      %swap3A_865 = arith.constant 32 : i32
      %swap3A_866 = arith.index_cast %swap3A_865 : i32 to index
      %swap3A_867 = arith.index_cast %mul3A_50 : i32 to index
      %swap3A_868 = tpu.vector_load %arg4[%swap3A_866, %swap3A_867] {strides = array<i32>} : memref<64x1024xf32, #tpu.memory_space<vmem>>, vector<1x16xf32>,
      %swap3A_869 = vector.shape_cast %swap3A_868 : vector<1x16xf32> to vector<16xf32>
      %swap3A_870 = vector.shape_cast %mul3A_864 : vector<16xf32> to vector<1x16xf32>
      tpu.vector_store %arg4[%swap3A_866, %swap3A_867], %swap3A_870 {strides = array<i32>} : memref<64x1024xf32, #tpu.memory_space<vmem>>, vector<1x16xf32>,
      %get3A_871 = arith.constant 33 : i32
      %get3A_872 = arith.index_cast %get3A_871 : i32 to index
      %get3A_873 = arith.index_cast %mul3A_50 : i32 to index
      %get3A_874 = tpu.vector_load %arg4[%get3A_872, %get3A_873] {strides = array<i32>} : memref<64x1024xf32, #tpu.memory_space<vmem>>, vector<1x16xf32>,
      %get3A_875 = vector.shape_cast %get3A_874 : vector<1x16xf32> to vector<16xf32>
      %add3A_876 = arith.addf %get3A_875, %mul3A_442 : vector<16xf32>
      %mul3A_877 = arith.mulf %add3A_876, %div3A_439 : vector<16xf32>
      %swap3A_878 = arith.constant 33 : i32
      %swap3A_879 = arith.index_cast %swap3A_878 : i32 to index
      %swap3A_880 = arith.index_cast %mul3A_50 : i32 to index
      %swap3A_881 = tpu.vector_load %arg4[%swap3A_879, %swap3A_880] {strides = array<i32>} : memref<64x1024xf32, #tpu.memory_space<vmem>>, vector<1x16xf32>,
      %swap3A_882 = vector.shape_cast %swap3A_881 : vector<1x16xf32> to vector<16xf32>
      %swap3A_883 = vector.shape_cast %mul3A_877 : vector<16xf32> to vector<1x16xf32>
      tpu.vector_store %arg4[%swap3A_879, %swap3A_880], %swap3A_883 {strides = array<i32>} : memref<64x1024xf32, #tpu.memory_space<vmem>>, vector<1x16xf32>,
      %get3A_884 = arith.constant 34 : i32
      %get3A_885 = arith.index_cast %get3A_884 : i32 to index
      %get3A_886 = arith.index_cast %mul3A_50 : i32 to index
      %get3A_887 = tpu.vector_load %arg4[%get3A_885, %get3A_886] {strides = array<i32>} : memref<64x1024xf32, #tpu.memory_space<vmem>>, vector<1x16xf32>,
      %get3A_888 = vector.shape_cast %get3A_887 : vector<1x16xf32> to vector<16xf32>
      %add3A_889 = arith.addf %get3A_888, %mul3A_442 : vector<16xf32>
      %mul3A_890 = arith.mulf %add3A_889, %div3A_439 : vector<16xf32>
      %swap3A_891 = arith.constant 34 : i32
      %swap3A_892 = arith.index_cast %swap3A_891 : i32 to index
      %swap3A_893 = arith.index_cast %mul3A_50 : i32 to index
      %swap3A_894 = tpu.vector_load %arg4[%swap3A_892, %swap3A_893] {strides = array<i32>} : memref<64x1024xf32, #tpu.memory_space<vmem>>, vector<1x16xf32>,
      %swap3A_895 = vector.shape_cast %swap3A_894 : vector<1x16xf32> to vector<16xf32>
      %swap3A_896 = vector.shape_cast %mul3A_890 : vector<16xf32> to vector<1x16xf32>
      tpu.vector_store %arg4[%swap3A_892, %swap3A_893], %swap3A_896 {strides = array<i32>} : memref<64x1024xf32, #tpu.memory_space<vmem>>, vector<1x16xf32>,
      %get3A_897 = arith.constant 35 : i32
      %get3A_898 = arith.index_cast %get3A_897 : i32 to index
      %get3A_899 = arith.index_cast %mul3A_50 : i32 to index
      %get3A_900 = tpu.vector_load %arg4[%get3A_898, %get3A_899] {strides = array<i32>} : memref<64x1024xf32, #tpu.memory_space<vmem>>, vector<1x16xf32>,
      %get3A_901 = vector.shape_cast %get3A_900 : vector<1x16xf32> to vector<16xf32>
      %add3A_902 = arith.addf %get3A_901, %mul3A_442 : vector<16xf32>
      %mul3A_903 = arith.mulf %add3A_902, %div3A_439 : vector<16xf32>
      %swap3A_904 = arith.constant 35 : i32
      %swap3A_905 = arith.index_cast %swap3A_904 : i32 to index
      %swap3A_906 = arith.index_cast %mul3A_50 : i32 to index
      %swap3A_907 = tpu.vector_load %arg4[%swap3A_905, %swap3A_906] {strides = array<i32>} : memref<64x1024xf32, #tpu.memory_space<vmem>>, vector<1x16xf32>,
      %swap3A_908 = vector.shape_cast %swap3A_907 : vector<1x16xf32> to vector<16xf32>
      %swap3A_909 = vector.shape_cast %mul3A_903 : vector<16xf32> to vector<1x16xf32>
      tpu.vector_store %arg4[%swap3A_905, %swap3A_906], %swap3A_909 {strides = array<i32>} : memref<64x1024xf32, #tpu.memory_space<vmem>>, vector<1x16xf32>,
      %get3A_910 = arith.constant 36 : i32
      %get3A_911 = arith.index_cast %get3A_910 : i32 to index
      %get3A_912 = arith.index_cast %mul3A_50 : i32 to index
      %get3A_913 = tpu.vector_load %arg4[%get3A_911, %get3A_912] {strides = array<i32>} : memref<64x1024xf32, #tpu.memory_space<vmem>>, vector<1x16xf32>,
      %get3A_914 = vector.shape_cast %get3A_913 : vector<1x16xf32> to vector<16xf32>
      %add3A_915 = arith.addf %get3A_914, %mul3A_442 : vector<16xf32>
      %mul3A_916 = arith.mulf %add3A_915, %div3A_439 : vector<16xf32>
      %swap3A_917 = arith.constant 36 : i32
      %swap3A_918 = arith.index_cast %swap3A_917 : i32 to index
      %swap3A_919 = arith.index_cast %mul3A_50 : i32 to index
      %swap3A_920 = tpu.vector_load %arg4[%swap3A_918, %swap3A_919] {strides = array<i32>} : memref<64x1024xf32, #tpu.memory_space<vmem>>, vector<1x16xf32>,
      %swap3A_921 = vector.shape_cast %swap3A_920 : vector<1x16xf32> to vector<16xf32>
      %swap3A_922 = vector.shape_cast %mul3A_916 : vector<16xf32> to vector<1x16xf32>
      tpu.vector_store %arg4[%swap3A_918, %swap3A_919], %swap3A_922 {strides = array<i32>} : memref<64x1024xf32, #tpu.memory_space<vmem>>, vector<1x16xf32>,
      %get3A_923 = arith.constant 37 : i32
      %get3A_924 = arith.index_cast %get3A_923 : i32 to index
      %get3A_925 = arith.index_cast %mul3A_50 : i32 to index
      %get3A_926 = tpu.vector_load %arg4[%get3A_924, %get3A_925] {strides = array<i32>} : memref<64x1024xf32, #tpu.memory_space<vmem>>, vector<1x16xf32>,
      %get3A_927 = vector.shape_cast %get3A_926 : vector<1x16xf32> to vector<16xf32>
      %add3A_928 = arith.addf %get3A_927, %mul3A_442 : vector<16xf32>
      %mul3A_929 = arith.mulf %add3A_928, %div3A_439 : vector<16xf32>
      %swap3A_930 = arith.constant 37 : i32
      %swap3A_931 = arith.index_cast %swap3A_930 : i32 to index
      %swap3A_932 = arith.index_cast %mul3A_50 : i32 to index
      %swap3A_933 = tpu.vector_load %arg4[%swap3A_931, %swap3A_932] {strides = array<i32>} : memref<64x1024xf32, #tpu.memory_space<vmem>>, vector<1x16xf32>,
      %swap3A_934 = vector.shape_cast %swap3A_933 : vector<1x16xf32> to vector<16xf32>
      %swap3A_935 = vector.shape_cast %mul3A_929 : vector<16xf32> to vector<1x16xf32>
      tpu.vector_store %arg4[%swap3A_931, %swap3A_932], %swap3A_935 {strides = array<i32>} : memref<64x1024xf32, #tpu.memory_space<vmem>>, vector<1x16xf32>,
      %get3A_936 = arith.constant 38 : i32
      %get3A_937 = arith.index_cast %get3A_936 : i32 to index
      %get3A_938 = arith.index_cast %mul3A_50 : i32 to index
      %get3A_939 = tpu.vector_load %arg4[%get3A_937, %get3A_938] {strides = array<i32>} : memref<64x1024xf32, #tpu.memory_space<vmem>>, vector<1x16xf32>,
      %get3A_940 = vector.shape_cast %get3A_939 : vector<1x16xf32> to vector<16xf32>
      %add3A_941 = arith.addf %get3A_940, %mul3A_442 : vector<16xf32>
      %mul3A_942 = arith.mulf %add3A_941, %div3A_439 : vector<16xf32>
      %swap3A_943 = arith.constant 38 : i32
      %swap3A_944 = arith.index_cast %swap3A_943 : i32 to index
      %swap3A_945 = arith.index_cast %mul3A_50 : i32 to index
      %swap3A_946 = tpu.vector_load %arg4[%swap3A_944, %swap3A_945] {strides = array<i32>} : memref<64x1024xf32, #tpu.memory_space<vmem>>, vector<1x16xf32>,
      %swap3A_947 = vector.shape_cast %swap3A_946 : vector<1x16xf32> to vector<16xf32>
      %swap3A_948 = vector.shape_cast %mul3A_942 : vector<16xf32> to vector<1x16xf32>
      tpu.vector_store %arg4[%swap3A_944, %swap3A_945], %swap3A_948 {strides = array<i32>} : memref<64x1024xf32, #tpu.memory_space<vmem>>, vector<1x16xf32>,
      %get3A_949 = arith.constant 39 : i32
      %get3A_950 = arith.index_cast %get3A_949 : i32 to index
      %get3A_951 = arith.index_cast %mul3A_50 : i32 to index
      %get3A_952 = tpu.vector_load %arg4[%get3A_950, %get3A_951] {strides = array<i32>} : memref<64x1024xf32, #tpu.memory_space<vmem>>, vector<1x16xf32>,
      %get3A_953 = vector.shape_cast %get3A_952 : vector<1x16xf32> to vector<16xf32>
      %add3A_954 = arith.addf %get3A_953, %mul3A_442 : vector<16xf32>
      %mul3A_955 = arith.mulf %add3A_954, %div3A_439 : vector<16xf32>
      %swap3A_956 = arith.constant 39 : i32
      %swap3A_957 = arith.index_cast %swap3A_956 : i32 to index
      %swap3A_958 = arith.index_cast %mul3A_50 : i32 to index
      %swap3A_959 = tpu.vector_load %arg4[%swap3A_957, %swap3A_958] {strides = array<i32>} : memref<64x1024xf32, #tpu.memory_space<vmem>>, vector<1x16xf32>,
      %swap3A_960 = vector.shape_cast %swap3A_959 : vector<1x16xf32> to vector<16xf32>
      %swap3A_961 = vector.shape_cast %mul3A_955 : vector<16xf32> to vector<1x16xf32>
      tpu.vector_store %arg4[%swap3A_957, %swap3A_958], %swap3A_961 {strides = array<i32>} : memref<64x1024xf32, #tpu.memory_space<vmem>>, vector<1x16xf32>,
      %get3A_962 = arith.constant 40 : i32
      %get3A_963 = arith.index_cast %get3A_962 : i32 to index
      %get3A_964 = arith.index_cast %mul3A_50 : i32 to index
      %get3A_965 = tpu.vector_load %arg4[%get3A_963, %get3A_964] {strides = array<i32>} : memref<64x1024xf32, #tpu.memory_space<vmem>>, vector<1x16xf32>,
      %get3A_966 = vector.shape_cast %get3A_965 : vector<1x16xf32> to vector<16xf32>
      %add3A_967 = arith.addf %get3A_966, %mul3A_442 : vector<16xf32>
      %mul3A_968 = arith.mulf %add3A_967, %div3A_439 : vector<16xf32>
      %swap3A_969 = arith.constant 40 : i32
      %swap3A_970 = arith.index_cast %swap3A_969 : i32 to index
      %swap3A_971 = arith.index_cast %mul3A_50 : i32 to index
      %swap3A_972 = tpu.vector_load %arg4[%swap3A_970, %swap3A_971] {strides = array<i32>} : memref<64x1024xf32, #tpu.memory_space<vmem>>, vector<1x16xf32>,
      %swap3A_973 = vector.shape_cast %swap3A_972 : vector<1x16xf32> to vector<16xf32>
      %swap3A_974 = vector.shape_cast %mul3A_968 : vector<16xf32> to vector<1x16xf32>
      tpu.vector_store %arg4[%swap3A_970, %swap3A_971], %swap3A_974 {strides = array<i32>} : memref<64x1024xf32, #tpu.memory_space<vmem>>, vector<1x16xf32>,
      %get3A_975 = arith.constant 41 : i32
      %get3A_976 = arith.index_cast %get3A_975 : i32 to index
      %get3A_977 = arith.index_cast %mul3A_50 : i32 to index
      %get3A_978 = tpu.vector_load %arg4[%get3A_976, %get3A_977] {strides = array<i32>} : memref<64x1024xf32, #tpu.memory_space<vmem>>, vector<1x16xf32>,
      %get3A_979 = vector.shape_cast %get3A_978 : vector<1x16xf32> to vector<16xf32>
      %add3A_980 = arith.addf %get3A_979, %mul3A_442 : vector<16xf32>
      %mul3A_981 = arith.mulf %add3A_980, %div3A_439 : vector<16xf32>
      %swap3A_982 = arith.constant 41 : i32
      %swap3A_983 = arith.index_cast %swap3A_982 : i32 to index
      %swap3A_984 = arith.index_cast %mul3A_50 : i32 to index
      %swap3A_985 = tpu.vector_load %arg4[%swap3A_983, %swap3A_984] {strides = array<i32>} : memref<64x1024xf32, #tpu.memory_space<vmem>>, vector<1x16xf32>,
      %swap3A_986 = vector.shape_cast %swap3A_985 : vector<1x16xf32> to vector<16xf32>
      %swap3A_987 = vector.shape_cast %mul3A_981 : vector<16xf32> to vector<1x16xf32>
      tpu.vector_store %arg4[%swap3A_983, %swap3A_984], %swap3A_987 {strides = array<i32>} : memref<64x1024xf32, #tpu.memory_space<vmem>>, vector<1x16xf32>,
      %get3A_988 = arith.constant 42 : i32
      %get3A_989 = arith.index_cast %get3A_988 : i32 to index
      %get3A_990 = arith.index_cast %mul3A_50 : i32 to index
      %get3A_991 = tpu.vector_load %arg4[%get3A_989, %get3A_990] {strides = array<i32>} : memref<64x1024xf32, #tpu.memory_space<vmem>>, vector<1x16xf32>,
      %get3A_992 = vector.shape_cast %get3A_991 : vector<1x16xf32> to vector<16xf32>
      %add3A_993 = arith.addf %get3A_992, %mul3A_442 : vector<16xf32>
      %mul3A_994 = arith.mulf %add3A_993, %div3A_439 : vector<16xf32>
      %swap3A_995 = arith.constant 42 : i32
      %swap3A_996 = arith.index_cast %swap3A_995 : i32 to index
      %swap3A_997 = arith.index_cast %mul3A_50 : i32 to index
      %swap3A_998 = tpu.vector_load %arg4[%swap3A_996, %swap3A_997] {strides = array<i32>} : memref<64x1024xf32, #tpu.memory_space<vmem>>, vector<1x16xf32>,
      %swap3A_999 = vector.shape_cast %swap3A_998 : vector<1x16xf32> to vector<16xf32>
      %swap3A_1000 = vector.shape_cast %mul3A_994 : vector<16xf32> to vector<1x16xf32>
      tpu.vector_store %arg4[%swap3A_996, %swap3A_997], %swap3A_1000 {strides = array<i32>} : memref<64x1024xf32, #tpu.memory_space<vmem>>, vector<1x16xf32>,
      %get3A_1001 = arith.constant 43 : i32
      %get3A_1002 = arith.index_cast %get3A_1001 : i32 to index
      %get3A_1003 = arith.index_cast %mul3A_50 : i32 to index
      %get3A_1004 = tpu.vector_load %arg4[%get3A_1002, %get3A_1003] {strides = array<i32>} : memref<64x1024xf32, #tpu.memory_space<vmem>>, vector<1x16xf32>,
      %get3A_1005 = vector.shape_cast %get3A_1004 : vector<1x16xf32> to vector<16xf32>
      %add3A_1006 = arith.addf %get3A_1005, %mul3A_442 : vector<16xf32>
      %mul3A_1007 = arith.mulf %add3A_1006, %div3A_439 : vector<16xf32>
      %swap3A_1008 = arith.constant 43 : i32
      %swap3A_1009 = arith.index_cast %swap3A_1008 : i32 to index
      %swap3A_1010 = arith.index_cast %mul3A_50 : i32 to index
      %swap3A_1011 = tpu.vector_load %arg4[%swap3A_1009, %swap3A_1010] {strides = array<i32>} : memref<64x1024xf32, #tpu.memory_space<vmem>>, vector<1x16xf32>,
      %swap3A_1012 = vector.shape_cast %swap3A_1011 : vector<1x16xf32> to vector<16xf32>
      %swap3A_1013 = vector.shape_cast %mul3A_1007 : vector<16xf32> to vector<1x16xf32>
      tpu.vector_store %arg4[%swap3A_1009, %swap3A_1010], %swap3A_1013 {strides = array<i32>} : memref<64x1024xf32, #tpu.memory_space<vmem>>, vector<1x16xf32>,
      %get3A_1014 = arith.constant 44 : i32
      %get3A_1015 = arith.index_cast %get3A_1014 : i32 to index
      %get3A_1016 = arith.index_cast %mul3A_50 : i32 to index
      %get3A_1017 = tpu.vector_load %arg4[%get3A_1015, %get3A_1016] {strides = array<i32>} : memref<64x1024xf32, #tpu.memory_space<vmem>>, vector<1x16xf32>,
      %get3A_1018 = vector.shape_cast %get3A_1017 : vector<1x16xf32> to vector<16xf32>
      %add3A_1019 = arith.addf %get3A_1018, %mul3A_442 : vector<16xf32>
      %mul3A_1020 = arith.mulf %add3A_1019, %div3A_439 : vector<16xf32>
      %swap3A_1021 = arith.constant 44 : i32
      %swap3A_1022 = arith.index_cast %swap3A_1021 : i32 to index
      %swap3A_1023 = arith.index_cast %mul3A_50 : i32 to index
      %swap3A_1024 = tpu.vector_load %arg4[%swap3A_1022, %swap3A_1023] {strides = array<i32>} : memref<64x1024xf32, #tpu.memory_space<vmem>>, vector<1x16xf32>,
      %swap3A_1025 = vector.shape_cast %swap3A_1024 : vector<1x16xf32> to vector<16xf32>
      %swap3A_1026 = vector.shape_cast %mul3A_1020 : vector<16xf32> to vector<1x16xf32>
      tpu.vector_store %arg4[%swap3A_1022, %swap3A_1023], %swap3A_1026 {strides = array<i32>} : memref<64x1024xf32, #tpu.memory_space<vmem>>, vector<1x16xf32>,
      %get3A_1027 = arith.constant 45 : i32
      %get3A_1028 = arith.index_cast %get3A_1027 : i32 to index
      %get3A_1029 = arith.index_cast %mul3A_50 : i32 to index
      %get3A_1030 = tpu.vector_load %arg4[%get3A_1028, %get3A_1029] {strides = array<i32>} : memref<64x1024xf32, #tpu.memory_space<vmem>>, vector<1x16xf32>,
      %get3A_1031 = vector.shape_cast %get3A_1030 : vector<1x16xf32> to vector<16xf32>
      %add3A_1032 = arith.addf %get3A_1031, %mul3A_442 : vector<16xf32>
      %mul3A_1033 = arith.mulf %add3A_1032, %div3A_439 : vector<16xf32>
      %swap3A_1034 = arith.constant 45 : i32
      %swap3A_1035 = arith.index_cast %swap3A_1034 : i32 to index
      %swap3A_1036 = arith.index_cast %mul3A_50 : i32 to index
      %swap3A_1037 = tpu.vector_load %arg4[%swap3A_1035, %swap3A_1036] {strides = array<i32>} : memref<64x1024xf32, #tpu.memory_space<vmem>>, vector<1x16xf32>,
      %swap3A_1038 = vector.shape_cast %swap3A_1037 : vector<1x16xf32> to vector<16xf32>
      %swap3A_1039 = vector.shape_cast %mul3A_1033 : vector<16xf32> to vector<1x16xf32>
      tpu.vector_store %arg4[%swap3A_1035, %swap3A_1036], %swap3A_1039 {strides = array<i32>} : memref<64x1024xf32, #tpu.memory_space<vmem>>, vector<1x16xf32>,
      %get3A_1040 = arith.constant 46 : i32
      %get3A_1041 = arith.index_cast %get3A_1040 : i32 to index
      %get3A_1042 = arith.index_cast %mul3A_50 : i32 to index
      %get3A_1043 = tpu.vector_load %arg4[%get3A_1041, %get3A_1042] {strides = array<i32>} : memref<64x1024xf32, #tpu.memory_space<vmem>>, vector<1x16xf32>,
      %get3A_1044 = vector.shape_cast %get3A_1043 : vector<1x16xf32> to vector<16xf32>
      %add3A_1045 = arith.addf %get3A_1044, %mul3A_442 : vector<16xf32>
      %mul3A_1046 = arith.mulf %add3A_1045, %div3A_439 : vector<16xf32>
      %swap3A_1047 = arith.constant 46 : i32
      %swap3A_1048 = arith.index_cast %swap3A_1047 : i32 to index
      %swap3A_1049 = arith.index_cast %mul3A_50 : i32 to index
      %swap3A_1050 = tpu.vector_load %arg4[%swap3A_1048, %swap3A_1049] {strides = array<i32>} : memref<64x1024xf32, #tpu.memory_space<vmem>>, vector<1x16xf32>,
      %swap3A_1051 = vector.shape_cast %swap3A_1050 : vector<1x16xf32> to vector<16xf32>
      %swap3A_1052 = vector.shape_cast %mul3A_1046 : vector<16xf32> to vector<1x16xf32>
      tpu.vector_store %arg4[%swap3A_1048, %swap3A_1049], %swap3A_1052 {strides = array<i32>} : memref<64x1024xf32, #tpu.memory_space<vmem>>, vector<1x16xf32>,
      %get3A_1053 = arith.constant 47 : i32
      %get3A_1054 = arith.index_cast %get3A_1053 : i32 to index
      %get3A_1055 = arith.index_cast %mul3A_50 : i32 to index
      %get3A_1056 = tpu.vector_load %arg4[%get3A_1054, %get3A_1055] {strides = array<i32>} : memref<64x1024xf32, #tpu.memory_space<vmem>>, vector<1x16xf32>,
      %get3A_1057 = vector.shape_cast %get3A_1056 : vector<1x16xf32> to vector<16xf32>
      %add3A_1058 = arith.addf %get3A_1057, %mul3A_442 : vector<16xf32>
      %mul3A_1059 = arith.mulf %add3A_1058, %div3A_439 : vector<16xf32>
      %swap3A_1060 = arith.constant 47 : i32
      %swap3A_1061 = arith.index_cast %swap3A_1060 : i32 to index
      %swap3A_1062 = arith.index_cast %mul3A_50 : i32 to index
      %swap3A_1063 = tpu.vector_load %arg4[%swap3A_1061, %swap3A_1062] {strides = array<i32>} : memref<64x1024xf32, #tpu.memory_space<vmem>>, vector<1x16xf32>,
      %swap3A_1064 = vector.shape_cast %swap3A_1063 : vector<1x16xf32> to vector<16xf32>
      %swap3A_1065 = vector.shape_cast %mul3A_1059 : vector<16xf32> to vector<1x16xf32>
      tpu.vector_store %arg4[%swap3A_1061, %swap3A_1062], %swap3A_1065 {strides = array<i32>} : memref<64x1024xf32, #tpu.memory_space<vmem>>, vector<1x16xf32>,
      %get3A_1066 = arith.constant 48 : i32
      %get3A_1067 = arith.index_cast %get3A_1066 : i32 to index
      %get3A_1068 = arith.index_cast %mul3A_50 : i32 to index
      %get3A_1069 = tpu.vector_load %arg4[%get3A_1067, %get3A_1068] {strides = array<i32>} : memref<64x1024xf32, #tpu.memory_space<vmem>>, vector<1x16xf32>,
      %get3A_1070 = vector.shape_cast %get3A_1069 : vector<1x16xf32> to vector<16xf32>
      %add3A_1071 = arith.addf %get3A_1070, %mul3A_442 : vector<16xf32>
      %mul3A_1072 = arith.mulf %add3A_1071, %div3A_439 : vector<16xf32>
      %swap3A_1073 = arith.constant 48 : i32
      %swap3A_1074 = arith.index_cast %swap3A_1073 : i32 to index
      %swap3A_1075 = arith.index_cast %mul3A_50 : i32 to index
      %swap3A_1076 = tpu.vector_load %arg4[%swap3A_1074, %swap3A_1075] {strides = array<i32>} : memref<64x1024xf32, #tpu.memory_space<vmem>>, vector<1x16xf32>,
      %swap3A_1077 = vector.shape_cast %swap3A_1076 : vector<1x16xf32> to vector<16xf32>
      %swap3A_1078 = vector.shape_cast %mul3A_1072 : vector<16xf32> to vector<1x16xf32>
      tpu.vector_store %arg4[%swap3A_1074, %swap3A_1075], %swap3A_1078 {strides = array<i32>} : memref<64x1024xf32, #tpu.memory_space<vmem>>, vector<1x16xf32>,
      %get3A_1079 = arith.constant 49 : i32
      %get3A_1080 = arith.index_cast %get3A_1079 : i32 to index
      %get3A_1081 = arith.index_cast %mul3A_50 : i32 to index
      %get3A_1082 = tpu.vector_load %arg4[%get3A_1080, %get3A_1081] {strides = array<i32>} : memref<64x1024xf32, #tpu.memory_space<vmem>>, vector<1x16xf32>,
      %get3A_1083 = vector.shape_cast %get3A_1082 : vector<1x16xf32> to vector<16xf32>
      %add3A_1084 = arith.addf %get3A_1083, %mul3A_442 : vector<16xf32>
      %mul3A_1085 = arith.mulf %add3A_1084, %div3A_439 : vector<16xf32>
      %swap3A_1086 = arith.constant 49 : i32
      %swap3A_1087 = arith.index_cast %swap3A_1086 : i32 to index
      %swap3A_1088 = arith.index_cast %mul3A_50 : i32 to index
      %swap3A_1089 = tpu.vector_load %arg4[%swap3A_1087, %swap3A_1088] {strides = array<i32>} : memref<64x1024xf32, #tpu.memory_space<vmem>>, vector<1x16xf32>,
      %swap3A_1090 = vector.shape_cast %swap3A_1089 : vector<1x16xf32> to vector<16xf32>
      %swap3A_1091 = vector.shape_cast %mul3A_1085 : vector<16xf32> to vector<1x16xf32>
      tpu.vector_store %arg4[%swap3A_1087, %swap3A_1088], %swap3A_1091 {strides = array<i32>} : memref<64x1024xf32, #tpu.memory_space<vmem>>, vector<1x16xf32>,
      %get3A_1092 = arith.constant 50 : i32
      %get3A_1093 = arith.index_cast %get3A_1092 : i32 to index
      %get3A_1094 = arith.index_cast %mul3A_50 : i32 to index
      %get3A_1095 = tpu.vector_load %arg4[%get3A_1093, %get3A_1094] {strides = array<i32>} : memref<64x1024xf32, #tpu.memory_space<vmem>>, vector<1x16xf32>,
      %get3A_1096 = vector.shape_cast %get3A_1095 : vector<1x16xf32> to vector<16xf32>
      %add3A_1097 = arith.addf %get3A_1096, %mul3A_442 : vector<16xf32>
      %mul3A_1098 = arith.mulf %add3A_1097, %div3A_439 : vector<16xf32>
      %swap3A_1099 = arith.constant 50 : i32
      %swap3A_1100 = arith.index_cast %swap3A_1099 : i32 to index
      %swap3A_1101 = arith.index_cast %mul3A_50 : i32 to index
      %swap3A_1102 = tpu.vector_load %arg4[%swap3A_1100, %swap3A_1101] {strides = array<i32>} : memref<64x1024xf32, #tpu.memory_space<vmem>>, vector<1x16xf32>,
      %swap3A_1103 = vector.shape_cast %swap3A_1102 : vector<1x16xf32> to vector<16xf32>
      %swap3A_1104 = vector.shape_cast %mul3A_1098 : vector<16xf32> to vector<1x16xf32>
      tpu.vector_store %arg4[%swap3A_1100, %swap3A_1101], %swap3A_1104 {strides = array<i32>} : memref<64x1024xf32, #tpu.memory_space<vmem>>, vector<1x16xf32>,
      %get3A_1105 = arith.constant 51 : i32
      %get3A_1106 = arith.index_cast %get3A_1105 : i32 to index
      %get3A_1107 = arith.index_cast %mul3A_50 : i32 to index
      %get3A_1108 = tpu.vector_load %arg4[%get3A_1106, %get3A_1107] {strides = array<i32>} : memref<64x1024xf32, #tpu.memory_space<vmem>>, vector<1x16xf32>,
      %get3A_1109 = vector.shape_cast %get3A_1108 : vector<1x16xf32> to vector<16xf32>
      %add3A_1110 = arith.addf %get3A_1109, %mul3A_442 : vector<16xf32>
      %mul3A_1111 = arith.mulf %add3A_1110, %div3A_439 : vector<16xf32>
      %swap3A_1112 = arith.constant 51 : i32
      %swap3A_1113 = arith.index_cast %swap3A_1112 : i32 to index
      %swap3A_1114 = arith.index_cast %mul3A_50 : i32 to index
      %swap3A_1115 = tpu.vector_load %arg4[%swap3A_1113, %swap3A_1114] {strides = array<i32>} : memref<64x1024xf32, #tpu.memory_space<vmem>>, vector<1x16xf32>,
      %swap3A_1116 = vector.shape_cast %swap3A_1115 : vector<1x16xf32> to vector<16xf32>
      %swap3A_1117 = vector.shape_cast %mul3A_1111 : vector<16xf32> to vector<1x16xf32>
      tpu.vector_store %arg4[%swap3A_1113, %swap3A_1114], %swap3A_1117 {strides = array<i32>} : memref<64x1024xf32, #tpu.memory_space<vmem>>, vector<1x16xf32>,
      %get3A_1118 = arith.constant 52 : i32
      %get3A_1119 = arith.index_cast %get3A_1118 : i32 to index
      %get3A_1120 = arith.index_cast %mul3A_50 : i32 to index
      %get3A_1121 = tpu.vector_load %arg4[%get3A_1119, %get3A_1120] {strides = array<i32>} : memref<64x1024xf32, #tpu.memory_space<vmem>>, vector<1x16xf32>,
      %get3A_1122 = vector.shape_cast %get3A_1121 : vector<1x16xf32> to vector<16xf32>
      %add3A_1123 = arith.addf %get3A_1122, %mul3A_442 : vector<16xf32>
      %mul3A_1124 = arith.mulf %add3A_1123, %div3A_439 : vector<16xf32>
      %swap3A_1125 = arith.constant 52 : i32
      %swap3A_1126 = arith.index_cast %swap3A_1125 : i32 to index
      %swap3A_1127 = arith.index_cast %mul3A_50 : i32 to index
      %swap3A_1128 = tpu.vector_load %arg4[%swap3A_1126, %swap3A_1127] {strides = array<i32>} : memref<64x1024xf32, #tpu.memory_space<vmem>>, vector<1x16xf32>,
      %swap3A_1129 = vector.shape_cast %swap3A_1128 : vector<1x16xf32> to vector<16xf32>
      %swap3A_1130 = vector.shape_cast %mul3A_1124 : vector<16xf32> to vector<1x16xf32>
      tpu.vector_store %arg4[%swap3A_1126, %swap3A_1127], %swap3A_1130 {strides = array<i32>} : memref<64x1024xf32, #tpu.memory_space<vmem>>, vector<1x16xf32>,
      %get3A_1131 = arith.constant 53 : i32
      %get3A_1132 = arith.index_cast %get3A_1131 : i32 to index
      %get3A_1133 = arith.index_cast %mul3A_50 : i32 to index
      %get3A_1134 = tpu.vector_load %arg4[%get3A_1132, %get3A_1133] {strides = array<i32>} : memref<64x1024xf32, #tpu.memory_space<vmem>>, vector<1x16xf32>,
      %get3A_1135 = vector.shape_cast %get3A_1134 : vector<1x16xf32> to vector<16xf32>
      %add3A_1136 = arith.addf %get3A_1135, %mul3A_442 : vector<16xf32>
      %mul3A_1137 = arith.mulf %add3A_1136, %div3A_439 : vector<16xf32>
      %swap3A_1138 = arith.constant 53 : i32
      %swap3A_1139 = arith.index_cast %swap3A_1138 : i32 to index
      %swap3A_1140 = arith.index_cast %mul3A_50 : i32 to index
      %swap3A_1141 = tpu.vector_load %arg4[%swap3A_1139, %swap3A_1140] {strides = array<i32>} : memref<64x1024xf32, #tpu.memory_space<vmem>>, vector<1x16xf32>,
      %swap3A_1142 = vector.shape_cast %swap3A_1141 : vector<1x16xf32> to vector<16xf32>
      %swap3A_1143 = vector.shape_cast %mul3A_1137 : vector<16xf32> to vector<1x16xf32>
      tpu.vector_store %arg4[%swap3A_1139, %swap3A_1140], %swap3A_1143 {strides = array<i32>} : memref<64x1024xf32, #tpu.memory_space<vmem>>, vector<1x16xf32>,
      %get3A_1144 = arith.constant 54 : i32
      %get3A_1145 = arith.index_cast %get3A_1144 : i32 to index
      %get3A_1146 = arith.index_cast %mul3A_50 : i32 to index
      %get3A_1147 = tpu.vector_load %arg4[%get3A_1145, %get3A_1146] {strides = array<i32>} : memref<64x1024xf32, #tpu.memory_space<vmem>>, vector<1x16xf32>,
      %get3A_1148 = vector.shape_cast %get3A_1147 : vector<1x16xf32> to vector<16xf32>
      %add3A_1149 = arith.addf %get3A_1148, %mul3A_442 : vector<16xf32>
      %mul3A_1150 = arith.mulf %add3A_1149, %div3A_439 : vector<16xf32>
      %swap3A_1151 = arith.constant 54 : i32
      %swap3A_1152 = arith.index_cast %swap3A_1151 : i32 to index
      %swap3A_1153 = arith.index_cast %mul3A_50 : i32 to index
      %swap3A_1154 = tpu.vector_load %arg4[%swap3A_1152, %swap3A_1153] {strides = array<i32>} : memref<64x1024xf32, #tpu.memory_space<vmem>>, vector<1x16xf32>,
      %swap3A_1155 = vector.shape_cast %swap3A_1154 : vector<1x16xf32> to vector<16xf32>
      %swap3A_1156 = vector.shape_cast %mul3A_1150 : vector<16xf32> to vector<1x16xf32>
      tpu.vector_store %arg4[%swap3A_1152, %swap3A_1153], %swap3A_1156 {strides = array<i32>} : memref<64x1024xf32, #tpu.memory_space<vmem>>, vector<1x16xf32>,
      %get3A_1157 = arith.constant 55 : i32
      %get3A_1158 = arith.index_cast %get3A_1157 : i32 to index
      %get3A_1159 = arith.index_cast %mul3A_50 : i32 to index
      %get3A_1160 = tpu.vector_load %arg4[%get3A_1158, %get3A_1159] {strides = array<i32>} : memref<64x1024xf32, #tpu.memory_space<vmem>>, vector<1x16xf32>,
      %get3A_1161 = vector.shape_cast %get3A_1160 : vector<1x16xf32> to vector<16xf32>
      %add3A_1162 = arith.addf %get3A_1161, %mul3A_442 : vector<16xf32>
      %mul3A_1163 = arith.mulf %add3A_1162, %div3A_439 : vector<16xf32>
      %swap3A_1164 = arith.constant 55 : i32
      %swap3A_1165 = arith.index_cast %swap3A_1164 : i32 to index
      %swap3A_1166 = arith.index_cast %mul3A_50 : i32 to index
      %swap3A_1167 = tpu.vector_load %arg4[%swap3A_1165, %swap3A_1166] {strides = array<i32>} : memref<64x1024xf32, #tpu.memory_space<vmem>>, vector<1x16xf32>,
      %swap3A_1168 = vector.shape_cast %swap3A_1167 : vector<1x16xf32> to vector<16xf32>
      %swap3A_1169 = vector.shape_cast %mul3A_1163 : vector<16xf32> to vector<1x16xf32>
      tpu.vector_store %arg4[%swap3A_1165, %swap3A_1166], %swap3A_1169 {strides = array<i32>} : memref<64x1024xf32, #tpu.memory_space<vmem>>, vector<1x16xf32>,
      %get3A_1170 = arith.constant 56 : i32
      %get3A_1171 = arith.index_cast %get3A_1170 : i32 to index
      %get3A_1172 = arith.index_cast %mul3A_50 : i32 to index
      %get3A_1173 = tpu.vector_load %arg4[%get3A_1171, %get3A_1172] {strides = array<i32>} : memref<64x1024xf32, #tpu.memory_space<vmem>>, vector<1x16xf32>,
      %get3A_1174 = vector.shape_cast %get3A_1173 : vector<1x16xf32> to vector<16xf32>
      %add3A_1175 = arith.addf %get3A_1174, %mul3A_442 : vector<16xf32>
      %mul3A_1176 = arith.mulf %add3A_1175, %div3A_439 : vector<16xf32>
      %swap3A_1177 = arith.constant 56 : i32
      %swap3A_1178 = arith.index_cast %swap3A_1177 : i32 to index
      %swap3A_1179 = arith.index_cast %mul3A_50 : i32 to index
      %swap3A_1180 = tpu.vector_load %arg4[%swap3A_1178, %swap3A_1179] {strides = array<i32>} : memref<64x1024xf32, #tpu.memory_space<vmem>>, vector<1x16xf32>,
      %swap3A_1181 = vector.shape_cast %swap3A_1180 : vector<1x16xf32> to vector<16xf32>
      %swap3A_1182 = vector.shape_cast %mul3A_1176 : vector<16xf32> to vector<1x16xf32>
      tpu.vector_store %arg4[%swap3A_1178, %swap3A_1179], %swap3A_1182 {strides = array<i32>} : memref<64x1024xf32, #tpu.memory_space<vmem>>, vector<1x16xf32>,
      %get3A_1183 = arith.constant 57 : i32
      %get3A_1184 = arith.index_cast %get3A_1183 : i32 to index
      %get3A_1185 = arith.index_cast %mul3A_50 : i32 to index
      %get3A_1186 = tpu.vector_load %arg4[%get3A_1184, %get3A_1185] {strides = array<i32>} : memref<64x1024xf32, #tpu.memory_space<vmem>>, vector<1x16xf32>,
      %get3A_1187 = vector.shape_cast %get3A_1186 : vector<1x16xf32> to vector<16xf32>
      %add3A_1188 = arith.addf %get3A_1187, %mul3A_442 : vector<16xf32>
      %mul3A_1189 = arith.mulf %add3A_1188, %div3A_439 : vector<16xf32>
      %swap3A_1190 = arith.constant 57 : i32
      %swap3A_1191 = arith.index_cast %swap3A_1190 : i32 to index
      %swap3A_1192 = arith.index_cast %mul3A_50 : i32 to index
      %swap3A_1193 = tpu.vector_load %arg4[%swap3A_1191, %swap3A_1192] {strides = array<i32>} : memref<64x1024xf32, #tpu.memory_space<vmem>>, vector<1x16xf32>,
      %swap3A_1194 = vector.shape_cast %swap3A_1193 : vector<1x16xf32> to vector<16xf32>
      %swap3A_1195 = vector.shape_cast %mul3A_1189 : vector<16xf32> to vector<1x16xf32>
      tpu.vector_store %arg4[%swap3A_1191, %swap3A_1192], %swap3A_1195 {strides = array<i32>} : memref<64x1024xf32, #tpu.memory_space<vmem>>, vector<1x16xf32>,
      %get3A_1196 = arith.constant 58 : i32
      %get3A_1197 = arith.index_cast %get3A_1196 : i32 to index
      %get3A_1198 = arith.index_cast %mul3A_50 : i32 to index
      %get3A_1199 = tpu.vector_load %arg4[%get3A_1197, %get3A_1198] {strides = array<i32>} : memref<64x1024xf32, #tpu.memory_space<vmem>>, vector<1x16xf32>,
      %get3A_1200 = vector.shape_cast %get3A_1199 : vector<1x16xf32> to vector<16xf32>
      %add3A_1201 = arith.addf %get3A_1200, %mul3A_442 : vector<16xf32>
      %mul3A_1202 = arith.mulf %add3A_1201, %div3A_439 : vector<16xf32>
      %swap3A_1203 = arith.constant 58 : i32
      %swap3A_1204 = arith.index_cast %swap3A_1203 : i32 to index
      %swap3A_1205 = arith.index_cast %mul3A_50 : i32 to index
      %swap3A_1206 = tpu.vector_load %arg4[%swap3A_1204, %swap3A_1205] {strides = array<i32>} : memref<64x1024xf32, #tpu.memory_space<vmem>>, vector<1x16xf32>,
      %swap3A_1207 = vector.shape_cast %swap3A_1206 : vector<1x16xf32> to vector<16xf32>
      %swap3A_1208 = vector.shape_cast %mul3A_1202 : vector<16xf32> to vector<1x16xf32>
      tpu.vector_store %arg4[%swap3A_1204, %swap3A_1205], %swap3A_1208 {strides = array<i32>} : memref<64x1024xf32, #tpu.memory_space<vmem>>, vector<1x16xf32>,
      %get3A_1209 = arith.constant 59 : i32
      %get3A_1210 = arith.index_cast %get3A_1209 : i32 to index
      %get3A_1211 = arith.index_cast %mul3A_50 : i32 to index
      %get3A_1212 = tpu.vector_load %arg4[%get3A_1210, %get3A_1211] {strides = array<i32>} : memref<64x1024xf32, #tpu.memory_space<vmem>>, vector<1x16xf32>,
      %get3A_1213 = vector.shape_cast %get3A_1212 : vector<1x16xf32> to vector<16xf32>
      %add3A_1214 = arith.addf %get3A_1213, %mul3A_442 : vector<16xf32>
      %mul3A_1215 = arith.mulf %add3A_1214, %div3A_439 : vector<16xf32>
      %swap3A_1216 = arith.constant 59 : i32
      %swap3A_1217 = arith.index_cast %swap3A_1216 : i32 to index
      %swap3A_1218 = arith.index_cast %mul3A_50 : i32 to index
      %swap3A_1219 = tpu.vector_load %arg4[%swap3A_1217, %swap3A_1218] {strides = array<i32>} : memref<64x1024xf32, #tpu.memory_space<vmem>>, vector<1x16xf32>,
      %swap3A_1220 = vector.shape_cast %swap3A_1219 : vector<1x16xf32> to vector<16xf32>
      %swap3A_1221 = vector.shape_cast %mul3A_1215 : vector<16xf32> to vector<1x16xf32>
      tpu.vector_store %arg4[%swap3A_1217, %swap3A_1218], %swap3A_1221 {strides = array<i32>} : memref<64x1024xf32, #tpu.memory_space<vmem>>, vector<1x16xf32>,
      %get3A_1222 = arith.constant 60 : i32
      %get3A_1223 = arith.index_cast %get3A_1222 : i32 to index
      %get3A_1224 = arith.index_cast %mul3A_50 : i32 to index
      %get3A_1225 = tpu.vector_load %arg4[%get3A_1223, %get3A_1224] {strides = array<i32>} : memref<64x1024xf32, #tpu.memory_space<vmem>>, vector<1x16xf32>,
      %get3A_1226 = vector.shape_cast %get3A_1225 : vector<1x16xf32> to vector<16xf32>
      %add3A_1227 = arith.addf %get3A_1226, %mul3A_442 : vector<16xf32>
      %mul3A_1228 = arith.mulf %add3A_1227, %div3A_439 : vector<16xf32>
      %swap3A_1229 = arith.constant 60 : i32
      %swap3A_1230 = arith.index_cast %swap3A_1229 : i32 to index
      %swap3A_1231 = arith.index_cast %mul3A_50 : i32 to index
      %swap3A_1232 = tpu.vector_load %arg4[%swap3A_1230, %swap3A_1231] {strides = array<i32>} : memref<64x1024xf32, #tpu.memory_space<vmem>>, vector<1x16xf32>,
      %swap3A_1233 = vector.shape_cast %swap3A_1232 : vector<1x16xf32> to vector<16xf32>
      %swap3A_1234 = vector.shape_cast %mul3A_1228 : vector<16xf32> to vector<1x16xf32>
      tpu.vector_store %arg4[%swap3A_1230, %swap3A_1231], %swap3A_1234 {strides = array<i32>} : memref<64x1024xf32, #tpu.memory_space<vmem>>, vector<1x16xf32>,
      %get3A_1235 = arith.constant 61 : i32
      %get3A_1236 = arith.index_cast %get3A_1235 : i32 to index
      %get3A_1237 = arith.index_cast %mul3A_50 : i32 to index
      %get3A_1238 = tpu.vector_load %arg4[%get3A_1236, %get3A_1237] {strides = array<i32>} : memref<64x1024xf32, #tpu.memory_space<vmem>>, vector<1x16xf32>,
      %get3A_1239 = vector.shape_cast %get3A_1238 : vector<1x16xf32> to vector<16xf32>
      %add3A_1240 = arith.addf %get3A_1239, %mul3A_442 : vector<16xf32>
      %mul3A_1241 = arith.mulf %add3A_1240, %div3A_439 : vector<16xf32>
      %swap3A_1242 = arith.constant 61 : i32
      %swap3A_1243 = arith.index_cast %swap3A_1242 : i32 to index
      %swap3A_1244 = arith.index_cast %mul3A_50 : i32 to index
      %swap3A_1245 = tpu.vector_load %arg4[%swap3A_1243, %swap3A_1244] {strides = array<i32>} : memref<64x1024xf32, #tpu.memory_space<vmem>>, vector<1x16xf32>,
      %swap3A_1246 = vector.shape_cast %swap3A_1245 : vector<1x16xf32> to vector<16xf32>
      %swap3A_1247 = vector.shape_cast %mul3A_1241 : vector<16xf32> to vector<1x16xf32>
      tpu.vector_store %arg4[%swap3A_1243, %swap3A_1244], %swap3A_1247 {strides = array<i32>} : memref<64x1024xf32, #tpu.memory_space<vmem>>, vector<1x16xf32>,
      %get3A_1248 = arith.constant 62 : i32
      %get3A_1249 = arith.index_cast %get3A_1248 : i32 to index
      %get3A_1250 = arith.index_cast %mul3A_50 : i32 to index
      %get3A_1251 = tpu.vector_load %arg4[%get3A_1249, %get3A_1250] {strides = array<i32>} : memref<64x1024xf32, #tpu.memory_space<vmem>>, vector<1x16xf32>,
      %get3A_1252 = vector.shape_cast %get3A_1251 : vector<1x16xf32> to vector<16xf32>
      %add3A_1253 = arith.addf %get3A_1252, %mul3A_442 : vector<16xf32>
      %mul3A_1254 = arith.mulf %add3A_1253, %div3A_439 : vector<16xf32>
      %swap3A_1255 = arith.constant 62 : i32
      %swap3A_1256 = arith.index_cast %swap3A_1255 : i32 to index
      %swap3A_1257 = arith.index_cast %mul3A_50 : i32 to index
      %swap3A_1258 = tpu.vector_load %arg4[%swap3A_1256, %swap3A_1257] {strides = array<i32>} : memref<64x1024xf32, #tpu.memory_space<vmem>>, vector<1x16xf32>,
      %swap3A_1259 = vector.shape_cast %swap3A_1258 : vector<1x16xf32> to vector<16xf32>
      %swap3A_1260 = vector.shape_cast %mul3A_1254 : vector<16xf32> to vector<1x16xf32>
      tpu.vector_store %arg4[%swap3A_1256, %swap3A_1257], %swap3A_1260 {strides = array<i32>} : memref<64x1024xf32, #tpu.memory_space<vmem>>, vector<1x16xf32>,
      %get3A_1261 = arith.constant 63 : i32
      %get3A_1262 = arith.index_cast %get3A_1261 : i32 to index
      %get3A_1263 = arith.index_cast %mul3A_50 : i32 to index
      %get3A_1264 = tpu.vector_load %arg4[%get3A_1262, %get3A_1263] {strides = array<i32>} : memref<64x1024xf32, #tpu.memory_space<vmem>>, vector<1x16xf32>,
      %get3A_1265 = vector.shape_cast %get3A_1264 : vector<1x16xf32> to vector<16xf32>
      %add3A_1266 = arith.addf %get3A_1265, %mul3A_442 : vector<16xf32>
      %mul3A_1267 = arith.mulf %add3A_1266, %div3A_439 : vector<16xf32>
      %swap3A_1268 = arith.constant 63 : i32
      %swap3A_1269 = arith.index_cast %swap3A_1268 : i32 to index
      %swap3A_1270 = arith.index_cast %mul3A_50 : i32 to index
      %swap3A_1271 = tpu.vector_load %arg4[%swap3A_1269, %swap3A_1270] {strides = array<i32>} : memref<64x1024xf32, #tpu.memory_space<vmem>>, vector<1x16xf32>,
      %swap3A_1272 = vector.shape_cast %swap3A_1271 : vector<1x16xf32> to vector<16xf32>
      %swap3A_1273 = vector.shape_cast %mul3A_1267 : vector<16xf32> to vector<1x16xf32>
      tpu.vector_store %arg4[%swap3A_1269, %swap3A_1270], %swap3A_1273 {strides = array<i32>} : memref<64x1024xf32, #tpu.memory_space<vmem>>, vector<1x16xf32>,
    }
    %scan3A_15 = arith.constant 64 : i32
    %dma_start3A_16 = arith.constant 0 : i32
    %dma_start3A_17 = tpu.memref_slice %arg3[%dma_start3A_16, %add3A_4] : memref<64x65536xf32, #tpu.memory_space<hbm>> -> memref<64x1024xf32, #tpu.memory_space<hbm>>
    %dma_start3A_18 = arith.constant 0 : i32
    %dma_start3A_19 = tpu.memref_slice %arg3[%dma_start3A_18, %add3A_4] : memref<64x65536xf32, #tpu.memory_space<hbm>> -> memref<64x1024xf32, #tpu.memory_space<hbm>>
    tpu.enqueue_dma source(%arg4 : memref<64x1024xf32, #tpu.memory_space<vmem>>) target(%dma_start3A_19 : memref<64x1024xf32, #tpu.memory_space<hbm>>) target_semaphore(%arg6 : memref<!tpu.dma_semaphore, #tpu.memory_space<semaphore_mem>>)
    %dma_wait3A_20 = arith.constant 0 : i32
    %dma_wait3A_21 = tpu.memref_slice %arg3[%dma_wait3A_20, %add3A_4] : memref<64x65536xf32, #tpu.memory_space<hbm>> -> memref<64x1024xf32, #tpu.memory_space<hbm>>
    %dma_wait3A_22 = arith.constant 0 : i32
    %dma_wait3A_23 = tpu.memref_slice %arg3[%dma_wait3A_22, %add3A_4] : memref<64x65536xf32, #tpu.memory_space<hbm>> -> memref<64x1024xf32, #tpu.memory_space<hbm>>
    tpu.wait_dma2 semaphore(%arg6 : memref<!tpu.dma_semaphore, #tpu.memory_space<semaphore_mem>>) src(%arg4 : memref<64x1024xf32, #tpu.memory_space<vmem>>) dst(%dma_wait3A_23 : memref<64x1024xf32, #tpu.memory_space<hbm>>)
    %add3A_24 = arith.constant 1024 : i32
    %add3A_25 = arith.addi %mul3A_2, %add3A_24 : i32
    %dma_start3A_26 = arith.constant 0 : i32
    %dma_start3A_27 = tpu.memref_slice %arg2[%dma_start3A_26, %add3A_25] : memref<64x65536xf32, #tpu.memory_space<hbm>> -> memref<64x1024xf32, #tpu.memory_space<hbm>>
    %dma_start3A_28 = arith.constant 0 : i32
    %dma_start3A_29 = tpu.memref_slice %arg2[%dma_start3A_28, %add3A_25] : memref<64x65536xf32, #tpu.memory_space<hbm>> -> memref<64x1024xf32, #tpu.memory_space<hbm>>
    tpu.enqueue_dma source(%dma_start3A_29 : memref<64x1024xf32, #tpu.memory_space<hbm>>) target(%arg4 : memref<64x1024xf32, #tpu.memory_space<vmem>>) target_semaphore(%arg5 : memref<!tpu.dma_semaphore, #tpu.memory_space<semaphore_mem>>)
    %dma_wait3A_30 = arith.constant 0 : i32
    %dma_wait3A_31 = tpu.memref_slice %arg2[%dma_wait3A_30, %add3A_25] : memref<64x65536xf32, #tpu.memory_space<hbm>> -> memref<64x1024xf32, #tpu.memory_space<hbm>>
    %dma_wait3A_32 = arith.constant 0 : i32
    %dma_wait3A_33 = tpu.memref_slice %arg2[%dma_wait3A_32, %add3A_25] : memref<64x65536xf32, #tpu.memory_space<hbm>> -> memref<64x1024xf32, #tpu.memory_space<hbm>>
    tpu.wait_dma2 semaphore(%arg5 : memref<!tpu.dma_semaphore, #tpu.memory_space<semaphore_mem>>) src(%dma_wait3A_33 : memref<64x1024xf32, #tpu.memory_space<hbm>>) dst(%arg4 : memref<64x1024xf32, #tpu.memory_space<vmem>>)
    %scan3A_34 = arith.constant 0 : i32
    %scan3A_35 = arith.constant 0 : i32
    %scan3A_36 = arith.constant 64 : i32
    %scan3A_37 = arith.addi %scan3A_35, %scan3A_36 : i32
    %scan3A_38 = arith.constant 1 : i32
    scf.for %scan3A_48 = %scan3A_35 to %scan3A_37 step %scan3A_38  : i32 {
      %mul3A_49 = arith.constant 16 : i32
      %mul3A_50 = arith.muli %scan3A_48, %mul3A_49 : i32
      %get3A = arith.constant 0 : i32
      %get3A_51 = arith.index_cast %get3A : i32 to index
      %get3A_52 = arith.index_cast %mul3A_50 : i32 to index
      %get3A_53 = tpu.vector_load %arg4[%get3A_51, %get3A_52] {strides = array<i32>} : memref<64x1024xf32, #tpu.memory_space<vmem>>, vector<1x16xf32>,
      %get3A_54 = vector.shape_cast %get3A_53 : vector<1x16xf32> to vector<16xf32>
      %get3A_55 = arith.constant 1 : i32
      %get3A_56 = arith.index_cast %get3A_55 : i32 to index
      %get3A_57 = arith.index_cast %mul3A_50 : i32 to index
      %get3A_58 = tpu.vector_load %arg4[%get3A_56, %get3A_57] {strides = array<i32>} : memref<64x1024xf32, #tpu.memory_space<vmem>>, vector<1x16xf32>,
      %get3A_59 = vector.shape_cast %get3A_58 : vector<1x16xf32> to vector<16xf32>
      %add3A_60 = arith.addf %get3A_54, %get3A_59 : vector<16xf32>
      %get3A_61 = arith.constant 2 : i32
      %get3A_62 = arith.index_cast %get3A_61 : i32 to index
      %get3A_63 = arith.index_cast %mul3A_50 : i32 to index
      %get3A_64 = tpu.vector_load %arg4[%get3A_62, %get3A_63] {strides = array<i32>} : memref<64x1024xf32, #tpu.memory_space<vmem>>, vector<1x16xf32>,
      %get3A_65 = vector.shape_cast %get3A_64 : vector<1x16xf32> to vector<16xf32>
      %add3A_66 = arith.addf %add3A_60, %get3A_65 : vector<16xf32>
      %get3A_67 = arith.constant 3 : i32
      %get3A_68 = arith.index_cast %get3A_67 : i32 to index
      %get3A_69 = arith.index_cast %mul3A_50 : i32 to index
      %get3A_70 = tpu.vector_load %arg4[%get3A_68, %get3A_69] {strides = array<i32>} : memref<64x1024xf32, #tpu.memory_space<vmem>>, vector<1x16xf32>,
      %get3A_71 = vector.shape_cast %get3A_70 : vector<1x16xf32> to vector<16xf32>
      %add3A_72 = arith.addf %add3A_66, %get3A_71 : vector<16xf32>
      %get3A_73 = arith.constant 4 : i32
      %get3A_74 = arith.index_cast %get3A_73 : i32 to index
      %get3A_75 = arith.index_cast %mul3A_50 : i32 to index
      %get3A_76 = tpu.vector_load %arg4[%get3A_74, %get3A_75] {strides = array<i32>} : memref<64x1024xf32, #tpu.memory_space<vmem>>, vector<1x16xf32>,
      %get3A_77 = vector.shape_cast %get3A_76 : vector<1x16xf32> to vector<16xf32>
      %add3A_78 = arith.addf %add3A_72, %get3A_77 : vector<16xf32>
      %get3A_79 = arith.constant 5 : i32
      %get3A_80 = arith.index_cast %get3A_79 : i32 to index
      %get3A_81 = arith.index_cast %mul3A_50 : i32 to index
      %get3A_82 = tpu.vector_load %arg4[%get3A_80, %get3A_81] {strides = array<i32>} : memref<64x1024xf32, #tpu.memory_space<vmem>>, vector<1x16xf32>,
      %get3A_83 = vector.shape_cast %get3A_82 : vector<1x16xf32> to vector<16xf32>
      %add3A_84 = arith.addf %add3A_78, %get3A_83 : vector<16xf32>
      %get3A_85 = arith.constant 6 : i32
      %get3A_86 = arith.index_cast %get3A_85 : i32 to index
      %get3A_87 = arith.index_cast %mul3A_50 : i32 to index
      %get3A_88 = tpu.vector_load %arg4[%get3A_86, %get3A_87] {strides = array<i32>} : memref<64x1024xf32, #tpu.memory_space<vmem>>, vector<1x16xf32>,
      %get3A_89 = vector.shape_cast %get3A_88 : vector<1x16xf32> to vector<16xf32>
      %add3A_90 = arith.addf %add3A_84, %get3A_89 : vector<16xf32>
      %get3A_91 = arith.constant 7 : i32
      %get3A_92 = arith.index_cast %get3A_91 : i32 to index
      %get3A_93 = arith.index_cast %mul3A_50 : i32 to index
      %get3A_94 = tpu.vector_load %arg4[%get3A_92, %get3A_93] {strides = array<i32>} : memref<64x1024xf32, #tpu.memory_space<vmem>>, vector<1x16xf32>,
      %get3A_95 = vector.shape_cast %get3A_94 : vector<1x16xf32> to vector<16xf32>
      %add3A_96 = arith.addf %add3A_90, %get3A_95 : vector<16xf32>
      %get3A_97 = arith.constant 8 : i32
      %get3A_98 = arith.index_cast %get3A_97 : i32 to index
      %get3A_99 = arith.index_cast %mul3A_50 : i32 to index
      %get3A_100 = tpu.vector_load %arg4[%get3A_98, %get3A_99] {strides = array<i32>} : memref<64x1024xf32, #tpu.memory_space<vmem>>, vector<1x16xf32>,
      %get3A_101 = vector.shape_cast %get3A_100 : vector<1x16xf32> to vector<16xf32>
      %add3A_102 = arith.addf %add3A_96, %get3A_101 : vector<16xf32>
      %get3A_103 = arith.constant 9 : i32
      %get3A_104 = arith.index_cast %get3A_103 : i32 to index
      %get3A_105 = arith.index_cast %mul3A_50 : i32 to index
      %get3A_106 = tpu.vector_load %arg4[%get3A_104, %get3A_105] {strides = array<i32>} : memref<64x1024xf32, #tpu.memory_space<vmem>>, vector<1x16xf32>,
      %get3A_107 = vector.shape_cast %get3A_106 : vector<1x16xf32> to vector<16xf32>
      %add3A_108 = arith.addf %add3A_102, %get3A_107 : vector<16xf32>
      %get3A_109 = arith.constant 10 : i32
      %get3A_110 = arith.index_cast %get3A_109 : i32 to index
      %get3A_111 = arith.index_cast %mul3A_50 : i32 to index
      %get3A_112 = tpu.vector_load %arg4[%get3A_110, %get3A_111] {strides = array<i32>} : memref<64x1024xf32, #tpu.memory_space<vmem>>, vector<1x16xf32>,
      %get3A_113 = vector.shape_cast %get3A_112 : vector<1x16xf32> to vector<16xf32>
      %add3A_114 = arith.addf %add3A_108, %get3A_113 : vector<16xf32>
      %get3A_115 = arith.constant 11 : i32
      %get3A_116 = arith.index_cast %get3A_115 : i32 to index
      %get3A_117 = arith.index_cast %mul3A_50 : i32 to index
      %get3A_118 = tpu.vector_load %arg4[%get3A_116, %get3A_117] {strides = array<i32>} : memref<64x1024xf32, #tpu.memory_space<vmem>>, vector<1x16xf32>,
      %get3A_119 = vector.shape_cast %get3A_118 : vector<1x16xf32> to vector<16xf32>
      %add3A_120 = arith.addf %add3A_114, %get3A_119 : vector<16xf32>
      %get3A_121 = arith.constant 12 : i32
      %get3A_122 = arith.index_cast %get3A_121 : i32 to index
      %get3A_123 = arith.index_cast %mul3A_50 : i32 to index
      %get3A_124 = tpu.vector_load %arg4[%get3A_122, %get3A_123] {strides = array<i32>} : memref<64x1024xf32, #tpu.memory_space<vmem>>, vector<1x16xf32>,
      %get3A_125 = vector.shape_cast %get3A_124 : vector<1x16xf32> to vector<16xf32>
      %add3A_126 = arith.addf %add3A_120, %get3A_125 : vector<16xf32>
      %get3A_127 = arith.constant 13 : i32
      %get3A_128 = arith.index_cast %get3A_127 : i32 to index
      %get3A_129 = arith.index_cast %mul3A_50 : i32 to index
      %get3A_130 = tpu.vector_load %arg4[%get3A_128, %get3A_129] {strides = array<i32>} : memref<64x1024xf32, #tpu.memory_space<vmem>>, vector<1x16xf32>,
      %get3A_131 = vector.shape_cast %get3A_130 : vector<1x16xf32> to vector<16xf32>
      %add3A_132 = arith.addf %add3A_126, %get3A_131 : vector<16xf32>
      %get3A_133 = arith.constant 14 : i32
      %get3A_134 = arith.index_cast %get3A_133 : i32 to index
      %get3A_135 = arith.index_cast %mul3A_50 : i32 to index
      %get3A_136 = tpu.vector_load %arg4[%get3A_134, %get3A_135] {strides = array<i32>} : memref<64x1024xf32, #tpu.memory_space<vmem>>, vector<1x16xf32>,
      %get3A_137 = vector.shape_cast %get3A_136 : vector<1x16xf32> to vector<16xf32>
      %add3A_138 = arith.addf %add3A_132, %get3A_137 : vector<16xf32>
      %get3A_139 = arith.constant 15 : i32
      %get3A_140 = arith.index_cast %get3A_139 : i32 to index
      %get3A_141 = arith.index_cast %mul3A_50 : i32 to index
      %get3A_142 = tpu.vector_load %arg4[%get3A_140, %get3A_141] {strides = array<i32>} : memref<64x1024xf32, #tpu.memory_space<vmem>>, vector<1x16xf32>,
      %get3A_143 = vector.shape_cast %get3A_142 : vector<1x16xf32> to vector<16xf32>
      %add3A_144 = arith.addf %add3A_138, %get3A_143 : vector<16xf32>
      %get3A_145 = arith.constant 16 : i32
      %get3A_146 = arith.index_cast %get3A_145 : i32 to index
      %get3A_147 = arith.index_cast %mul3A_50 : i32 to index
      %get3A_148 = tpu.vector_load %arg4[%get3A_146, %get3A_147] {strides = array<i32>} : memref<64x1024xf32, #tpu.memory_space<vmem>>, vector<1x16xf32>,
      %get3A_149 = vector.shape_cast %get3A_148 : vector<1x16xf32> to vector<16xf32>
      %add3A_150 = arith.addf %add3A_144, %get3A_149 : vector<16xf32>
      %get3A_151 = arith.constant 17 : i32
      %get3A_152 = arith.index_cast %get3A_151 : i32 to index
      %get3A_153 = arith.index_cast %mul3A_50 : i32 to index
      %get3A_154 = tpu.vector_load %arg4[%get3A_152, %get3A_153] {strides = array<i32>} : memref<64x1024xf32, #tpu.memory_space<vmem>>, vector<1x16xf32>,
      %get3A_155 = vector.shape_cast %get3A_154 : vector<1x16xf32> to vector<16xf32>
      %add3A_156 = arith.addf %add3A_150, %get3A_155 : vector<16xf32>
      %get3A_157 = arith.constant 18 : i32
      %get3A_158 = arith.index_cast %get3A_157 : i32 to index
      %get3A_159 = arith.index_cast %mul3A_50 : i32 to index
      %get3A_160 = tpu.vector_load %arg4[%get3A_158, %get3A_159] {strides = array<i32>} : memref<64x1024xf32, #tpu.memory_space<vmem>>, vector<1x16xf32>,
      %get3A_161 = vector.shape_cast %get3A_160 : vector<1x16xf32> to vector<16xf32>
      %add3A_162 = arith.addf %add3A_156, %get3A_161 : vector<16xf32>
      %get3A_163 = arith.constant 19 : i32
      %get3A_164 = arith.index_cast %get3A_163 : i32 to index
      %get3A_165 = arith.index_cast %mul3A_50 : i32 to index
      %get3A_166 = tpu.vector_load %arg4[%get3A_164, %get3A_165] {strides = array<i32>} : memref<64x1024xf32, #tpu.memory_space<vmem>>, vector<1x16xf32>,
      %get3A_167 = vector.shape_cast %get3A_166 : vector<1x16xf32> to vector<16xf32>
      %add3A_168 = arith.addf %add3A_162, %get3A_167 : vector<16xf32>
      %get3A_169 = arith.constant 20 : i32
      %get3A_170 = arith.index_cast %get3A_169 : i32 to index
      %get3A_171 = arith.index_cast %mul3A_50 : i32 to index
      %get3A_172 = tpu.vector_load %arg4[%get3A_170, %get3A_171] {strides = array<i32>} : memref<64x1024xf32, #tpu.memory_space<vmem>>, vector<1x16xf32>,
      %get3A_173 = vector.shape_cast %get3A_172 : vector<1x16xf32> to vector<16xf32>
      %add3A_174 = arith.addf %add3A_168, %get3A_173 : vector<16xf32>
      %get3A_175 = arith.constant 21 : i32
      %get3A_176 = arith.index_cast %get3A_175 : i32 to index
      %get3A_177 = arith.index_cast %mul3A_50 : i32 to index
      %get3A_178 = tpu.vector_load %arg4[%get3A_176, %get3A_177] {strides = array<i32>} : memref<64x1024xf32, #tpu.memory_space<vmem>>, vector<1x16xf32>,
      %get3A_179 = vector.shape_cast %get3A_178 : vector<1x16xf32> to vector<16xf32>
      %add3A_180 = arith.addf %add3A_174, %get3A_179 : vector<16xf32>
      %get3A_181 = arith.constant 22 : i32
      %get3A_182 = arith.index_cast %get3A_181 : i32 to index
      %get3A_183 = arith.index_cast %mul3A_50 : i32 to index
      %get3A_184 = tpu.vector_load %arg4[%get3A_182, %get3A_183] {strides = array<i32>} : memref<64x1024xf32, #tpu.memory_space<vmem>>, vector<1x16xf32>,
      %get3A_185 = vector.shape_cast %get3A_184 : vector<1x16xf32> to vector<16xf32>
      %add3A_186 = arith.addf %add3A_180, %get3A_185 : vector<16xf32>
      %get3A_187 = arith.constant 23 : i32
      %get3A_188 = arith.index_cast %get3A_187 : i32 to index
      %get3A_189 = arith.index_cast %mul3A_50 : i32 to index
      %get3A_190 = tpu.vector_load %arg4[%get3A_188, %get3A_189] {strides = array<i32>} : memref<64x1024xf32, #tpu.memory_space<vmem>>, vector<1x16xf32>,
      %get3A_191 = vector.shape_cast %get3A_190 : vector<1x16xf32> to vector<16xf32>
      %add3A_192 = arith.addf %add3A_186, %get3A_191 : vector<16xf32>
      %get3A_193 = arith.constant 24 : i32
      %get3A_194 = arith.index_cast %get3A_193 : i32 to index
      %get3A_195 = arith.index_cast %mul3A_50 : i32 to index
      %get3A_196 = tpu.vector_load %arg4[%get3A_194, %get3A_195] {strides = array<i32>} : memref<64x1024xf32, #tpu.memory_space<vmem>>, vector<1x16xf32>,
      %get3A_197 = vector.shape_cast %get3A_196 : vector<1x16xf32> to vector<16xf32>
      %add3A_198 = arith.addf %add3A_192, %get3A_197 : vector<16xf32>
      %get3A_199 = arith.constant 25 : i32
      %get3A_200 = arith.index_cast %get3A_199 : i32 to index
      %get3A_201 = arith.index_cast %mul3A_50 : i32 to index
      %get3A_202 = tpu.vector_load %arg4[%get3A_200, %get3A_201] {strides = array<i32>} : memref<64x1024xf32, #tpu.memory_space<vmem>>, vector<1x16xf32>,
      %get3A_203 = vector.shape_cast %get3A_202 : vector<1x16xf32> to vector<16xf32>
      %add3A_204 = arith.addf %add3A_198, %get3A_203 : vector<16xf32>
      %get3A_205 = arith.constant 26 : i32
      %get3A_206 = arith.index_cast %get3A_205 : i32 to index
      %get3A_207 = arith.index_cast %mul3A_50 : i32 to index
      %get3A_208 = tpu.vector_load %arg4[%get3A_206, %get3A_207] {strides = array<i32>} : memref<64x1024xf32, #tpu.memory_space<vmem>>, vector<1x16xf32>,
      %get3A_209 = vector.shape_cast %get3A_208 : vector<1x16xf32> to vector<16xf32>
      %add3A_210 = arith.addf %add3A_204, %get3A_209 : vector<16xf32>
      %get3A_211 = arith.constant 27 : i32
      %get3A_212 = arith.index_cast %get3A_211 : i32 to index
      %get3A_213 = arith.index_cast %mul3A_50 : i32 to index
      %get3A_214 = tpu.vector_load %arg4[%get3A_212, %get3A_213] {strides = array<i32>} : memref<64x1024xf32, #tpu.memory_space<vmem>>, vector<1x16xf32>,
      %get3A_215 = vector.shape_cast %get3A_214 : vector<1x16xf32> to vector<16xf32>
      %add3A_216 = arith.addf %add3A_210, %get3A_215 : vector<16xf32>
      %get3A_217 = arith.constant 28 : i32
      %get3A_218 = arith.index_cast %get3A_217 : i32 to index
      %get3A_219 = arith.index_cast %mul3A_50 : i32 to index
      %get3A_220 = tpu.vector_load %arg4[%get3A_218, %get3A_219] {strides = array<i32>} : memref<64x1024xf32, #tpu.memory_space<vmem>>, vector<1x16xf32>,
      %get3A_221 = vector.shape_cast %get3A_220 : vector<1x16xf32> to vector<16xf32>
      %add3A_222 = arith.addf %add3A_216, %get3A_221 : vector<16xf32>
      %get3A_223 = arith.constant 29 : i32
      %get3A_224 = arith.index_cast %get3A_223 : i32 to index
      %get3A_225 = arith.index_cast %mul3A_50 : i32 to index
      %get3A_226 = tpu.vector_load %arg4[%get3A_224, %get3A_225] {strides = array<i32>} : memref<64x1024xf32, #tpu.memory_space<vmem>>, vector<1x16xf32>,
      %get3A_227 = vector.shape_cast %get3A_226 : vector<1x16xf32> to vector<16xf32>
      %add3A_228 = arith.addf %add3A_222, %get3A_227 : vector<16xf32>
      %get3A_229 = arith.constant 30 : i32
      %get3A_230 = arith.index_cast %get3A_229 : i32 to index
      %get3A_231 = arith.index_cast %mul3A_50 : i32 to index
      %get3A_232 = tpu.vector_load %arg4[%get3A_230, %get3A_231] {strides = array<i32>} : memref<64x1024xf32, #tpu.memory_space<vmem>>, vector<1x16xf32>,
      %get3A_233 = vector.shape_cast %get3A_232 : vector<1x16xf32> to vector<16xf32>
      %add3A_234 = arith.addf %add3A_228, %get3A_233 : vector<16xf32>
      %get3A_235 = arith.constant 31 : i32
      %get3A_236 = arith.index_cast %get3A_235 : i32 to index
      %get3A_237 = arith.index_cast %mul3A_50 : i32 to index
      %get3A_238 = tpu.vector_load %arg4[%get3A_236, %get3A_237] {strides = array<i32>} : memref<64x1024xf32, #tpu.memory_space<vmem>>, vector<1x16xf32>,
      %get3A_239 = vector.shape_cast %get3A_238 : vector<1x16xf32> to vector<16xf32>
      %add3A_240 = arith.addf %add3A_234, %get3A_239 : vector<16xf32>
      %get3A_241 = arith.constant 32 : i32
      %get3A_242 = arith.index_cast %get3A_241 : i32 to index
      %get3A_243 = arith.index_cast %mul3A_50 : i32 to index
      %get3A_244 = tpu.vector_load %arg4[%get3A_242, %get3A_243] {strides = array<i32>} : memref<64x1024xf32, #tpu.memory_space<vmem>>, vector<1x16xf32>,
      %get3A_245 = vector.shape_cast %get3A_244 : vector<1x16xf32> to vector<16xf32>
      %add3A_246 = arith.addf %add3A_240, %get3A_245 : vector<16xf32>
      %get3A_247 = arith.constant 33 : i32
      %get3A_248 = arith.index_cast %get3A_247 : i32 to index
      %get3A_249 = arith.index_cast %mul3A_50 : i32 to index
      %get3A_250 = tpu.vector_load %arg4[%get3A_248, %get3A_249] {strides = array<i32>} : memref<64x1024xf32, #tpu.memory_space<vmem>>, vector<1x16xf32>,
      %get3A_251 = vector.shape_cast %get3A_250 : vector<1x16xf32> to vector<16xf32>
      %add3A_252 = arith.addf %add3A_246, %get3A_251 : vector<16xf32>
      %get3A_253 = arith.constant 34 : i32
      %get3A_254 = arith.index_cast %get3A_253 : i32 to index
      %get3A_255 = arith.index_cast %mul3A_50 : i32 to index
      %get3A_256 = tpu.vector_load %arg4[%get3A_254, %get3A_255] {strides = array<i32>} : memref<64x1024xf32, #tpu.memory_space<vmem>>, vector<1x16xf32>,
      %get3A_257 = vector.shape_cast %get3A_256 : vector<1x16xf32> to vector<16xf32>
      %add3A_258 = arith.addf %add3A_252, %get3A_257 : vector<16xf32>
      %get3A_259 = arith.constant 35 : i32
      %get3A_260 = arith.index_cast %get3A_259 : i32 to index
      %get3A_261 = arith.index_cast %mul3A_50 : i32 to index
      %get3A_262 = tpu.vector_load %arg4[%get3A_260, %get3A_261] {strides = array<i32>} : memref<64x1024xf32, #tpu.memory_space<vmem>>, vector<1x16xf32>,
      %get3A_263 = vector.shape_cast %get3A_262 : vector<1x16xf32> to vector<16xf32>
      %add3A_264 = arith.addf %add3A_258, %get3A_263 : vector<16xf32>
      %get3A_265 = arith.constant 36 : i32
      %get3A_266 = arith.index_cast %get3A_265 : i32 to index
      %get3A_267 = arith.index_cast %mul3A_50 : i32 to index
      %get3A_268 = tpu.vector_load %arg4[%get3A_266, %get3A_267] {strides = array<i32>} : memref<64x1024xf32, #tpu.memory_space<vmem>>, vector<1x16xf32>,
      %get3A_269 = vector.shape_cast %get3A_268 : vector<1x16xf32> to vector<16xf32>
      %add3A_270 = arith.addf %add3A_264, %get3A_269 : vector<16xf32>
      %get3A_271 = arith.constant 37 : i32
      %get3A_272 = arith.index_cast %get3A_271 : i32 to index
      %get3A_273 = arith.index_cast %mul3A_50 : i32 to index
      %get3A_274 = tpu.vector_load %arg4[%get3A_272, %get3A_273] {strides = array<i32>} : memref<64x1024xf32, #tpu.memory_space<vmem>>, vector<1x16xf32>,
      %get3A_275 = vector.shape_cast %get3A_274 : vector<1x16xf32> to vector<16xf32>
      %add3A_276 = arith.addf %add3A_270, %get3A_275 : vector<16xf32>
      %get3A_277 = arith.constant 38 : i32
      %get3A_278 = arith.index_cast %get3A_277 : i32 to index
      %get3A_279 = arith.index_cast %mul3A_50 : i32 to index
      %get3A_280 = tpu.vector_load %arg4[%get3A_278, %get3A_279] {strides = array<i32>} : memref<64x1024xf32, #tpu.memory_space<vmem>>, vector<1x16xf32>,
      %get3A_281 = vector.shape_cast %get3A_280 : vector<1x16xf32> to vector<16xf32>
      %add3A_282 = arith.addf %add3A_276, %get3A_281 : vector<16xf32>
      %get3A_283 = arith.constant 39 : i32
      %get3A_284 = arith.index_cast %get3A_283 : i32 to index
      %get3A_285 = arith.index_cast %mul3A_50 : i32 to index
      %get3A_286 = tpu.vector_load %arg4[%get3A_284, %get3A_285] {strides = array<i32>} : memref<64x1024xf32, #tpu.memory_space<vmem>>, vector<1x16xf32>,
      %get3A_287 = vector.shape_cast %get3A_286 : vector<1x16xf32> to vector<16xf32>
      %add3A_288 = arith.addf %add3A_282, %get3A_287 : vector<16xf32>
      %get3A_289 = arith.constant 40 : i32
      %get3A_290 = arith.index_cast %get3A_289 : i32 to index
      %get3A_291 = arith.index_cast %mul3A_50 : i32 to index
      %get3A_292 = tpu.vector_load %arg4[%get3A_290, %get3A_291] {strides = array<i32>} : memref<64x1024xf32, #tpu.memory_space<vmem>>, vector<1x16xf32>,
      %get3A_293 = vector.shape_cast %get3A_292 : vector<1x16xf32> to vector<16xf32>
      %add3A_294 = arith.addf %add3A_288, %get3A_293 : vector<16xf32>
      %get3A_295 = arith.constant 41 : i32
      %get3A_296 = arith.index_cast %get3A_295 : i32 to index
      %get3A_297 = arith.index_cast %mul3A_50 : i32 to index
      %get3A_298 = tpu.vector_load %arg4[%get3A_296, %get3A_297] {strides = array<i32>} : memref<64x1024xf32, #tpu.memory_space<vmem>>, vector<1x16xf32>,
      %get3A_299 = vector.shape_cast %get3A_298 : vector<1x16xf32> to vector<16xf32>
      %add3A_300 = arith.addf %add3A_294, %get3A_299 : vector<16xf32>
      %get3A_301 = arith.constant 42 : i32
      %get3A_302 = arith.index_cast %get3A_301 : i32 to index
      %get3A_303 = arith.index_cast %mul3A_50 : i32 to index
      %get3A_304 = tpu.vector_load %arg4[%get3A_302, %get3A_303] {strides = array<i32>} : memref<64x1024xf32, #tpu.memory_space<vmem>>, vector<1x16xf32>,
      %get3A_305 = vector.shape_cast %get3A_304 : vector<1x16xf32> to vector<16xf32>
      %add3A_306 = arith.addf %add3A_300, %get3A_305 : vector<16xf32>
      %get3A_307 = arith.constant 43 : i32
      %get3A_308 = arith.index_cast %get3A_307 : i32 to index
      %get3A_309 = arith.index_cast %mul3A_50 : i32 to index
      %get3A_310 = tpu.vector_load %arg4[%get3A_308, %get3A_309] {strides = array<i32>} : memref<64x1024xf32, #tpu.memory_space<vmem>>, vector<1x16xf32>,
      %get3A_311 = vector.shape_cast %get3A_310 : vector<1x16xf32> to vector<16xf32>
      %add3A_312 = arith.addf %add3A_306, %get3A_311 : vector<16xf32>
      %get3A_313 = arith.constant 44 : i32
      %get3A_314 = arith.index_cast %get3A_313 : i32 to index
      %get3A_315 = arith.index_cast %mul3A_50 : i32 to index
      %get3A_316 = tpu.vector_load %arg4[%get3A_314, %get3A_315] {strides = array<i32>} : memref<64x1024xf32, #tpu.memory_space<vmem>>, vector<1x16xf32>,
      %get3A_317 = vector.shape_cast %get3A_316 : vector<1x16xf32> to vector<16xf32>
      %add3A_318 = arith.addf %add3A_312, %get3A_317 : vector<16xf32>
      %get3A_319 = arith.constant 45 : i32
      %get3A_320 = arith.index_cast %get3A_319 : i32 to index
      %get3A_321 = arith.index_cast %mul3A_50 : i32 to index
      %get3A_322 = tpu.vector_load %arg4[%get3A_320, %get3A_321] {strides = array<i32>} : memref<64x1024xf32, #tpu.memory_space<vmem>>, vector<1x16xf32>,
      %get3A_323 = vector.shape_cast %get3A_322 : vector<1x16xf32> to vector<16xf32>
      %add3A_324 = arith.addf %add3A_318, %get3A_323 : vector<16xf32>
      %get3A_325 = arith.constant 46 : i32
      %get3A_326 = arith.index_cast %get3A_325 : i32 to index
      %get3A_327 = arith.index_cast %mul3A_50 : i32 to index
      %get3A_328 = tpu.vector_load %arg4[%get3A_326, %get3A_327] {strides = array<i32>} : memref<64x1024xf32, #tpu.memory_space<vmem>>, vector<1x16xf32>,
      %get3A_329 = vector.shape_cast %get3A_328 : vector<1x16xf32> to vector<16xf32>
      %add3A_330 = arith.addf %add3A_324, %get3A_329 : vector<16xf32>
      %get3A_331 = arith.constant 47 : i32
      %get3A_332 = arith.index_cast %get3A_331 : i32 to index
      %get3A_333 = arith.index_cast %mul3A_50 : i32 to index
      %get3A_334 = tpu.vector_load %arg4[%get3A_332, %get3A_333] {strides = array<i32>} : memref<64x1024xf32, #tpu.memory_space<vmem>>, vector<1x16xf32>,
      %get3A_335 = vector.shape_cast %get3A_334 : vector<1x16xf32> to vector<16xf32>
      %add3A_336 = arith.addf %add3A_330, %get3A_335 : vector<16xf32>
      %get3A_337 = arith.constant 48 : i32
      %get3A_338 = arith.index_cast %get3A_337 : i32 to index
      %get3A_339 = arith.index_cast %mul3A_50 : i32 to index
      %get3A_340 = tpu.vector_load %arg4[%get3A_338, %get3A_339] {strides = array<i32>} : memref<64x1024xf32, #tpu.memory_space<vmem>>, vector<1x16xf32>,
      %get3A_341 = vector.shape_cast %get3A_340 : vector<1x16xf32> to vector<16xf32>
      %add3A_342 = arith.addf %add3A_336, %get3A_341 : vector<16xf32>
      %get3A_343 = arith.constant 49 : i32
      %get3A_344 = arith.index_cast %get3A_343 : i32 to index
      %get3A_345 = arith.index_cast %mul3A_50 : i32 to index
      %get3A_346 = tpu.vector_load %arg4[%get3A_344, %get3A_345] {strides = array<i32>} : memref<64x1024xf32, #tpu.memory_space<vmem>>, vector<1x16xf32>,
      %get3A_347 = vector.shape_cast %get3A_346 : vector<1x16xf32> to vector<16xf32>
      %add3A_348 = arith.addf %add3A_342, %get3A_347 : vector<16xf32>
      %get3A_349 = arith.constant 50 : i32
      %get3A_350 = arith.index_cast %get3A_349 : i32 to index
      %get3A_351 = arith.index_cast %mul3A_50 : i32 to index
      %get3A_352 = tpu.vector_load %arg4[%get3A_350, %get3A_351] {strides = array<i32>} : memref<64x1024xf32, #tpu.memory_space<vmem>>, vector<1x16xf32>,
      %get3A_353 = vector.shape_cast %get3A_352 : vector<1x16xf32> to vector<16xf32>
      %add3A_354 = arith.addf %add3A_348, %get3A_353 : vector<16xf32>
      %get3A_355 = arith.constant 51 : i32
      %get3A_356 = arith.index_cast %get3A_355 : i32 to index
      %get3A_357 = arith.index_cast %mul3A_50 : i32 to index
      %get3A_358 = tpu.vector_load %arg4[%get3A_356, %get3A_357] {strides = array<i32>} : memref<64x1024xf32, #tpu.memory_space<vmem>>, vector<1x16xf32>,
      %get3A_359 = vector.shape_cast %get3A_358 : vector<1x16xf32> to vector<16xf32>
      %add3A_360 = arith.addf %add3A_354, %get3A_359 : vector<16xf32>
      %get3A_361 = arith.constant 52 : i32
      %get3A_362 = arith.index_cast %get3A_361 : i32 to index
      %get3A_363 = arith.index_cast %mul3A_50 : i32 to index
      %get3A_364 = tpu.vector_load %arg4[%get3A_362, %get3A_363] {strides = array<i32>} : memref<64x1024xf32, #tpu.memory_space<vmem>>, vector<1x16xf32>,
      %get3A_365 = vector.shape_cast %get3A_364 : vector<1x16xf32> to vector<16xf32>
      %add3A_366 = arith.addf %add3A_360, %get3A_365 : vector<16xf32>
      %get3A_367 = arith.constant 53 : i32
      %get3A_368 = arith.index_cast %get3A_367 : i32 to index
      %get3A_369 = arith.index_cast %mul3A_50 : i32 to index
      %get3A_370 = tpu.vector_load %arg4[%get3A_368, %get3A_369] {strides = array<i32>} : memref<64x1024xf32, #tpu.memory_space<vmem>>, vector<1x16xf32>,
      %get3A_371 = vector.shape_cast %get3A_370 : vector<1x16xf32> to vector<16xf32>
      %add3A_372 = arith.addf %add3A_366, %get3A_371 : vector<16xf32>
      %get3A_373 = arith.constant 54 : i32
      %get3A_374 = arith.index_cast %get3A_373 : i32 to index
      %get3A_375 = arith.index_cast %mul3A_50 : i32 to index
      %get3A_376 = tpu.vector_load %arg4[%get3A_374, %get3A_375] {strides = array<i32>} : memref<64x1024xf32, #tpu.memory_space<vmem>>, vector<1x16xf32>,
      %get3A_377 = vector.shape_cast %get3A_376 : vector<1x16xf32> to vector<16xf32>
      %add3A_378 = arith.addf %add3A_372, %get3A_377 : vector<16xf32>
      %get3A_379 = arith.constant 55 : i32
      %get3A_380 = arith.index_cast %get3A_379 : i32 to index
      %get3A_381 = arith.index_cast %mul3A_50 : i32 to index
      %get3A_382 = tpu.vector_load %arg4[%get3A_380, %get3A_381] {strides = array<i32>} : memref<64x1024xf32, #tpu.memory_space<vmem>>, vector<1x16xf32>,
      %get3A_383 = vector.shape_cast %get3A_382 : vector<1x16xf32> to vector<16xf32>
      %add3A_384 = arith.addf %add3A_378, %get3A_383 : vector<16xf32>
      %get3A_385 = arith.constant 56 : i32
      %get3A_386 = arith.index_cast %get3A_385 : i32 to index
      %get3A_387 = arith.index_cast %mul3A_50 : i32 to index
      %get3A_388 = tpu.vector_load %arg4[%get3A_386, %get3A_387] {strides = array<i32>} : memref<64x1024xf32, #tpu.memory_space<vmem>>, vector<1x16xf32>,
      %get3A_389 = vector.shape_cast %get3A_388 : vector<1x16xf32> to vector<16xf32>
      %add3A_390 = arith.addf %add3A_384, %get3A_389 : vector<16xf32>
      %get3A_391 = arith.constant 57 : i32
      %get3A_392 = arith.index_cast %get3A_391 : i32 to index
      %get3A_393 = arith.index_cast %mul3A_50 : i32 to index
      %get3A_394 = tpu.vector_load %arg4[%get3A_392, %get3A_393] {strides = array<i32>} : memref<64x1024xf32, #tpu.memory_space<vmem>>, vector<1x16xf32>,
      %get3A_395 = vector.shape_cast %get3A_394 : vector<1x16xf32> to vector<16xf32>
      %add3A_396 = arith.addf %add3A_390, %get3A_395 : vector<16xf32>
      %get3A_397 = arith.constant 58 : i32
      %get3A_398 = arith.index_cast %get3A_397 : i32 to index
      %get3A_399 = arith.index_cast %mul3A_50 : i32 to index
      %get3A_400 = tpu.vector_load %arg4[%get3A_398, %get3A_399] {strides = array<i32>} : memref<64x1024xf32, #tpu.memory_space<vmem>>, vector<1x16xf32>,
      %get3A_401 = vector.shape_cast %get3A_400 : vector<1x16xf32> to vector<16xf32>
      %add3A_402 = arith.addf %add3A_396, %get3A_401 : vector<16xf32>
      %get3A_403 = arith.constant 59 : i32
      %get3A_404 = arith.index_cast %get3A_403 : i32 to index
      %get3A_405 = arith.index_cast %mul3A_50 : i32 to index
      %get3A_406 = tpu.vector_load %arg4[%get3A_404, %get3A_405] {strides = array<i32>} : memref<64x1024xf32, #tpu.memory_space<vmem>>, vector<1x16xf32>,
      %get3A_407 = vector.shape_cast %get3A_406 : vector<1x16xf32> to vector<16xf32>
      %add3A_408 = arith.addf %add3A_402, %get3A_407 : vector<16xf32>
      %get3A_409 = arith.constant 60 : i32
      %get3A_410 = arith.index_cast %get3A_409 : i32 to index
      %get3A_411 = arith.index_cast %mul3A_50 : i32 to index
      %get3A_412 = tpu.vector_load %arg4[%get3A_410, %get3A_411] {strides = array<i32>} : memref<64x1024xf32, #tpu.memory_space<vmem>>, vector<1x16xf32>,
      %get3A_413 = vector.shape_cast %get3A_412 : vector<1x16xf32> to vector<16xf32>
      %add3A_414 = arith.addf %add3A_408, %get3A_413 : vector<16xf32>
      %get3A_415 = arith.constant 61 : i32
      %get3A_416 = arith.index_cast %get3A_415 : i32 to index
      %get3A_417 = arith.index_cast %mul3A_50 : i32 to index
      %get3A_418 = tpu.vector_load %arg4[%get3A_416, %get3A_417] {strides = array<i32>} : memref<64x1024xf32, #tpu.memory_space<vmem>>, vector<1x16xf32>,
      %get3A_419 = vector.shape_cast %get3A_418 : vector<1x16xf32> to vector<16xf32>
      %add3A_420 = arith.addf %add3A_414, %get3A_419 : vector<16xf32>
      %get3A_421 = arith.constant 62 : i32
      %get3A_422 = arith.index_cast %get3A_421 : i32 to index
      %get3A_423 = arith.index_cast %mul3A_50 : i32 to index
      %get3A_424 = tpu.vector_load %arg4[%get3A_422, %get3A_423] {strides = array<i32>} : memref<64x1024xf32, #tpu.memory_space<vmem>>, vector<1x16xf32>,
      %get3A_425 = vector.shape_cast %get3A_424 : vector<1x16xf32> to vector<16xf32>
      %add3A_426 = arith.addf %add3A_420, %get3A_425 : vector<16xf32>
      %get3A_427 = arith.constant 63 : i32
      %get3A_428 = arith.index_cast %get3A_427 : i32 to index
      %get3A_429 = arith.index_cast %mul3A_50 : i32 to index
      %get3A_430 = tpu.vector_load %arg4[%get3A_428, %get3A_429] {strides = array<i32>} : memref<64x1024xf32, #tpu.memory_space<vmem>>, vector<1x16xf32>,
      %get3A_431 = vector.shape_cast %get3A_430 : vector<1x16xf32> to vector<16xf32>
      %add3A_432 = arith.addf %add3A_426, %get3A_431 : vector<16xf32>
      %sub3A = arith.constant 9.99999974E-6 : f32
      %sub3A_433 = vector.broadcast %sub3A : f32 to vector<16xf32>
      %sub3A_434 = arith.subf %sub3A_433, %add3A_432 : vector<16xf32>
      %max3A = arith.constant 0.000000e+00 : f32
      %max3A_435 = vector.broadcast %max3A : f32 to vector<16xf32>
      %max3A_436 = arith.maximumf %sub3A_434, %max3A_435 : vector<16xf32>
      %add3A_437 = arith.addf %add3A_432, %max3A_436 : vector<16xf32>
      %div3A = arith.constant 1.000000e+00 : f32
      %div3A_438 = vector.broadcast %div3A : f32 to vector<16xf32>
      %div3A_439 = arith.divf %div3A_438, %add3A_437 : vector<16xf32>
      %mul3A_440 = arith.constant 1.562500e-02 : f32
      %mul3A_441 = vector.broadcast %mul3A_440 : f32 to vector<16xf32>
      %mul3A_442 = arith.mulf %max3A_436, %mul3A_441 : vector<16xf32>
      %get3A_443 = arith.constant 0 : i32
      %get3A_444 = arith.index_cast %get3A_443 : i32 to index
      %get3A_445 = arith.index_cast %mul3A_50 : i32 to index
      %get3A_446 = tpu.vector_load %arg4[%get3A_444, %get3A_445] {strides = array<i32>} : memref<64x1024xf32, #tpu.memory_space<vmem>>, vector<1x16xf32>,
      %get3A_447 = vector.shape_cast %get3A_446 : vector<1x16xf32> to vector<16xf32>
      %add3A_448 = arith.addf %get3A_447, %mul3A_442 : vector<16xf32>
      %mul3A_449 = arith.mulf %add3A_448, %div3A_439 : vector<16xf32>
      %swap3A = arith.constant 0 : i32
      %swap3A_450 = arith.index_cast %swap3A : i32 to index
      %swap3A_451 = arith.index_cast %mul3A_50 : i32 to index
      %swap3A_452 = tpu.vector_load %arg4[%swap3A_450, %swap3A_451] {strides = array<i32>} : memref<64x1024xf32, #tpu.memory_space<vmem>>, vector<1x16xf32>,
      %swap3A_453 = vector.shape_cast %swap3A_452 : vector<1x16xf32> to vector<16xf32>
      %swap3A_454 = vector.shape_cast %mul3A_449 : vector<16xf32> to vector<1x16xf32>
      tpu.vector_store %arg4[%swap3A_450, %swap3A_451], %swap3A_454 {strides = array<i32>} : memref<64x1024xf32, #tpu.memory_space<vmem>>, vector<1x16xf32>,
      %get3A_455 = arith.constant 1 : i32
      %get3A_456 = arith.index_cast %get3A_455 : i32 to index
      %get3A_457 = arith.index_cast %mul3A_50 : i32 to index
      %get3A_458 = tpu.vector_load %arg4[%get3A_456, %get3A_457] {strides = array<i32>} : memref<64x1024xf32, #tpu.memory_space<vmem>>, vector<1x16xf32>,
      %get3A_459 = vector.shape_cast %get3A_458 : vector<1x16xf32> to vector<16xf32>
      %add3A_460 = arith.addf %get3A_459, %mul3A_442 : vector<16xf32>
      %mul3A_461 = arith.mulf %add3A_460, %div3A_439 : vector<16xf32>
      %swap3A_462 = arith.constant 1 : i32
      %swap3A_463 = arith.index_cast %swap3A_462 : i32 to index
      %swap3A_464 = arith.index_cast %mul3A_50 : i32 to index
      %swap3A_465 = tpu.vector_load %arg4[%swap3A_463, %swap3A_464] {strides = array<i32>} : memref<64x1024xf32, #tpu.memory_space<vmem>>, vector<1x16xf32>,
      %swap3A_466 = vector.shape_cast %swap3A_465 : vector<1x16xf32> to vector<16xf32>
      %swap3A_467 = vector.shape_cast %mul3A_461 : vector<16xf32> to vector<1x16xf32>
      tpu.vector_store %arg4[%swap3A_463, %swap3A_464], %swap3A_467 {strides = array<i32>} : memref<64x1024xf32, #tpu.memory_space<vmem>>, vector<1x16xf32>,
      %get3A_468 = arith.constant 2 : i32
      %get3A_469 = arith.index_cast %get3A_468 : i32 to index
      %get3A_470 = arith.index_cast %mul3A_50 : i32 to index
      %get3A_471 = tpu.vector_load %arg4[%get3A_469, %get3A_470] {strides = array<i32>} : memref<64x1024xf32, #tpu.memory_space<vmem>>, vector<1x16xf32>,
      %get3A_472 = vector.shape_cast %get3A_471 : vector<1x16xf32> to vector<16xf32>
      %add3A_473 = arith.addf %get3A_472, %mul3A_442 : vector<16xf32>
      %mul3A_474 = arith.mulf %add3A_473, %div3A_439 : vector<16xf32>
      %swap3A_475 = arith.constant 2 : i32
      %swap3A_476 = arith.index_cast %swap3A_475 : i32 to index
      %swap3A_477 = arith.index_cast %mul3A_50 : i32 to index
      %swap3A_478 = tpu.vector_load %arg4[%swap3A_476, %swap3A_477] {strides = array<i32>} : memref<64x1024xf32, #tpu.memory_space<vmem>>, vector<1x16xf32>,
      %swap3A_479 = vector.shape_cast %swap3A_478 : vector<1x16xf32> to vector<16xf32>
      %swap3A_480 = vector.shape_cast %mul3A_474 : vector<16xf32> to vector<1x16xf32>
      tpu.vector_store %arg4[%swap3A_476, %swap3A_477], %swap3A_480 {strides = array<i32>} : memref<64x1024xf32, #tpu.memory_space<vmem>>, vector<1x16xf32>,
      %get3A_481 = arith.constant 3 : i32
      %get3A_482 = arith.index_cast %get3A_481 : i32 to index
      %get3A_483 = arith.index_cast %mul3A_50 : i32 to index
      %get3A_484 = tpu.vector_load %arg4[%get3A_482, %get3A_483] {strides = array<i32>} : memref<64x1024xf32, #tpu.memory_space<vmem>>, vector<1x16xf32>,
      %get3A_485 = vector.shape_cast %get3A_484 : vector<1x16xf32> to vector<16xf32>
      %add3A_486 = arith.addf %get3A_485, %mul3A_442 : vector<16xf32>
      %mul3A_487 = arith.mulf %add3A_486, %div3A_439 : vector<16xf32>
      %swap3A_488 = arith.constant 3 : i32
      %swap3A_489 = arith.index_cast %swap3A_488 : i32 to index
      %swap3A_490 = arith.index_cast %mul3A_50 : i32 to index
      %swap3A_491 = tpu.vector_load %arg4[%swap3A_489, %swap3A_490] {strides = array<i32>} : memref<64x1024xf32, #tpu.memory_space<vmem>>, vector<1x16xf32>,
      %swap3A_492 = vector.shape_cast %swap3A_491 : vector<1x16xf32> to vector<16xf32>
      %swap3A_493 = vector.shape_cast %mul3A_487 : vector<16xf32> to vector<1x16xf32>
      tpu.vector_store %arg4[%swap3A_489, %swap3A_490], %swap3A_493 {strides = array<i32>} : memref<64x1024xf32, #tpu.memory_space<vmem>>, vector<1x16xf32>,
      %get3A_494 = arith.constant 4 : i32
      %get3A_495 = arith.index_cast %get3A_494 : i32 to index
      %get3A_496 = arith.index_cast %mul3A_50 : i32 to index
      %get3A_497 = tpu.vector_load %arg4[%get3A_495, %get3A_496] {strides = array<i32>} : memref<64x1024xf32, #tpu.memory_space<vmem>>, vector<1x16xf32>,
      %get3A_498 = vector.shape_cast %get3A_497 : vector<1x16xf32> to vector<16xf32>
      %add3A_499 = arith.addf %get3A_498, %mul3A_442 : vector<16xf32>
      %mul3A_500 = arith.mulf %add3A_499, %div3A_439 : vector<16xf32>
      %swap3A_501 = arith.constant 4 : i32
      %swap3A_502 = arith.index_cast %swap3A_501 : i32 to index
      %swap3A_503 = arith.index_cast %mul3A_50 : i32 to index
      %swap3A_504 = tpu.vector_load %arg4[%swap3A_502, %swap3A_503] {strides = array<i32>} : memref<64x1024xf32, #tpu.memory_space<vmem>>, vector<1x16xf32>,
      %swap3A_505 = vector.shape_cast %swap3A_504 : vector<1x16xf32> to vector<16xf32>
      %swap3A_506 = vector.shape_cast %mul3A_500 : vector<16xf32> to vector<1x16xf32>
      tpu.vector_store %arg4[%swap3A_502, %swap3A_503], %swap3A_506 {strides = array<i32>} : memref<64x1024xf32, #tpu.memory_space<vmem>>, vector<1x16xf32>,
      %get3A_507 = arith.constant 5 : i32
      %get3A_508 = arith.index_cast %get3A_507 : i32 to index
      %get3A_509 = arith.index_cast %mul3A_50 : i32 to index
      %get3A_510 = tpu.vector_load %arg4[%get3A_508, %get3A_509] {strides = array<i32>} : memref<64x1024xf32, #tpu.memory_space<vmem>>, vector<1x16xf32>,
      %get3A_511 = vector.shape_cast %get3A_510 : vector<1x16xf32> to vector<16xf32>
      %add3A_512 = arith.addf %get3A_511, %mul3A_442 : vector<16xf32>
      %mul3A_513 = arith.mulf %add3A_512, %div3A_439 : vector<16xf32>
      %swap3A_514 = arith.constant 5 : i32
      %swap3A_515 = arith.index_cast %swap3A_514 : i32 to index
      %swap3A_516 = arith.index_cast %mul3A_50 : i32 to index
      %swap3A_517 = tpu.vector_load %arg4[%swap3A_515, %swap3A_516] {strides = array<i32>} : memref<64x1024xf32, #tpu.memory_space<vmem>>, vector<1x16xf32>,
      %swap3A_518 = vector.shape_cast %swap3A_517 : vector<1x16xf32> to vector<16xf32>
      %swap3A_519 = vector.shape_cast %mul3A_513 : vector<16xf32> to vector<1x16xf32>
      tpu.vector_store %arg4[%swap3A_515, %swap3A_516], %swap3A_519 {strides = array<i32>} : memref<64x1024xf32, #tpu.memory_space<vmem>>, vector<1x16xf32>,
      %get3A_520 = arith.constant 6 : i32
      %get3A_521 = arith.index_cast %get3A_520 : i32 to index
      %get3A_522 = arith.index_cast %mul3A_50 : i32 to index
      %get3A_523 = tpu.vector_load %arg4[%get3A_521, %get3A_522] {strides = array<i32>} : memref<64x1024xf32, #tpu.memory_space<vmem>>, vector<1x16xf32>,
      %get3A_524 = vector.shape_cast %get3A_523 : vector<1x16xf32> to vector<16xf32>
      %add3A_525 = arith.addf %get3A_524, %mul3A_442 : vector<16xf32>
      %mul3A_526 = arith.mulf %add3A_525, %div3A_439 : vector<16xf32>
      %swap3A_527 = arith.constant 6 : i32
      %swap3A_528 = arith.index_cast %swap3A_527 : i32 to index
      %swap3A_529 = arith.index_cast %mul3A_50 : i32 to index
      %swap3A_530 = tpu.vector_load %arg4[%swap3A_528, %swap3A_529] {strides = array<i32>} : memref<64x1024xf32, #tpu.memory_space<vmem>>, vector<1x16xf32>,
      %swap3A_531 = vector.shape_cast %swap3A_530 : vector<1x16xf32> to vector<16xf32>
      %swap3A_532 = vector.shape_cast %mul3A_526 : vector<16xf32> to vector<1x16xf32>
      tpu.vector_store %arg4[%swap3A_528, %swap3A_529], %swap3A_532 {strides = array<i32>} : memref<64x1024xf32, #tpu.memory_space<vmem>>, vector<1x16xf32>,
      %get3A_533 = arith.constant 7 : i32
      %get3A_534 = arith.index_cast %get3A_533 : i32 to index
      %get3A_535 = arith.index_cast %mul3A_50 : i32 to index
      %get3A_536 = tpu.vector_load %arg4[%get3A_534, %get3A_535] {strides = array<i32>} : memref<64x1024xf32, #tpu.memory_space<vmem>>, vector<1x16xf32>,
      %get3A_537 = vector.shape_cast %get3A_536 : vector<1x16xf32> to vector<16xf32>
      %add3A_538 = arith.addf %get3A_537, %mul3A_442 : vector<16xf32>
      %mul3A_539 = arith.mulf %add3A_538, %div3A_439 : vector<16xf32>
      %swap3A_540 = arith.constant 7 : i32
      %swap3A_541 = arith.index_cast %swap3A_540 : i32 to index
      %swap3A_542 = arith.index_cast %mul3A_50 : i32 to index
      %swap3A_543 = tpu.vector_load %arg4[%swap3A_541, %swap3A_542] {strides = array<i32>} : memref<64x1024xf32, #tpu.memory_space<vmem>>, vector<1x16xf32>,
      %swap3A_544 = vector.shape_cast %swap3A_543 : vector<1x16xf32> to vector<16xf32>
      %swap3A_545 = vector.shape_cast %mul3A_539 : vector<16xf32> to vector<1x16xf32>
      tpu.vector_store %arg4[%swap3A_541, %swap3A_542], %swap3A_545 {strides = array<i32>} : memref<64x1024xf32, #tpu.memory_space<vmem>>, vector<1x16xf32>,
      %get3A_546 = arith.constant 8 : i32
      %get3A_547 = arith.index_cast %get3A_546 : i32 to index
      %get3A_548 = arith.index_cast %mul3A_50 : i32 to index
      %get3A_549 = tpu.vector_load %arg4[%get3A_547, %get3A_548] {strides = array<i32>} : memref<64x1024xf32, #tpu.memory_space<vmem>>, vector<1x16xf32>,
      %get3A_550 = vector.shape_cast %get3A_549 : vector<1x16xf32> to vector<16xf32>
      %add3A_551 = arith.addf %get3A_550, %mul3A_442 : vector<16xf32>
      %mul3A_552 = arith.mulf %add3A_551, %div3A_439 : vector<16xf32>
      %swap3A_553 = arith.constant 8 : i32
      %swap3A_554 = arith.index_cast %swap3A_553 : i32 to index
      %swap3A_555 = arith.index_cast %mul3A_50 : i32 to index
      %swap3A_556 = tpu.vector_load %arg4[%swap3A_554, %swap3A_555] {strides = array<i32>} : memref<64x1024xf32, #tpu.memory_space<vmem>>, vector<1x16xf32>,
      %swap3A_557 = vector.shape_cast %swap3A_556 : vector<1x16xf32> to vector<16xf32>
      %swap3A_558 = vector.shape_cast %mul3A_552 : vector<16xf32> to vector<1x16xf32>
      tpu.vector_store %arg4[%swap3A_554, %swap3A_555], %swap3A_558 {strides = array<i32>} : memref<64x1024xf32, #tpu.memory_space<vmem>>, vector<1x16xf32>,
      %get3A_559 = arith.constant 9 : i32
      %get3A_560 = arith.index_cast %get3A_559 : i32 to index
      %get3A_561 = arith.index_cast %mul3A_50 : i32 to index
      %get3A_562 = tpu.vector_load %arg4[%get3A_560, %get3A_561] {strides = array<i32>} : memref<64x1024xf32, #tpu.memory_space<vmem>>, vector<1x16xf32>,
      %get3A_563 = vector.shape_cast %get3A_562 : vector<1x16xf32> to vector<16xf32>
      %add3A_564 = arith.addf %get3A_563, %mul3A_442 : vector<16xf32>
      %mul3A_565 = arith.mulf %add3A_564, %div3A_439 : vector<16xf32>
      %swap3A_566 = arith.constant 9 : i32
      %swap3A_567 = arith.index_cast %swap3A_566 : i32 to index
      %swap3A_568 = arith.index_cast %mul3A_50 : i32 to index
      %swap3A_569 = tpu.vector_load %arg4[%swap3A_567, %swap3A_568] {strides = array<i32>} : memref<64x1024xf32, #tpu.memory_space<vmem>>, vector<1x16xf32>,
      %swap3A_570 = vector.shape_cast %swap3A_569 : vector<1x16xf32> to vector<16xf32>
      %swap3A_571 = vector.shape_cast %mul3A_565 : vector<16xf32> to vector<1x16xf32>
      tpu.vector_store %arg4[%swap3A_567, %swap3A_568], %swap3A_571 {strides = array<i32>} : memref<64x1024xf32, #tpu.memory_space<vmem>>, vector<1x16xf32>,
      %get3A_572 = arith.constant 10 : i32
      %get3A_573 = arith.index_cast %get3A_572 : i32 to index
      %get3A_574 = arith.index_cast %mul3A_50 : i32 to index
      %get3A_575 = tpu.vector_load %arg4[%get3A_573, %get3A_574] {strides = array<i32>} : memref<64x1024xf32, #tpu.memory_space<vmem>>, vector<1x16xf32>,
      %get3A_576 = vector.shape_cast %get3A_575 : vector<1x16xf32> to vector<16xf32>
      %add3A_577 = arith.addf %get3A_576, %mul3A_442 : vector<16xf32>
      %mul3A_578 = arith.mulf %add3A_577, %div3A_439 : vector<16xf32>
      %swap3A_579 = arith.constant 10 : i32
      %swap3A_580 = arith.index_cast %swap3A_579 : i32 to index
      %swap3A_581 = arith.index_cast %mul3A_50 : i32 to index
      %swap3A_582 = tpu.vector_load %arg4[%swap3A_580, %swap3A_581] {strides = array<i32>} : memref<64x1024xf32, #tpu.memory_space<vmem>>, vector<1x16xf32>,
      %swap3A_583 = vector.shape_cast %swap3A_582 : vector<1x16xf32> to vector<16xf32>
      %swap3A_584 = vector.shape_cast %mul3A_578 : vector<16xf32> to vector<1x16xf32>
      tpu.vector_store %arg4[%swap3A_580, %swap3A_581], %swap3A_584 {strides = array<i32>} : memref<64x1024xf32, #tpu.memory_space<vmem>>, vector<1x16xf32>,
      %get3A_585 = arith.constant 11 : i32
      %get3A_586 = arith.index_cast %get3A_585 : i32 to index
      %get3A_587 = arith.index_cast %mul3A_50 : i32 to index
      %get3A_588 = tpu.vector_load %arg4[%get3A_586, %get3A_587] {strides = array<i32>} : memref<64x1024xf32, #tpu.memory_space<vmem>>, vector<1x16xf32>,
      %get3A_589 = vector.shape_cast %get3A_588 : vector<1x16xf32> to vector<16xf32>
      %add3A_590 = arith.addf %get3A_589, %mul3A_442 : vector<16xf32>
      %mul3A_591 = arith.mulf %add3A_590, %div3A_439 : vector<16xf32>
      %swap3A_592 = arith.constant 11 : i32
      %swap3A_593 = arith.index_cast %swap3A_592 : i32 to index
      %swap3A_594 = arith.index_cast %mul3A_50 : i32 to index
      %swap3A_595 = tpu.vector_load %arg4[%swap3A_593, %swap3A_594] {strides = array<i32>} : memref<64x1024xf32, #tpu.memory_space<vmem>>, vector<1x16xf32>,
      %swap3A_596 = vector.shape_cast %swap3A_595 : vector<1x16xf32> to vector<16xf32>
      %swap3A_597 = vector.shape_cast %mul3A_591 : vector<16xf32> to vector<1x16xf32>
      tpu.vector_store %arg4[%swap3A_593, %swap3A_594], %swap3A_597 {strides = array<i32>} : memref<64x1024xf32, #tpu.memory_space<vmem>>, vector<1x16xf32>,
      %get3A_598 = arith.constant 12 : i32
      %get3A_599 = arith.index_cast %get3A_598 : i32 to index
      %get3A_600 = arith.index_cast %mul3A_50 : i32 to index
      %get3A_601 = tpu.vector_load %arg4[%get3A_599, %get3A_600] {strides = array<i32>} : memref<64x1024xf32, #tpu.memory_space<vmem>>, vector<1x16xf32>,
      %get3A_602 = vector.shape_cast %get3A_601 : vector<1x16xf32> to vector<16xf32>
      %add3A_603 = arith.addf %get3A_602, %mul3A_442 : vector<16xf32>
      %mul3A_604 = arith.mulf %add3A_603, %div3A_439 : vector<16xf32>
      %swap3A_605 = arith.constant 12 : i32
      %swap3A_606 = arith.index_cast %swap3A_605 : i32 to index
      %swap3A_607 = arith.index_cast %mul3A_50 : i32 to index
      %swap3A_608 = tpu.vector_load %arg4[%swap3A_606, %swap3A_607] {strides = array<i32>} : memref<64x1024xf32, #tpu.memory_space<vmem>>, vector<1x16xf32>,
      %swap3A_609 = vector.shape_cast %swap3A_608 : vector<1x16xf32> to vector<16xf32>
      %swap3A_610 = vector.shape_cast %mul3A_604 : vector<16xf32> to vector<1x16xf32>
      tpu.vector_store %arg4[%swap3A_606, %swap3A_607], %swap3A_610 {strides = array<i32>} : memref<64x1024xf32, #tpu.memory_space<vmem>>, vector<1x16xf32>,
      %get3A_611 = arith.constant 13 : i32
      %get3A_612 = arith.index_cast %get3A_611 : i32 to index
      %get3A_613 = arith.index_cast %mul3A_50 : i32 to index
      %get3A_614 = tpu.vector_load %arg4[%get3A_612, %get3A_613] {strides = array<i32>} : memref<64x1024xf32, #tpu.memory_space<vmem>>, vector<1x16xf32>,
      %get3A_615 = vector.shape_cast %get3A_614 : vector<1x16xf32> to vector<16xf32>
      %add3A_616 = arith.addf %get3A_615, %mul3A_442 : vector<16xf32>
      %mul3A_617 = arith.mulf %add3A_616, %div3A_439 : vector<16xf32>
      %swap3A_618 = arith.constant 13 : i32
      %swap3A_619 = arith.index_cast %swap3A_618 : i32 to index
      %swap3A_620 = arith.index_cast %mul3A_50 : i32 to index
      %swap3A_621 = tpu.vector_load %arg4[%swap3A_619, %swap3A_620] {strides = array<i32>} : memref<64x1024xf32, #tpu.memory_space<vmem>>, vector<1x16xf32>,
      %swap3A_622 = vector.shape_cast %swap3A_621 : vector<1x16xf32> to vector<16xf32>
      %swap3A_623 = vector.shape_cast %mul3A_617 : vector<16xf32> to vector<1x16xf32>
      tpu.vector_store %arg4[%swap3A_619, %swap3A_620], %swap3A_623 {strides = array<i32>} : memref<64x1024xf32, #tpu.memory_space<vmem>>, vector<1x16xf32>,
      %get3A_624 = arith.constant 14 : i32
      %get3A_625 = arith.index_cast %get3A_624 : i32 to index
      %get3A_626 = arith.index_cast %mul3A_50 : i32 to index
      %get3A_627 = tpu.vector_load %arg4[%get3A_625, %get3A_626] {strides = array<i32>} : memref<64x1024xf32, #tpu.memory_space<vmem>>, vector<1x16xf32>,
      %get3A_628 = vector.shape_cast %get3A_627 : vector<1x16xf32> to vector<16xf32>
      %add3A_629 = arith.addf %get3A_628, %mul3A_442 : vector<16xf32>
      %mul3A_630 = arith.mulf %add3A_629, %div3A_439 : vector<16xf32>
      %swap3A_631 = arith.constant 14 : i32
      %swap3A_632 = arith.index_cast %swap3A_631 : i32 to index
      %swap3A_633 = arith.index_cast %mul3A_50 : i32 to index
      %swap3A_634 = tpu.vector_load %arg4[%swap3A_632, %swap3A_633] {strides = array<i32>} : memref<64x1024xf32, #tpu.memory_space<vmem>>, vector<1x16xf32>,
      %swap3A_635 = vector.shape_cast %swap3A_634 : vector<1x16xf32> to vector<16xf32>
      %swap3A_636 = vector.shape_cast %mul3A_630 : vector<16xf32> to vector<1x16xf32>
      tpu.vector_store %arg4[%swap3A_632, %swap3A_633], %swap3A_636 {strides = array<i32>} : memref<64x1024xf32, #tpu.memory_space<vmem>>, vector<1x16xf32>,
      %get3A_637 = arith.constant 15 : i32
      %get3A_638 = arith.index_cast %get3A_637 : i32 to index
      %get3A_639 = arith.index_cast %mul3A_50 : i32 to index
      %get3A_640 = tpu.vector_load %arg4[%get3A_638, %get3A_639] {strides = array<i32>} : memref<64x1024xf32, #tpu.memory_space<vmem>>, vector<1x16xf32>,
      %get3A_641 = vector.shape_cast %get3A_640 : vector<1x16xf32> to vector<16xf32>
      %add3A_642 = arith.addf %get3A_641, %mul3A_442 : vector<16xf32>
      %mul3A_643 = arith.mulf %add3A_642, %div3A_439 : vector<16xf32>
      %swap3A_644 = arith.constant 15 : i32
      %swap3A_645 = arith.index_cast %swap3A_644 : i32 to index
      %swap3A_646 = arith.index_cast %mul3A_50 : i32 to index
      %swap3A_647 = tpu.vector_load %arg4[%swap3A_645, %swap3A_646] {strides = array<i32>} : memref<64x1024xf32, #tpu.memory_space<vmem>>, vector<1x16xf32>,
      %swap3A_648 = vector.shape_cast %swap3A_647 : vector<1x16xf32> to vector<16xf32>
      %swap3A_649 = vector.shape_cast %mul3A_643 : vector<16xf32> to vector<1x16xf32>
      tpu.vector_store %arg4[%swap3A_645, %swap3A_646], %swap3A_649 {strides = array<i32>} : memref<64x1024xf32, #tpu.memory_space<vmem>>, vector<1x16xf32>,
      %get3A_650 = arith.constant 16 : i32
      %get3A_651 = arith.index_cast %get3A_650 : i32 to index
      %get3A_652 = arith.index_cast %mul3A_50 : i32 to index
      %get3A_653 = tpu.vector_load %arg4[%get3A_651, %get3A_652] {strides = array<i32>} : memref<64x1024xf32, #tpu.memory_space<vmem>>, vector<1x16xf32>,
      %get3A_654 = vector.shape_cast %get3A_653 : vector<1x16xf32> to vector<16xf32>
      %add3A_655 = arith.addf %get3A_654, %mul3A_442 : vector<16xf32>
      %mul3A_656 = arith.mulf %add3A_655, %div3A_439 : vector<16xf32>
      %swap3A_657 = arith.constant 16 : i32
      %swap3A_658 = arith.index_cast %swap3A_657 : i32 to index
      %swap3A_659 = arith.index_cast %mul3A_50 : i32 to index
      %swap3A_660 = tpu.vector_load %arg4[%swap3A_658, %swap3A_659] {strides = array<i32>} : memref<64x1024xf32, #tpu.memory_space<vmem>>, vector<1x16xf32>,
      %swap3A_661 = vector.shape_cast %swap3A_660 : vector<1x16xf32> to vector<16xf32>
      %swap3A_662 = vector.shape_cast %mul3A_656 : vector<16xf32> to vector<1x16xf32>
      tpu.vector_store %arg4[%swap3A_658, %swap3A_659], %swap3A_662 {strides = array<i32>} : memref<64x1024xf32, #tpu.memory_space<vmem>>, vector<1x16xf32>,
      %get3A_663 = arith.constant 17 : i32
      %get3A_664 = arith.index_cast %get3A_663 : i32 to index
      %get3A_665 = arith.index_cast %mul3A_50 : i32 to index
      %get3A_666 = tpu.vector_load %arg4[%get3A_664, %get3A_665] {strides = array<i32>} : memref<64x1024xf32, #tpu.memory_space<vmem>>, vector<1x16xf32>,
      %get3A_667 = vector.shape_cast %get3A_666 : vector<1x16xf32> to vector<16xf32>
      %add3A_668 = arith.addf %get3A_667, %mul3A_442 : vector<16xf32>
      %mul3A_669 = arith.mulf %add3A_668, %div3A_439 : vector<16xf32>
      %swap3A_670 = arith.constant 17 : i32
      %swap3A_671 = arith.index_cast %swap3A_670 : i32 to index
      %swap3A_672 = arith.index_cast %mul3A_50 : i32 to index
      %swap3A_673 = tpu.vector_load %arg4[%swap3A_671, %swap3A_672] {strides = array<i32>} : memref<64x1024xf32, #tpu.memory_space<vmem>>, vector<1x16xf32>,
      %swap3A_674 = vector.shape_cast %swap3A_673 : vector<1x16xf32> to vector<16xf32>
      %swap3A_675 = vector.shape_cast %mul3A_669 : vector<16xf32> to vector<1x16xf32>
      tpu.vector_store %arg4[%swap3A_671, %swap3A_672], %swap3A_675 {strides = array<i32>} : memref<64x1024xf32, #tpu.memory_space<vmem>>, vector<1x16xf32>,
      %get3A_676 = arith.constant 18 : i32
      %get3A_677 = arith.index_cast %get3A_676 : i32 to index
      %get3A_678 = arith.index_cast %mul3A_50 : i32 to index
      %get3A_679 = tpu.vector_load %arg4[%get3A_677, %get3A_678] {strides = array<i32>} : memref<64x1024xf32, #tpu.memory_space<vmem>>, vector<1x16xf32>,
      %get3A_680 = vector.shape_cast %get3A_679 : vector<1x16xf32> to vector<16xf32>
      %add3A_681 = arith.addf %get3A_680, %mul3A_442 : vector<16xf32>
      %mul3A_682 = arith.mulf %add3A_681, %div3A_439 : vector<16xf32>
      %swap3A_683 = arith.constant 18 : i32
      %swap3A_684 = arith.index_cast %swap3A_683 : i32 to index
      %swap3A_685 = arith.index_cast %mul3A_50 : i32 to index
      %swap3A_686 = tpu.vector_load %arg4[%swap3A_684, %swap3A_685] {strides = array<i32>} : memref<64x1024xf32, #tpu.memory_space<vmem>>, vector<1x16xf32>,
      %swap3A_687 = vector.shape_cast %swap3A_686 : vector<1x16xf32> to vector<16xf32>
      %swap3A_688 = vector.shape_cast %mul3A_682 : vector<16xf32> to vector<1x16xf32>
      tpu.vector_store %arg4[%swap3A_684, %swap3A_685], %swap3A_688 {strides = array<i32>} : memref<64x1024xf32, #tpu.memory_space<vmem>>, vector<1x16xf32>,
      %get3A_689 = arith.constant 19 : i32
      %get3A_690 = arith.index_cast %get3A_689 : i32 to index
      %get3A_691 = arith.index_cast %mul3A_50 : i32 to index
      %get3A_692 = tpu.vector_load %arg4[%get3A_690, %get3A_691] {strides = array<i32>} : memref<64x1024xf32, #tpu.memory_space<vmem>>, vector<1x16xf32>,
      %get3A_693 = vector.shape_cast %get3A_692 : vector<1x16xf32> to vector<16xf32>
      %add3A_694 = arith.addf %get3A_693, %mul3A_442 : vector<16xf32>
      %mul3A_695 = arith.mulf %add3A_694, %div3A_439 : vector<16xf32>
      %swap3A_696 = arith.constant 19 : i32
      %swap3A_697 = arith.index_cast %swap3A_696 : i32 to index
      %swap3A_698 = arith.index_cast %mul3A_50 : i32 to index
      %swap3A_699 = tpu.vector_load %arg4[%swap3A_697, %swap3A_698] {strides = array<i32>} : memref<64x1024xf32, #tpu.memory_space<vmem>>, vector<1x16xf32>,
      %swap3A_700 = vector.shape_cast %swap3A_699 : vector<1x16xf32> to vector<16xf32>
      %swap3A_701 = vector.shape_cast %mul3A_695 : vector<16xf32> to vector<1x16xf32>
      tpu.vector_store %arg4[%swap3A_697, %swap3A_698], %swap3A_701 {strides = array<i32>} : memref<64x1024xf32, #tpu.memory_space<vmem>>, vector<1x16xf32>,
      %get3A_702 = arith.constant 20 : i32
      %get3A_703 = arith.index_cast %get3A_702 : i32 to index
      %get3A_704 = arith.index_cast %mul3A_50 : i32 to index
      %get3A_705 = tpu.vector_load %arg4[%get3A_703, %get3A_704] {strides = array<i32>} : memref<64x1024xf32, #tpu.memory_space<vmem>>, vector<1x16xf32>,
      %get3A_706 = vector.shape_cast %get3A_705 : vector<1x16xf32> to vector<16xf32>
      %add3A_707 = arith.addf %get3A_706, %mul3A_442 : vector<16xf32>
      %mul3A_708 = arith.mulf %add3A_707, %div3A_439 : vector<16xf32>
      %swap3A_709 = arith.constant 20 : i32
      %swap3A_710 = arith.index_cast %swap3A_709 : i32 to index
      %swap3A_711 = arith.index_cast %mul3A_50 : i32 to index
      %swap3A_712 = tpu.vector_load %arg4[%swap3A_710, %swap3A_711] {strides = array<i32>} : memref<64x1024xf32, #tpu.memory_space<vmem>>, vector<1x16xf32>,
      %swap3A_713 = vector.shape_cast %swap3A_712 : vector<1x16xf32> to vector<16xf32>
      %swap3A_714 = vector.shape_cast %mul3A_708 : vector<16xf32> to vector<1x16xf32>
      tpu.vector_store %arg4[%swap3A_710, %swap3A_711], %swap3A_714 {strides = array<i32>} : memref<64x1024xf32, #tpu.memory_space<vmem>>, vector<1x16xf32>,
      %get3A_715 = arith.constant 21 : i32
      %get3A_716 = arith.index_cast %get3A_715 : i32 to index
      %get3A_717 = arith.index_cast %mul3A_50 : i32 to index
      %get3A_718 = tpu.vector_load %arg4[%get3A_716, %get3A_717] {strides = array<i32>} : memref<64x1024xf32, #tpu.memory_space<vmem>>, vector<1x16xf32>,
      %get3A_719 = vector.shape_cast %get3A_718 : vector<1x16xf32> to vector<16xf32>
      %add3A_720 = arith.addf %get3A_719, %mul3A_442 : vector<16xf32>
      %mul3A_721 = arith.mulf %add3A_720, %div3A_439 : vector<16xf32>
      %swap3A_722 = arith.constant 21 : i32
      %swap3A_723 = arith.index_cast %swap3A_722 : i32 to index
      %swap3A_724 = arith.index_cast %mul3A_50 : i32 to index
      %swap3A_725 = tpu.vector_load %arg4[%swap3A_723, %swap3A_724] {strides = array<i32>} : memref<64x1024xf32, #tpu.memory_space<vmem>>, vector<1x16xf32>,
      %swap3A_726 = vector.shape_cast %swap3A_725 : vector<1x16xf32> to vector<16xf32>
      %swap3A_727 = vector.shape_cast %mul3A_721 : vector<16xf32> to vector<1x16xf32>
      tpu.vector_store %arg4[%swap3A_723, %swap3A_724], %swap3A_727 {strides = array<i32>} : memref<64x1024xf32, #tpu.memory_space<vmem>>, vector<1x16xf32>,
      %get3A_728 = arith.constant 22 : i32
      %get3A_729 = arith.index_cast %get3A_728 : i32 to index
      %get3A_730 = arith.index_cast %mul3A_50 : i32 to index
      %get3A_731 = tpu.vector_load %arg4[%get3A_729, %get3A_730] {strides = array<i32>} : memref<64x1024xf32, #tpu.memory_space<vmem>>, vector<1x16xf32>,
      %get3A_732 = vector.shape_cast %get3A_731 : vector<1x16xf32> to vector<16xf32>
      %add3A_733 = arith.addf %get3A_732, %mul3A_442 : vector<16xf32>
      %mul3A_734 = arith.mulf %add3A_733, %div3A_439 : vector<16xf32>
      %swap3A_735 = arith.constant 22 : i32
      %swap3A_736 = arith.index_cast %swap3A_735 : i32 to index
      %swap3A_737 = arith.index_cast %mul3A_50 : i32 to index
      %swap3A_738 = tpu.vector_load %arg4[%swap3A_736, %swap3A_737] {strides = array<i32>} : memref<64x1024xf32, #tpu.memory_space<vmem>>, vector<1x16xf32>,
      %swap3A_739 = vector.shape_cast %swap3A_738 : vector<1x16xf32> to vector<16xf32>
      %swap3A_740 = vector.shape_cast %mul3A_734 : vector<16xf32> to vector<1x16xf32>
      tpu.vector_store %arg4[%swap3A_736, %swap3A_737], %swap3A_740 {strides = array<i32>} : memref<64x1024xf32, #tpu.memory_space<vmem>>, vector<1x16xf32>,
      %get3A_741 = arith.constant 23 : i32
      %get3A_742 = arith.index_cast %get3A_741 : i32 to index
      %get3A_743 = arith.index_cast %mul3A_50 : i32 to index
      %get3A_744 = tpu.vector_load %arg4[%get3A_742, %get3A_743] {strides = array<i32>} : memref<64x1024xf32, #tpu.memory_space<vmem>>, vector<1x16xf32>,
      %get3A_745 = vector.shape_cast %get3A_744 : vector<1x16xf32> to vector<16xf32>
      %add3A_746 = arith.addf %get3A_745, %mul3A_442 : vector<16xf32>
      %mul3A_747 = arith.mulf %add3A_746, %div3A_439 : vector<16xf32>
      %swap3A_748 = arith.constant 23 : i32
      %swap3A_749 = arith.index_cast %swap3A_748 : i32 to index
      %swap3A_750 = arith.index_cast %mul3A_50 : i32 to index
      %swap3A_751 = tpu.vector_load %arg4[%swap3A_749, %swap3A_750] {strides = array<i32>} : memref<64x1024xf32, #tpu.memory_space<vmem>>, vector<1x16xf32>,
      %swap3A_752 = vector.shape_cast %swap3A_751 : vector<1x16xf32> to vector<16xf32>
      %swap3A_753 = vector.shape_cast %mul3A_747 : vector<16xf32> to vector<1x16xf32>
      tpu.vector_store %arg4[%swap3A_749, %swap3A_750], %swap3A_753 {strides = array<i32>} : memref<64x1024xf32, #tpu.memory_space<vmem>>, vector<1x16xf32>,
      %get3A_754 = arith.constant 24 : i32
      %get3A_755 = arith.index_cast %get3A_754 : i32 to index
      %get3A_756 = arith.index_cast %mul3A_50 : i32 to index
      %get3A_757 = tpu.vector_load %arg4[%get3A_755, %get3A_756] {strides = array<i32>} : memref<64x1024xf32, #tpu.memory_space<vmem>>, vector<1x16xf32>,
      %get3A_758 = vector.shape_cast %get3A_757 : vector<1x16xf32> to vector<16xf32>
      %add3A_759 = arith.addf %get3A_758, %mul3A_442 : vector<16xf32>
      %mul3A_760 = arith.mulf %add3A_759, %div3A_439 : vector<16xf32>
      %swap3A_761 = arith.constant 24 : i32
      %swap3A_762 = arith.index_cast %swap3A_761 : i32 to index
      %swap3A_763 = arith.index_cast %mul3A_50 : i32 to index
      %swap3A_764 = tpu.vector_load %arg4[%swap3A_762, %swap3A_763] {strides = array<i32>} : memref<64x1024xf32, #tpu.memory_space<vmem>>, vector<1x16xf32>,
      %swap3A_765 = vector.shape_cast %swap3A_764 : vector<1x16xf32> to vector<16xf32>
      %swap3A_766 = vector.shape_cast %mul3A_760 : vector<16xf32> to vector<1x16xf32>
      tpu.vector_store %arg4[%swap3A_762, %swap3A_763], %swap3A_766 {strides = array<i32>} : memref<64x1024xf32, #tpu.memory_space<vmem>>, vector<1x16xf32>,
      %get3A_767 = arith.constant 25 : i32
      %get3A_768 = arith.index_cast %get3A_767 : i32 to index
      %get3A_769 = arith.index_cast %mul3A_50 : i32 to index
      %get3A_770 = tpu.vector_load %arg4[%get3A_768, %get3A_769] {strides = array<i32>} : memref<64x1024xf32, #tpu.memory_space<vmem>>, vector<1x16xf32>,
      %get3A_771 = vector.shape_cast %get3A_770 : vector<1x16xf32> to vector<16xf32>
      %add3A_772 = arith.addf %get3A_771, %mul3A_442 : vector<16xf32>
      %mul3A_773 = arith.mulf %add3A_772, %div3A_439 : vector<16xf32>
      %swap3A_774 = arith.constant 25 : i32
      %swap3A_775 = arith.index_cast %swap3A_774 : i32 to index
      %swap3A_776 = arith.index_cast %mul3A_50 : i32 to index
      %swap3A_777 = tpu.vector_load %arg4[%swap3A_775, %swap3A_776] {strides = array<i32>} : memref<64x1024xf32, #tpu.memory_space<vmem>>, vector<1x16xf32>,
      %swap3A_778 = vector.shape_cast %swap3A_777 : vector<1x16xf32> to vector<16xf32>
      %swap3A_779 = vector.shape_cast %mul3A_773 : vector<16xf32> to vector<1x16xf32>
      tpu.vector_store %arg4[%swap3A_775, %swap3A_776], %swap3A_779 {strides = array<i32>} : memref<64x1024xf32, #tpu.memory_space<vmem>>, vector<1x16xf32>,
      %get3A_780 = arith.constant 26 : i32
      %get3A_781 = arith.index_cast %get3A_780 : i32 to index
      %get3A_782 = arith.index_cast %mul3A_50 : i32 to index
      %get3A_783 = tpu.vector_load %arg4[%get3A_781, %get3A_782] {strides = array<i32>} : memref<64x1024xf32, #tpu.memory_space<vmem>>, vector<1x16xf32>,
      %get3A_784 = vector.shape_cast %get3A_783 : vector<1x16xf32> to vector<16xf32>
      %add3A_785 = arith.addf %get3A_784, %mul3A_442 : vector<16xf32>
      %mul3A_786 = arith.mulf %add3A_785, %div3A_439 : vector<16xf32>
      %swap3A_787 = arith.constant 26 : i32
      %swap3A_788 = arith.index_cast %swap3A_787 : i32 to index
      %swap3A_789 = arith.index_cast %mul3A_50 : i32 to index
      %swap3A_790 = tpu.vector_load %arg4[%swap3A_788, %swap3A_789] {strides = array<i32>} : memref<64x1024xf32, #tpu.memory_space<vmem>>, vector<1x16xf32>,
      %swap3A_791 = vector.shape_cast %swap3A_790 : vector<1x16xf32> to vector<16xf32>
      %swap3A_792 = vector.shape_cast %mul3A_786 : vector<16xf32> to vector<1x16xf32>
      tpu.vector_store %arg4[%swap3A_788, %swap3A_789], %swap3A_792 {strides = array<i32>} : memref<64x1024xf32, #tpu.memory_space<vmem>>, vector<1x16xf32>,
      %get3A_793 = arith.constant 27 : i32
      %get3A_794 = arith.index_cast %get3A_793 : i32 to index
      %get3A_795 = arith.index_cast %mul3A_50 : i32 to index
      %get3A_796 = tpu.vector_load %arg4[%get3A_794, %get3A_795] {strides = array<i32>} : memref<64x1024xf32, #tpu.memory_space<vmem>>, vector<1x16xf32>,
      %get3A_797 = vector.shape_cast %get3A_796 : vector<1x16xf32> to vector<16xf32>
      %add3A_798 = arith.addf %get3A_797, %mul3A_442 : vector<16xf32>
      %mul3A_799 = arith.mulf %add3A_798, %div3A_439 : vector<16xf32>
      %swap3A_800 = arith.constant 27 : i32
      %swap3A_801 = arith.index_cast %swap3A_800 : i32 to index
      %swap3A_802 = arith.index_cast %mul3A_50 : i32 to index
      %swap3A_803 = tpu.vector_load %arg4[%swap3A_801, %swap3A_802] {strides = array<i32>} : memref<64x1024xf32, #tpu.memory_space<vmem>>, vector<1x16xf32>,
      %swap3A_804 = vector.shape_cast %swap3A_803 : vector<1x16xf32> to vector<16xf32>
      %swap3A_805 = vector.shape_cast %mul3A_799 : vector<16xf32> to vector<1x16xf32>
      tpu.vector_store %arg4[%swap3A_801, %swap3A_802], %swap3A_805 {strides = array<i32>} : memref<64x1024xf32, #tpu.memory_space<vmem>>, vector<1x16xf32>,
      %get3A_806 = arith.constant 28 : i32
      %get3A_807 = arith.index_cast %get3A_806 : i32 to index
      %get3A_808 = arith.index_cast %mul3A_50 : i32 to index
      %get3A_809 = tpu.vector_load %arg4[%get3A_807, %get3A_808] {strides = array<i32>} : memref<64x1024xf32, #tpu.memory_space<vmem>>, vector<1x16xf32>,
      %get3A_810 = vector.shape_cast %get3A_809 : vector<1x16xf32> to vector<16xf32>
      %add3A_811 = arith.addf %get3A_810, %mul3A_442 : vector<16xf32>
      %mul3A_812 = arith.mulf %add3A_811, %div3A_439 : vector<16xf32>
      %swap3A_813 = arith.constant 28 : i32
      %swap3A_814 = arith.index_cast %swap3A_813 : i32 to index
      %swap3A_815 = arith.index_cast %mul3A_50 : i32 to index
      %swap3A_816 = tpu.vector_load %arg4[%swap3A_814, %swap3A_815] {strides = array<i32>} : memref<64x1024xf32, #tpu.memory_space<vmem>>, vector<1x16xf32>,
      %swap3A_817 = vector.shape_cast %swap3A_816 : vector<1x16xf32> to vector<16xf32>
      %swap3A_818 = vector.shape_cast %mul3A_812 : vector<16xf32> to vector<1x16xf32>
      tpu.vector_store %arg4[%swap3A_814, %swap3A_815], %swap3A_818 {strides = array<i32>} : memref<64x1024xf32, #tpu.memory_space<vmem>>, vector<1x16xf32>,
      %get3A_819 = arith.constant 29 : i32
      %get3A_820 = arith.index_cast %get3A_819 : i32 to index
      %get3A_821 = arith.index_cast %mul3A_50 : i32 to index
      %get3A_822 = tpu.vector_load %arg4[%get3A_820, %get3A_821] {strides = array<i32>} : memref<64x1024xf32, #tpu.memory_space<vmem>>, vector<1x16xf32>,
      %get3A_823 = vector.shape_cast %get3A_822 : vector<1x16xf32> to vector<16xf32>
      %add3A_824 = arith.addf %get3A_823, %mul3A_442 : vector<16xf32>
      %mul3A_825 = arith.mulf %add3A_824, %div3A_439 : vector<16xf32>
      %swap3A_826 = arith.constant 29 : i32
      %swap3A_827 = arith.index_cast %swap3A_826 : i32 to index
      %swap3A_828 = arith.index_cast %mul3A_50 : i32 to index
      %swap3A_829 = tpu.vector_load %arg4[%swap3A_827, %swap3A_828] {strides = array<i32>} : memref<64x1024xf32, #tpu.memory_space<vmem>>, vector<1x16xf32>,
      %swap3A_830 = vector.shape_cast %swap3A_829 : vector<1x16xf32> to vector<16xf32>
      %swap3A_831 = vector.shape_cast %mul3A_825 : vector<16xf32> to vector<1x16xf32>
      tpu.vector_store %arg4[%swap3A_827, %swap3A_828], %swap3A_831 {strides = array<i32>} : memref<64x1024xf32, #tpu.memory_space<vmem>>, vector<1x16xf32>,
      %get3A_832 = arith.constant 30 : i32
      %get3A_833 = arith.index_cast %get3A_832 : i32 to index
      %get3A_834 = arith.index_cast %mul3A_50 : i32 to index
      %get3A_835 = tpu.vector_load %arg4[%get3A_833, %get3A_834] {strides = array<i32>} : memref<64x1024xf32, #tpu.memory_space<vmem>>, vector<1x16xf32>,
      %get3A_836 = vector.shape_cast %get3A_835 : vector<1x16xf32> to vector<16xf32>
      %add3A_837 = arith.addf %get3A_836, %mul3A_442 : vector<16xf32>
      %mul3A_838 = arith.mulf %add3A_837, %div3A_439 : vector<16xf32>
      %swap3A_839 = arith.constant 30 : i32
      %swap3A_840 = arith.index_cast %swap3A_839 : i32 to index
      %swap3A_841 = arith.index_cast %mul3A_50 : i32 to index
      %swap3A_842 = tpu.vector_load %arg4[%swap3A_840, %swap3A_841] {strides = array<i32>} : memref<64x1024xf32, #tpu.memory_space<vmem>>, vector<1x16xf32>,
      %swap3A_843 = vector.shape_cast %swap3A_842 : vector<1x16xf32> to vector<16xf32>
      %swap3A_844 = vector.shape_cast %mul3A_838 : vector<16xf32> to vector<1x16xf32>
      tpu.vector_store %arg4[%swap3A_840, %swap3A_841], %swap3A_844 {strides = array<i32>} : memref<64x1024xf32, #tpu.memory_space<vmem>>, vector<1x16xf32>,
      %get3A_845 = arith.constant 31 : i32
      %get3A_846 = arith.index_cast %get3A_845 : i32 to index
      %get3A_847 = arith.index_cast %mul3A_50 : i32 to index
      %get3A_848 = tpu.vector_load %arg4[%get3A_846, %get3A_847] {strides = array<i32>} : memref<64x1024xf32, #tpu.memory_space<vmem>>, vector<1x16xf32>,
      %get3A_849 = vector.shape_cast %get3A_848 : vector<1x16xf32> to vector<16xf32>
      %add3A_850 = arith.addf %get3A_849, %mul3A_442 : vector<16xf32>
      %mul3A_851 = arith.mulf %add3A_850, %div3A_439 : vector<16xf32>
      %swap3A_852 = arith.constant 31 : i32
      %swap3A_853 = arith.index_cast %swap3A_852 : i32 to index
      %swap3A_854 = arith.index_cast %mul3A_50 : i32 to index
      %swap3A_855 = tpu.vector_load %arg4[%swap3A_853, %swap3A_854] {strides = array<i32>} : memref<64x1024xf32, #tpu.memory_space<vmem>>, vector<1x16xf32>,
      %swap3A_856 = vector.shape_cast %swap3A_855 : vector<1x16xf32> to vector<16xf32>
      %swap3A_857 = vector.shape_cast %mul3A_851 : vector<16xf32> to vector<1x16xf32>
      tpu.vector_store %arg4[%swap3A_853, %swap3A_854], %swap3A_857 {strides = array<i32>} : memref<64x1024xf32, #tpu.memory_space<vmem>>, vector<1x16xf32>,
      %get3A_858 = arith.constant 32 : i32
      %get3A_859 = arith.index_cast %get3A_858 : i32 to index
      %get3A_860 = arith.index_cast %mul3A_50 : i32 to index
      %get3A_861 = tpu.vector_load %arg4[%get3A_859, %get3A_860] {strides = array<i32>} : memref<64x1024xf32, #tpu.memory_space<vmem>>, vector<1x16xf32>,
      %get3A_862 = vector.shape_cast %get3A_861 : vector<1x16xf32> to vector<16xf32>
      %add3A_863 = arith.addf %get3A_862, %mul3A_442 : vector<16xf32>
      %mul3A_864 = arith.mulf %add3A_863, %div3A_439 : vector<16xf32>
      %swap3A_865 = arith.constant 32 : i32
      %swap3A_866 = arith.index_cast %swap3A_865 : i32 to index
      %swap3A_867 = arith.index_cast %mul3A_50 : i32 to index
      %swap3A_868 = tpu.vector_load %arg4[%swap3A_866, %swap3A_867] {strides = array<i32>} : memref<64x1024xf32, #tpu.memory_space<vmem>>, vector<1x16xf32>,
      %swap3A_869 = vector.shape_cast %swap3A_868 : vector<1x16xf32> to vector<16xf32>
      %swap3A_870 = vector.shape_cast %mul3A_864 : vector<16xf32> to vector<1x16xf32>
      tpu.vector_store %arg4[%swap3A_866, %swap3A_867], %swap3A_870 {strides = array<i32>} : memref<64x1024xf32, #tpu.memory_space<vmem>>, vector<1x16xf32>,
      %get3A_871 = arith.constant 33 : i32
      %get3A_872 = arith.index_cast %get3A_871 : i32 to index
      %get3A_873 = arith.index_cast %mul3A_50 : i32 to index
      %get3A_874 = tpu.vector_load %arg4[%get3A_872, %get3A_873] {strides = array<i32>} : memref<64x1024xf32, #tpu.memory_space<vmem>>, vector<1x16xf32>,
      %get3A_875 = vector.shape_cast %get3A_874 : vector<1x16xf32> to vector<16xf32>
      %add3A_876 = arith.addf %get3A_875, %mul3A_442 : vector<16xf32>
      %mul3A_877 = arith.mulf %add3A_876, %div3A_439 : vector<16xf32>
      %swap3A_878 = arith.constant 33 : i32
      %swap3A_879 = arith.index_cast %swap3A_878 : i32 to index
      %swap3A_880 = arith.index_cast %mul3A_50 : i32 to index
      %swap3A_881 = tpu.vector_load %arg4[%swap3A_879, %swap3A_880] {strides = array<i32>} : memref<64x1024xf32, #tpu.memory_space<vmem>>, vector<1x16xf32>,
      %swap3A_882 = vector.shape_cast %swap3A_881 : vector<1x16xf32> to vector<16xf32>
      %swap3A_883 = vector.shape_cast %mul3A_877 : vector<16xf32> to vector<1x16xf32>
      tpu.vector_store %arg4[%swap3A_879, %swap3A_880], %swap3A_883 {strides = array<i32>} : memref<64x1024xf32, #tpu.memory_space<vmem>>, vector<1x16xf32>,
      %get3A_884 = arith.constant 34 : i32
      %get3A_885 = arith.index_cast %get3A_884 : i32 to index
      %get3A_886 = arith.index_cast %mul3A_50 : i32 to index
      %get3A_887 = tpu.vector_load %arg4[%get3A_885, %get3A_886] {strides = array<i32>} : memref<64x1024xf32, #tpu.memory_space<vmem>>, vector<1x16xf32>,
      %get3A_888 = vector.shape_cast %get3A_887 : vector<1x16xf32> to vector<16xf32>
      %add3A_889 = arith.addf %get3A_888, %mul3A_442 : vector<16xf32>
      %mul3A_890 = arith.mulf %add3A_889, %div3A_439 : vector<16xf32>
      %swap3A_891 = arith.constant 34 : i32
      %swap3A_892 = arith.index_cast %swap3A_891 : i32 to index
      %swap3A_893 = arith.index_cast %mul3A_50 : i32 to index
      %swap3A_894 = tpu.vector_load %arg4[%swap3A_892, %swap3A_893] {strides = array<i32>} : memref<64x1024xf32, #tpu.memory_space<vmem>>, vector<1x16xf32>,
      %swap3A_895 = vector.shape_cast %swap3A_894 : vector<1x16xf32> to vector<16xf32>
      %swap3A_896 = vector.shape_cast %mul3A_890 : vector<16xf32> to vector<1x16xf32>
      tpu.vector_store %arg4[%swap3A_892, %swap3A_893], %swap3A_896 {strides = array<i32>} : memref<64x1024xf32, #tpu.memory_space<vmem>>, vector<1x16xf32>,
      %get3A_897 = arith.constant 35 : i32
      %get3A_898 = arith.index_cast %get3A_897 : i32 to index
      %get3A_899 = arith.index_cast %mul3A_50 : i32 to index
      %get3A_900 = tpu.vector_load %arg4[%get3A_898, %get3A_899] {strides = array<i32>} : memref<64x1024xf32, #tpu.memory_space<vmem>>, vector<1x16xf32>,
      %get3A_901 = vector.shape_cast %get3A_900 : vector<1x16xf32> to vector<16xf32>
      %add3A_902 = arith.addf %get3A_901, %mul3A_442 : vector<16xf32>
      %mul3A_903 = arith.mulf %add3A_902, %div3A_439 : vector<16xf32>
      %swap3A_904 = arith.constant 35 : i32
      %swap3A_905 = arith.index_cast %swap3A_904 : i32 to index
      %swap3A_906 = arith.index_cast %mul3A_50 : i32 to index
      %swap3A_907 = tpu.vector_load %arg4[%swap3A_905, %swap3A_906] {strides = array<i32>} : memref<64x1024xf32, #tpu.memory_space<vmem>>, vector<1x16xf32>,
      %swap3A_908 = vector.shape_cast %swap3A_907 : vector<1x16xf32> to vector<16xf32>
      %swap3A_909 = vector.shape_cast %mul3A_903 : vector<16xf32> to vector<1x16xf32>
      tpu.vector_store %arg4[%swap3A_905, %swap3A_906], %swap3A_909 {strides = array<i32>} : memref<64x1024xf32, #tpu.memory_space<vmem>>, vector<1x16xf32>,
      %get3A_910 = arith.constant 36 : i32
      %get3A_911 = arith.index_cast %get3A_910 : i32 to index
      %get3A_912 = arith.index_cast %mul3A_50 : i32 to index
      %get3A_913 = tpu.vector_load %arg4[%get3A_911, %get3A_912] {strides = array<i32>} : memref<64x1024xf32, #tpu.memory_space<vmem>>, vector<1x16xf32>,
      %get3A_914 = vector.shape_cast %get3A_913 : vector<1x16xf32> to vector<16xf32>
      %add3A_915 = arith.addf %get3A_914, %mul3A_442 : vector<16xf32>
      %mul3A_916 = arith.mulf %add3A_915, %div3A_439 : vector<16xf32>
      %swap3A_917 = arith.constant 36 : i32
      %swap3A_918 = arith.index_cast %swap3A_917 : i32 to index
      %swap3A_919 = arith.index_cast %mul3A_50 : i32 to index
      %swap3A_920 = tpu.vector_load %arg4[%swap3A_918, %swap3A_919] {strides = array<i32>} : memref<64x1024xf32, #tpu.memory_space<vmem>>, vector<1x16xf32>,
      %swap3A_921 = vector.shape_cast %swap3A_920 : vector<1x16xf32> to vector<16xf32>
      %swap3A_922 = vector.shape_cast %mul3A_916 : vector<16xf32> to vector<1x16xf32>
      tpu.vector_store %arg4[%swap3A_918, %swap3A_919], %swap3A_922 {strides = array<i32>} : memref<64x1024xf32, #tpu.memory_space<vmem>>, vector<1x16xf32>,
      %get3A_923 = arith.constant 37 : i32
      %get3A_924 = arith.index_cast %get3A_923 : i32 to index
      %get3A_925 = arith.index_cast %mul3A_50 : i32 to index
      %get3A_926 = tpu.vector_load %arg4[%get3A_924, %get3A_925] {strides = array<i32>} : memref<64x1024xf32, #tpu.memory_space<vmem>>, vector<1x16xf32>,
      %get3A_927 = vector.shape_cast %get3A_926 : vector<1x16xf32> to vector<16xf32>
      %add3A_928 = arith.addf %get3A_927, %mul3A_442 : vector<16xf32>
      %mul3A_929 = arith.mulf %add3A_928, %div3A_439 : vector<16xf32>
      %swap3A_930 = arith.constant 37 : i32
      %swap3A_931 = arith.index_cast %swap3A_930 : i32 to index
      %swap3A_932 = arith.index_cast %mul3A_50 : i32 to index
      %swap3A_933 = tpu.vector_load %arg4[%swap3A_931, %swap3A_932] {strides = array<i32>} : memref<64x1024xf32, #tpu.memory_space<vmem>>, vector<1x16xf32>,
      %swap3A_934 = vector.shape_cast %swap3A_933 : vector<1x16xf32> to vector<16xf32>
      %swap3A_935 = vector.shape_cast %mul3A_929 : vector<16xf32> to vector<1x16xf32>
      tpu.vector_store %arg4[%swap3A_931, %swap3A_932], %swap3A_935 {strides = array<i32>} : memref<64x1024xf32, #tpu.memory_space<vmem>>, vector<1x16xf32>,
      %get3A_936 = arith.constant 38 : i32
      %get3A_937 = arith.index_cast %get3A_936 : i32 to index
      %get3A_938 = arith.index_cast %mul3A_50 : i32 to index
      %get3A_939 = tpu.vector_load %arg4[%get3A_937, %get3A_938] {strides = array<i32>} : memref<64x1024xf32, #tpu.memory_space<vmem>>, vector<1x16xf32>,
      %get3A_940 = vector.shape_cast %get3A_939 : vector<1x16xf32> to vector<16xf32>
      %add3A_941 = arith.addf %get3A_940, %mul3A_442 : vector<16xf32>
      %mul3A_942 = arith.mulf %add3A_941, %div3A_439 : vector<16xf32>
      %swap3A_943 = arith.constant 38 : i32
      %swap3A_944 = arith.index_cast %swap3A_943 : i32 to index
      %swap3A_945 = arith.index_cast %mul3A_50 : i32 to index
      %swap3A_946 = tpu.vector_load %arg4[%swap3A_944, %swap3A_945] {strides = array<i32>} : memref<64x1024xf32, #tpu.memory_space<vmem>>, vector<1x16xf32>,
      %swap3A_947 = vector.shape_cast %swap3A_946 : vector<1x16xf32> to vector<16xf32>
      %swap3A_948 = vector.shape_cast %mul3A_942 : vector<16xf32> to vector<1x16xf32>
      tpu.vector_store %arg4[%swap3A_944, %swap3A_945], %swap3A_948 {strides = array<i32>} : memref<64x1024xf32, #tpu.memory_space<vmem>>, vector<1x16xf32>,
      %get3A_949 = arith.constant 39 : i32
      %get3A_950 = arith.index_cast %get3A_949 : i32 to index
      %get3A_951 = arith.index_cast %mul3A_50 : i32 to index
      %get3A_952 = tpu.vector_load %arg4[%get3A_950, %get3A_951] {strides = array<i32>} : memref<64x1024xf32, #tpu.memory_space<vmem>>, vector<1x16xf32>,
      %get3A_953 = vector.shape_cast %get3A_952 : vector<1x16xf32> to vector<16xf32>
      %add3A_954 = arith.addf %get3A_953, %mul3A_442 : vector<16xf32>
      %mul3A_955 = arith.mulf %add3A_954, %div3A_439 : vector<16xf32>
      %swap3A_956 = arith.constant 39 : i32
      %swap3A_957 = arith.index_cast %swap3A_956 : i32 to index
      %swap3A_958 = arith.index_cast %mul3A_50 : i32 to index
      %swap3A_959 = tpu.vector_load %arg4[%swap3A_957, %swap3A_958] {strides = array<i32>} : memref<64x1024xf32, #tpu.memory_space<vmem>>, vector<1x16xf32>,
      %swap3A_960 = vector.shape_cast %swap3A_959 : vector<1x16xf32> to vector<16xf32>
      %swap3A_961 = vector.shape_cast %mul3A_955 : vector<16xf32> to vector<1x16xf32>
      tpu.vector_store %arg4[%swap3A_957, %swap3A_958], %swap3A_961 {strides = array<i32>} : memref<64x1024xf32, #tpu.memory_space<vmem>>, vector<1x16xf32>,
      %get3A_962 = arith.constant 40 : i32
      %get3A_963 = arith.index_cast %get3A_962 : i32 to index
      %get3A_964 = arith.index_cast %mul3A_50 : i32 to index
      %get3A_965 = tpu.vector_load %arg4[%get3A_963, %get3A_964] {strides = array<i32>} : memref<64x1024xf32, #tpu.memory_space<vmem>>, vector<1x16xf32>,
      %get3A_966 = vector.shape_cast %get3A_965 : vector<1x16xf32> to vector<16xf32>
      %add3A_967 = arith.addf %get3A_966, %mul3A_442 : vector<16xf32>
      %mul3A_968 = arith.mulf %add3A_967, %div3A_439 : vector<16xf32>
      %swap3A_969 = arith.constant 40 : i32
      %swap3A_970 = arith.index_cast %swap3A_969 : i32 to index
      %swap3A_971 = arith.index_cast %mul3A_50 : i32 to index
      %swap3A_972 = tpu.vector_load %arg4[%swap3A_970, %swap3A_971] {strides = array<i32>} : memref<64x1024xf32, #tpu.memory_space<vmem>>, vector<1x16xf32>,
      %swap3A_973 = vector.shape_cast %swap3A_972 : vector<1x16xf32> to vector<16xf32>
      %swap3A_974 = vector.shape_cast %mul3A_968 : vector<16xf32> to vector<1x16xf32>
      tpu.vector_store %arg4[%swap3A_970, %swap3A_971], %swap3A_974 {strides = array<i32>} : memref<64x1024xf32, #tpu.memory_space<vmem>>, vector<1x16xf32>,
      %get3A_975 = arith.constant 41 : i32
      %get3A_976 = arith.index_cast %get3A_975 : i32 to index
      %get3A_977 = arith.index_cast %mul3A_50 : i32 to index
      %get3A_978 = tpu.vector_load %arg4[%get3A_976, %get3A_977] {strides = array<i32>} : memref<64x1024xf32, #tpu.memory_space<vmem>>, vector<1x16xf32>,
      %get3A_979 = vector.shape_cast %get3A_978 : vector<1x16xf32> to vector<16xf32>
      %add3A_980 = arith.addf %get3A_979, %mul3A_442 : vector<16xf32>
      %mul3A_981 = arith.mulf %add3A_980, %div3A_439 : vector<16xf32>
      %swap3A_982 = arith.constant 41 : i32
      %swap3A_983 = arith.index_cast %swap3A_982 : i32 to index
      %swap3A_984 = arith.index_cast %mul3A_50 : i32 to index
      %swap3A_985 = tpu.vector_load %arg4[%swap3A_983, %swap3A_984] {strides = array<i32>} : memref<64x1024xf32, #tpu.memory_space<vmem>>, vector<1x16xf32>,
      %swap3A_986 = vector.shape_cast %swap3A_985 : vector<1x16xf32> to vector<16xf32>
      %swap3A_987 = vector.shape_cast %mul3A_981 : vector<16xf32> to vector<1x16xf32>
      tpu.vector_store %arg4[%swap3A_983, %swap3A_984], %swap3A_987 {strides = array<i32>} : memref<64x1024xf32, #tpu.memory_space<vmem>>, vector<1x16xf32>,
      %get3A_988 = arith.constant 42 : i32
      %get3A_989 = arith.index_cast %get3A_988 : i32 to index
      %get3A_990 = arith.index_cast %mul3A_50 : i32 to index
      %get3A_991 = tpu.vector_load %arg4[%get3A_989, %get3A_990] {strides = array<i32>} : memref<64x1024xf32, #tpu.memory_space<vmem>>, vector<1x16xf32>,
      %get3A_992 = vector.shape_cast %get3A_991 : vector<1x16xf32> to vector<16xf32>
      %add3A_993 = arith.addf %get3A_992, %mul3A_442 : vector<16xf32>
      %mul3A_994 = arith.mulf %add3A_993, %div3A_439 : vector<16xf32>
      %swap3A_995 = arith.constant 42 : i32
      %swap3A_996 = arith.index_cast %swap3A_995 : i32 to index
      %swap3A_997 = arith.index_cast %mul3A_50 : i32 to index
      %swap3A_998 = tpu.vector_load %arg4[%swap3A_996, %swap3A_997] {strides = array<i32>} : memref<64x1024xf32, #tpu.memory_space<vmem>>, vector<1x16xf32>,
      %swap3A_999 = vector.shape_cast %swap3A_998 : vector<1x16xf32> to vector<16xf32>
      %swap3A_1000 = vector.shape_cast %mul3A_994 : vector<16xf32> to vector<1x16xf32>
      tpu.vector_store %arg4[%swap3A_996, %swap3A_997], %swap3A_1000 {strides = array<i32>} : memref<64x1024xf32, #tpu.memory_space<vmem>>, vector<1x16xf32>,
      %get3A_1001 = arith.constant 43 : i32
      %get3A_1002 = arith.index_cast %get3A_1001 : i32 to index
      %get3A_1003 = arith.index_cast %mul3A_50 : i32 to index
      %get3A_1004 = tpu.vector_load %arg4[%get3A_1002, %get3A_1003] {strides = array<i32>} : memref<64x1024xf32, #tpu.memory_space<vmem>>, vector<1x16xf32>,
      %get3A_1005 = vector.shape_cast %get3A_1004 : vector<1x16xf32> to vector<16xf32>
      %add3A_1006 = arith.addf %get3A_1005, %mul3A_442 : vector<16xf32>
      %mul3A_1007 = arith.mulf %add3A_1006, %div3A_439 : vector<16xf32>
      %swap3A_1008 = arith.constant 43 : i32
      %swap3A_1009 = arith.index_cast %swap3A_1008 : i32 to index
      %swap3A_1010 = arith.index_cast %mul3A_50 : i32 to index
      %swap3A_1011 = tpu.vector_load %arg4[%swap3A_1009, %swap3A_1010] {strides = array<i32>} : memref<64x1024xf32, #tpu.memory_space<vmem>>, vector<1x16xf32>,
      %swap3A_1012 = vector.shape_cast %swap3A_1011 : vector<1x16xf32> to vector<16xf32>
      %swap3A_1013 = vector.shape_cast %mul3A_1007 : vector<16xf32> to vector<1x16xf32>
      tpu.vector_store %arg4[%swap3A_1009, %swap3A_1010], %swap3A_1013 {strides = array<i32>} : memref<64x1024xf32, #tpu.memory_space<vmem>>, vector<1x16xf32>,
      %get3A_1014 = arith.constant 44 : i32
      %get3A_1015 = arith.index_cast %get3A_1014 : i32 to index
      %get3A_1016 = arith.index_cast %mul3A_50 : i32 to index
      %get3A_1017 = tpu.vector_load %arg4[%get3A_1015, %get3A_1016] {strides = array<i32>} : memref<64x1024xf32, #tpu.memory_space<vmem>>, vector<1x16xf32>,
      %get3A_1018 = vector.shape_cast %get3A_1017 : vector<1x16xf32> to vector<16xf32>
      %add3A_1019 = arith.addf %get3A_1018, %mul3A_442 : vector<16xf32>
      %mul3A_1020 = arith.mulf %add3A_1019, %div3A_439 : vector<16xf32>
      %swap3A_1021 = arith.constant 44 : i32
      %swap3A_1022 = arith.index_cast %swap3A_1021 : i32 to index
      %swap3A_1023 = arith.index_cast %mul3A_50 : i32 to index
      %swap3A_1024 = tpu.vector_load %arg4[%swap3A_1022, %swap3A_1023] {strides = array<i32>} : memref<64x1024xf32, #tpu.memory_space<vmem>>, vector<1x16xf32>,
      %swap3A_1025 = vector.shape_cast %swap3A_1024 : vector<1x16xf32> to vector<16xf32>
      %swap3A_1026 = vector.shape_cast %mul3A_1020 : vector<16xf32> to vector<1x16xf32>
      tpu.vector_store %arg4[%swap3A_1022, %swap3A_1023], %swap3A_1026 {strides = array<i32>} : memref<64x1024xf32, #tpu.memory_space<vmem>>, vector<1x16xf32>,
      %get3A_1027 = arith.constant 45 : i32
      %get3A_1028 = arith.index_cast %get3A_1027 : i32 to index
      %get3A_1029 = arith.index_cast %mul3A_50 : i32 to index
      %get3A_1030 = tpu.vector_load %arg4[%get3A_1028, %get3A_1029] {strides = array<i32>} : memref<64x1024xf32, #tpu.memory_space<vmem>>, vector<1x16xf32>,
      %get3A_1031 = vector.shape_cast %get3A_1030 : vector<1x16xf32> to vector<16xf32>
      %add3A_1032 = arith.addf %get3A_1031, %mul3A_442 : vector<16xf32>
      %mul3A_1033 = arith.mulf %add3A_1032, %div3A_439 : vector<16xf32>
      %swap3A_1034 = arith.constant 45 : i32
      %swap3A_1035 = arith.index_cast %swap3A_1034 : i32 to index
      %swap3A_1036 = arith.index_cast %mul3A_50 : i32 to index
      %swap3A_1037 = tpu.vector_load %arg4[%swap3A_1035, %swap3A_1036] {strides = array<i32>} : memref<64x1024xf32, #tpu.memory_space<vmem>>, vector<1x16xf32>,
      %swap3A_1038 = vector.shape_cast %swap3A_1037 : vector<1x16xf32> to vector<16xf32>
      %swap3A_1039 = vector.shape_cast %mul3A_1033 : vector<16xf32> to vector<1x16xf32>
      tpu.vector_store %arg4[%swap3A_1035, %swap3A_1036], %swap3A_1039 {strides = array<i32>} : memref<64x1024xf32, #tpu.memory_space<vmem>>, vector<1x16xf32>,
      %get3A_1040 = arith.constant 46 : i32
      %get3A_1041 = arith.index_cast %get3A_1040 : i32 to index
      %get3A_1042 = arith.index_cast %mul3A_50 : i32 to index
      %get3A_1043 = tpu.vector_load %arg4[%get3A_1041, %get3A_1042] {strides = array<i32>} : memref<64x1024xf32, #tpu.memory_space<vmem>>, vector<1x16xf32>,
      %get3A_1044 = vector.shape_cast %get3A_1043 : vector<1x16xf32> to vector<16xf32>
      %add3A_1045 = arith.addf %get3A_1044, %mul3A_442 : vector<16xf32>
      %mul3A_1046 = arith.mulf %add3A_1045, %div3A_439 : vector<16xf32>
      %swap3A_1047 = arith.constant 46 : i32
      %swap3A_1048 = arith.index_cast %swap3A_1047 : i32 to index
      %swap3A_1049 = arith.index_cast %mul3A_50 : i32 to index
      %swap3A_1050 = tpu.vector_load %arg4[%swap3A_1048, %swap3A_1049] {strides = array<i32>} : memref<64x1024xf32, #tpu.memory_space<vmem>>, vector<1x16xf32>,
      %swap3A_1051 = vector.shape_cast %swap3A_1050 : vector<1x16xf32> to vector<16xf32>
      %swap3A_1052 = vector.shape_cast %mul3A_1046 : vector<16xf32> to vector<1x16xf32>
      tpu.vector_store %arg4[%swap3A_1048, %swap3A_1049], %swap3A_1052 {strides = array<i32>} : memref<64x1024xf32, #tpu.memory_space<vmem>>, vector<1x16xf32>,
      %get3A_1053 = arith.constant 47 : i32
      %get3A_1054 = arith.index_cast %get3A_1053 : i32 to index
      %get3A_1055 = arith.index_cast %mul3A_50 : i32 to index
      %get3A_1056 = tpu.vector_load %arg4[%get3A_1054, %get3A_1055] {strides = array<i32>} : memref<64x1024xf32, #tpu.memory_space<vmem>>, vector<1x16xf32>,
      %get3A_1057 = vector.shape_cast %get3A_1056 : vector<1x16xf32> to vector<16xf32>
      %add3A_1058 = arith.addf %get3A_1057, %mul3A_442 : vector<16xf32>
      %mul3A_1059 = arith.mulf %add3A_1058, %div3A_439 : vector<16xf32>
      %swap3A_1060 = arith.constant 47 : i32
      %swap3A_1061 = arith.index_cast %swap3A_1060 : i32 to index
      %swap3A_1062 = arith.index_cast %mul3A_50 : i32 to index
      %swap3A_1063 = tpu.vector_load %arg4[%swap3A_1061, %swap3A_1062] {strides = array<i32>} : memref<64x1024xf32, #tpu.memory_space<vmem>>, vector<1x16xf32>,
      %swap3A_1064 = vector.shape_cast %swap3A_1063 : vector<1x16xf32> to vector<16xf32>
      %swap3A_1065 = vector.shape_cast %mul3A_1059 : vector<16xf32> to vector<1x16xf32>
      tpu.vector_store %arg4[%swap3A_1061, %swap3A_1062], %swap3A_1065 {strides = array<i32>} : memref<64x1024xf32, #tpu.memory_space<vmem>>, vector<1x16xf32>,
      %get3A_1066 = arith.constant 48 : i32
      %get3A_1067 = arith.index_cast %get3A_1066 : i32 to index
      %get3A_1068 = arith.index_cast %mul3A_50 : i32 to index
      %get3A_1069 = tpu.vector_load %arg4[%get3A_1067, %get3A_1068] {strides = array<i32>} : memref<64x1024xf32, #tpu.memory_space<vmem>>, vector<1x16xf32>,
      %get3A_1070 = vector.shape_cast %get3A_1069 : vector<1x16xf32> to vector<16xf32>
      %add3A_1071 = arith.addf %get3A_1070, %mul3A_442 : vector<16xf32>
      %mul3A_1072 = arith.mulf %add3A_1071, %div3A_439 : vector<16xf32>
      %swap3A_1073 = arith.constant 48 : i32
      %swap3A_1074 = arith.index_cast %swap3A_1073 : i32 to index
      %swap3A_1075 = arith.index_cast %mul3A_50 : i32 to index
      %swap3A_1076 = tpu.vector_load %arg4[%swap3A_1074, %swap3A_1075] {strides = array<i32>} : memref<64x1024xf32, #tpu.memory_space<vmem>>, vector<1x16xf32>,
      %swap3A_1077 = vector.shape_cast %swap3A_1076 : vector<1x16xf32> to vector<16xf32>
      %swap3A_1078 = vector.shape_cast %mul3A_1072 : vector<16xf32> to vector<1x16xf32>
      tpu.vector_store %arg4[%swap3A_1074, %swap3A_1075], %swap3A_1078 {strides = array<i32>} : memref<64x1024xf32, #tpu.memory_space<vmem>>, vector<1x16xf32>,
      %get3A_1079 = arith.constant 49 : i32
      %get3A_1080 = arith.index_cast %get3A_1079 : i32 to index
      %get3A_1081 = arith.index_cast %mul3A_50 : i32 to index
      %get3A_1082 = tpu.vector_load %arg4[%get3A_1080, %get3A_1081] {strides = array<i32>} : memref<64x1024xf32, #tpu.memory_space<vmem>>, vector<1x16xf32>,
      %get3A_1083 = vector.shape_cast %get3A_1082 : vector<1x16xf32> to vector<16xf32>
      %add3A_1084 = arith.addf %get3A_1083, %mul3A_442 : vector<16xf32>
      %mul3A_1085 = arith.mulf %add3A_1084, %div3A_439 : vector<16xf32>
      %swap3A_1086 = arith.constant 49 : i32
      %swap3A_1087 = arith.index_cast %swap3A_1086 : i32 to index
      %swap3A_1088 = arith.index_cast %mul3A_50 : i32 to index
      %swap3A_1089 = tpu.vector_load %arg4[%swap3A_1087, %swap3A_1088] {strides = array<i32>} : memref<64x1024xf32, #tpu.memory_space<vmem>>, vector<1x16xf32>,
      %swap3A_1090 = vector.shape_cast %swap3A_1089 : vector<1x16xf32> to vector<16xf32>
      %swap3A_1091 = vector.shape_cast %mul3A_1085 : vector<16xf32> to vector<1x16xf32>
      tpu.vector_store %arg4[%swap3A_1087, %swap3A_1088], %swap3A_1091 {strides = array<i32>} : memref<64x1024xf32, #tpu.memory_space<vmem>>, vector<1x16xf32>,
      %get3A_1092 = arith.constant 50 : i32
      %get3A_1093 = arith.index_cast %get3A_1092 : i32 to index
      %get3A_1094 = arith.index_cast %mul3A_50 : i32 to index
      %get3A_1095 = tpu.vector_load %arg4[%get3A_1093, %get3A_1094] {strides = array<i32>} : memref<64x1024xf32, #tpu.memory_space<vmem>>, vector<1x16xf32>,
      %get3A_1096 = vector.shape_cast %get3A_1095 : vector<1x16xf32> to vector<16xf32>
      %add3A_1097 = arith.addf %get3A_1096, %mul3A_442 : vector<16xf32>
      %mul3A_1098 = arith.mulf %add3A_1097, %div3A_439 : vector<16xf32>
      %swap3A_1099 = arith.constant 50 : i32
      %swap3A_1100 = arith.index_cast %swap3A_1099 : i32 to index
      %swap3A_1101 = arith.index_cast %mul3A_50 : i32 to index
      %swap3A_1102 = tpu.vector_load %arg4[%swap3A_1100, %swap3A_1101] {strides = array<i32>} : memref<64x1024xf32, #tpu.memory_space<vmem>>, vector<1x16xf32>,
      %swap3A_1103 = vector.shape_cast %swap3A_1102 : vector<1x16xf32> to vector<16xf32>
      %swap3A_1104 = vector.shape_cast %mul3A_1098 : vector<16xf32> to vector<1x16xf32>
      tpu.vector_store %arg4[%swap3A_1100, %swap3A_1101], %swap3A_1104 {strides = array<i32>} : memref<64x1024xf32, #tpu.memory_space<vmem>>, vector<1x16xf32>,
      %get3A_1105 = arith.constant 51 : i32
      %get3A_1106 = arith.index_cast %get3A_1105 : i32 to index
      %get3A_1107 = arith.index_cast %mul3A_50 : i32 to index
      %get3A_1108 = tpu.vector_load %arg4[%get3A_1106, %get3A_1107] {strides = array<i32>} : memref<64x1024xf32, #tpu.memory_space<vmem>>, vector<1x16xf32>,
      %get3A_1109 = vector.shape_cast %get3A_1108 : vector<1x16xf32> to vector<16xf32>
      %add3A_1110 = arith.addf %get3A_1109, %mul3A_442 : vector<16xf32>
      %mul3A_1111 = arith.mulf %add3A_1110, %div3A_439 : vector<16xf32>
      %swap3A_1112 = arith.constant 51 : i32
      %swap3A_1113 = arith.index_cast %swap3A_1112 : i32 to index
      %swap3A_1114 = arith.index_cast %mul3A_50 : i32 to index
      %swap3A_1115 = tpu.vector_load %arg4[%swap3A_1113, %swap3A_1114] {strides = array<i32>} : memref<64x1024xf32, #tpu.memory_space<vmem>>, vector<1x16xf32>,
      %swap3A_1116 = vector.shape_cast %swap3A_1115 : vector<1x16xf32> to vector<16xf32>
      %swap3A_1117 = vector.shape_cast %mul3A_1111 : vector<16xf32> to vector<1x16xf32>
      tpu.vector_store %arg4[%swap3A_1113, %swap3A_1114], %swap3A_1117 {strides = array<i32>} : memref<64x1024xf32, #tpu.memory_space<vmem>>, vector<1x16xf32>,
      %get3A_1118 = arith.constant 52 : i32
      %get3A_1119 = arith.index_cast %get3A_1118 : i32 to index
      %get3A_1120 = arith.index_cast %mul3A_50 : i32 to index
      %get3A_1121 = tpu.vector_load %arg4[%get3A_1119, %get3A_1120] {strides = array<i32>} : memref<64x1024xf32, #tpu.memory_space<vmem>>, vector<1x16xf32>,
      %get3A_1122 = vector.shape_cast %get3A_1121 : vector<1x16xf32> to vector<16xf32>
      %add3A_1123 = arith.addf %get3A_1122, %mul3A_442 : vector<16xf32>
      %mul3A_1124 = arith.mulf %add3A_1123, %div3A_439 : vector<16xf32>
      %swap3A_1125 = arith.constant 52 : i32
      %swap3A_1126 = arith.index_cast %swap3A_1125 : i32 to index
      %swap3A_1127 = arith.index_cast %mul3A_50 : i32 to index
      %swap3A_1128 = tpu.vector_load %arg4[%swap3A_1126, %swap3A_1127] {strides = array<i32>} : memref<64x1024xf32, #tpu.memory_space<vmem>>, vector<1x16xf32>,
      %swap3A_1129 = vector.shape_cast %swap3A_1128 : vector<1x16xf32> to vector<16xf32>
      %swap3A_1130 = vector.shape_cast %mul3A_1124 : vector<16xf32> to vector<1x16xf32>
      tpu.vector_store %arg4[%swap3A_1126, %swap3A_1127], %swap3A_1130 {strides = array<i32>} : memref<64x1024xf32, #tpu.memory_space<vmem>>, vector<1x16xf32>,
      %get3A_1131 = arith.constant 53 : i32
      %get3A_1132 = arith.index_cast %get3A_1131 : i32 to index
      %get3A_1133 = arith.index_cast %mul3A_50 : i32 to index
      %get3A_1134 = tpu.vector_load %arg4[%get3A_1132, %get3A_1133] {strides = array<i32>} : memref<64x1024xf32, #tpu.memory_space<vmem>>, vector<1x16xf32>,
      %get3A_1135 = vector.shape_cast %get3A_1134 : vector<1x16xf32> to vector<16xf32>
      %add3A_1136 = arith.addf %get3A_1135, %mul3A_442 : vector<16xf32>
      %mul3A_1137 = arith.mulf %add3A_1136, %div3A_439 : vector<16xf32>
      %swap3A_1138 = arith.constant 53 : i32
      %swap3A_1139 = arith.index_cast %swap3A_1138 : i32 to index
      %swap3A_1140 = arith.index_cast %mul3A_50 : i32 to index
      %swap3A_1141 = tpu.vector_load %arg4[%swap3A_1139, %swap3A_1140] {strides = array<i32>} : memref<64x1024xf32, #tpu.memory_space<vmem>>, vector<1x16xf32>,
      %swap3A_1142 = vector.shape_cast %swap3A_1141 : vector<1x16xf32> to vector<16xf32>
      %swap3A_1143 = vector.shape_cast %mul3A_1137 : vector<16xf32> to vector<1x16xf32>
      tpu.vector_store %arg4[%swap3A_1139, %swap3A_1140], %swap3A_1143 {strides = array<i32>} : memref<64x1024xf32, #tpu.memory_space<vmem>>, vector<1x16xf32>,
      %get3A_1144 = arith.constant 54 : i32
      %get3A_1145 = arith.index_cast %get3A_1144 : i32 to index
      %get3A_1146 = arith.index_cast %mul3A_50 : i32 to index
      %get3A_1147 = tpu.vector_load %arg4[%get3A_1145, %get3A_1146] {strides = array<i32>} : memref<64x1024xf32, #tpu.memory_space<vmem>>, vector<1x16xf32>,
      %get3A_1148 = vector.shape_cast %get3A_1147 : vector<1x16xf32> to vector<16xf32>
      %add3A_1149 = arith.addf %get3A_1148, %mul3A_442 : vector<16xf32>
      %mul3A_1150 = arith.mulf %add3A_1149, %div3A_439 : vector<16xf32>
      %swap3A_1151 = arith.constant 54 : i32
      %swap3A_1152 = arith.index_cast %swap3A_1151 : i32 to index
      %swap3A_1153 = arith.index_cast %mul3A_50 : i32 to index
      %swap3A_1154 = tpu.vector_load %arg4[%swap3A_1152, %swap3A_1153] {strides = array<i32>} : memref<64x1024xf32, #tpu.memory_space<vmem>>, vector<1x16xf32>,
      %swap3A_1155 = vector.shape_cast %swap3A_1154 : vector<1x16xf32> to vector<16xf32>
      %swap3A_1156 = vector.shape_cast %mul3A_1150 : vector<16xf32> to vector<1x16xf32>
      tpu.vector_store %arg4[%swap3A_1152, %swap3A_1153], %swap3A_1156 {strides = array<i32>} : memref<64x1024xf32, #tpu.memory_space<vmem>>, vector<1x16xf32>,
      %get3A_1157 = arith.constant 55 : i32
      %get3A_1158 = arith.index_cast %get3A_1157 : i32 to index
      %get3A_1159 = arith.index_cast %mul3A_50 : i32 to index
      %get3A_1160 = tpu.vector_load %arg4[%get3A_1158, %get3A_1159] {strides = array<i32>} : memref<64x1024xf32, #tpu.memory_space<vmem>>, vector<1x16xf32>,
      %get3A_1161 = vector.shape_cast %get3A_1160 : vector<1x16xf32> to vector<16xf32>
      %add3A_1162 = arith.addf %get3A_1161, %mul3A_442 : vector<16xf32>
      %mul3A_1163 = arith.mulf %add3A_1162, %div3A_439 : vector<16xf32>
      %swap3A_1164 = arith.constant 55 : i32
      %swap3A_1165 = arith.index_cast %swap3A_1164 : i32 to index
      %swap3A_1166 = arith.index_cast %mul3A_50 : i32 to index
      %swap3A_1167 = tpu.vector_load %arg4[%swap3A_1165, %swap3A_1166] {strides = array<i32>} : memref<64x1024xf32, #tpu.memory_space<vmem>>, vector<1x16xf32>,
      %swap3A_1168 = vector.shape_cast %swap3A_1167 : vector<1x16xf32> to vector<16xf32>
      %swap3A_1169 = vector.shape_cast %mul3A_1163 : vector<16xf32> to vector<1x16xf32>
      tpu.vector_store %arg4[%swap3A_1165, %swap3A_1166], %swap3A_1169 {strides = array<i32>} : memref<64x1024xf32, #tpu.memory_space<vmem>>, vector<1x16xf32>,
      %get3A_1170 = arith.constant 56 : i32
      %get3A_1171 = arith.index_cast %get3A_1170 : i32 to index
      %get3A_1172 = arith.index_cast %mul3A_50 : i32 to index
      %get3A_1173 = tpu.vector_load %arg4[%get3A_1171, %get3A_1172] {strides = array<i32>} : memref<64x1024xf32, #tpu.memory_space<vmem>>, vector<1x16xf32>,
      %get3A_1174 = vector.shape_cast %get3A_1173 : vector<1x16xf32> to vector<16xf32>
      %add3A_1175 = arith.addf %get3A_1174, %mul3A_442 : vector<16xf32>
      %mul3A_1176 = arith.mulf %add3A_1175, %div3A_439 : vector<16xf32>
      %swap3A_1177 = arith.constant 56 : i32
      %swap3A_1178 = arith.index_cast %swap3A_1177 : i32 to index
      %swap3A_1179 = arith.index_cast %mul3A_50 : i32 to index
      %swap3A_1180 = tpu.vector_load %arg4[%swap3A_1178, %swap3A_1179] {strides = array<i32>} : memref<64x1024xf32, #tpu.memory_space<vmem>>, vector<1x16xf32>,
      %swap3A_1181 = vector.shape_cast %swap3A_1180 : vector<1x16xf32> to vector<16xf32>
      %swap3A_1182 = vector.shape_cast %mul3A_1176 : vector<16xf32> to vector<1x16xf32>
      tpu.vector_store %arg4[%swap3A_1178, %swap3A_1179], %swap3A_1182 {strides = array<i32>} : memref<64x1024xf32, #tpu.memory_space<vmem>>, vector<1x16xf32>,
      %get3A_1183 = arith.constant 57 : i32
      %get3A_1184 = arith.index_cast %get3A_1183 : i32 to index
      %get3A_1185 = arith.index_cast %mul3A_50 : i32 to index
      %get3A_1186 = tpu.vector_load %arg4[%get3A_1184, %get3A_1185] {strides = array<i32>} : memref<64x1024xf32, #tpu.memory_space<vmem>>, vector<1x16xf32>,
      %get3A_1187 = vector.shape_cast %get3A_1186 : vector<1x16xf32> to vector<16xf32>
      %add3A_1188 = arith.addf %get3A_1187, %mul3A_442 : vector<16xf32>
      %mul3A_1189 = arith.mulf %add3A_1188, %div3A_439 : vector<16xf32>
      %swap3A_1190 = arith.constant 57 : i32
      %swap3A_1191 = arith.index_cast %swap3A_1190 : i32 to index
      %swap3A_1192 = arith.index_cast %mul3A_50 : i32 to index
      %swap3A_1193 = tpu.vector_load %arg4[%swap3A_1191, %swap3A_1192] {strides = array<i32>} : memref<64x1024xf32, #tpu.memory_space<vmem>>, vector<1x16xf32>,
      %swap3A_1194 = vector.shape_cast %swap3A_1193 : vector<1x16xf32> to vector<16xf32>
      %swap3A_1195 = vector.shape_cast %mul3A_1189 : vector<16xf32> to vector<1x16xf32>
      tpu.vector_store %arg4[%swap3A_1191, %swap3A_1192], %swap3A_1195 {strides = array<i32>} : memref<64x1024xf32, #tpu.memory_space<vmem>>, vector<1x16xf32>,
      %get3A_1196 = arith.constant 58 : i32
      %get3A_1197 = arith.index_cast %get3A_1196 : i32 to index
      %get3A_1198 = arith.index_cast %mul3A_50 : i32 to index
      %get3A_1199 = tpu.vector_load %arg4[%get3A_1197, %get3A_1198] {strides = array<i32>} : memref<64x1024xf32, #tpu.memory_space<vmem>>, vector<1x16xf32>,
      %get3A_1200 = vector.shape_cast %get3A_1199 : vector<1x16xf32> to vector<16xf32>
      %add3A_1201 = arith.addf %get3A_1200, %mul3A_442 : vector<16xf32>
      %mul3A_1202 = arith.mulf %add3A_1201, %div3A_439 : vector<16xf32>
      %swap3A_1203 = arith.constant 58 : i32
      %swap3A_1204 = arith.index_cast %swap3A_1203 : i32 to index
      %swap3A_1205 = arith.index_cast %mul3A_50 : i32 to index
      %swap3A_1206 = tpu.vector_load %arg4[%swap3A_1204, %swap3A_1205] {strides = array<i32>} : memref<64x1024xf32, #tpu.memory_space<vmem>>, vector<1x16xf32>,
      %swap3A_1207 = vector.shape_cast %swap3A_1206 : vector<1x16xf32> to vector<16xf32>
      %swap3A_1208 = vector.shape_cast %mul3A_1202 : vector<16xf32> to vector<1x16xf32>
      tpu.vector_store %arg4[%swap3A_1204, %swap3A_1205], %swap3A_1208 {strides = array<i32>} : memref<64x1024xf32, #tpu.memory_space<vmem>>, vector<1x16xf32>,
      %get3A_1209 = arith.constant 59 : i32
      %get3A_1210 = arith.index_cast %get3A_1209 : i32 to index
      %get3A_1211 = arith.index_cast %mul3A_50 : i32 to index
      %get3A_1212 = tpu.vector_load %arg4[%get3A_1210, %get3A_1211] {strides = array<i32>} : memref<64x1024xf32, #tpu.memory_space<vmem>>, vector<1x16xf32>,
      %get3A_1213 = vector.shape_cast %get3A_1212 : vector<1x16xf32> to vector<16xf32>
      %add3A_1214 = arith.addf %get3A_1213, %mul3A_442 : vector<16xf32>
      %mul3A_1215 = arith.mulf %add3A_1214, %div3A_439 : vector<16xf32>
      %swap3A_1216 = arith.constant 59 : i32
      %swap3A_1217 = arith.index_cast %swap3A_1216 : i32 to index
      %swap3A_1218 = arith.index_cast %mul3A_50 : i32 to index
      %swap3A_1219 = tpu.vector_load %arg4[%swap3A_1217, %swap3A_1218] {strides = array<i32>} : memref<64x1024xf32, #tpu.memory_space<vmem>>, vector<1x16xf32>,
      %swap3A_1220 = vector.shape_cast %swap3A_1219 : vector<1x16xf32> to vector<16xf32>
      %swap3A_1221 = vector.shape_cast %mul3A_1215 : vector<16xf32> to vector<1x16xf32>
      tpu.vector_store %arg4[%swap3A_1217, %swap3A_1218], %swap3A_1221 {strides = array<i32>} : memref<64x1024xf32, #tpu.memory_space<vmem>>, vector<1x16xf32>,
      %get3A_1222 = arith.constant 60 : i32
      %get3A_1223 = arith.index_cast %get3A_1222 : i32 to index
      %get3A_1224 = arith.index_cast %mul3A_50 : i32 to index
      %get3A_1225 = tpu.vector_load %arg4[%get3A_1223, %get3A_1224] {strides = array<i32>} : memref<64x1024xf32, #tpu.memory_space<vmem>>, vector<1x16xf32>,
      %get3A_1226 = vector.shape_cast %get3A_1225 : vector<1x16xf32> to vector<16xf32>
      %add3A_1227 = arith.addf %get3A_1226, %mul3A_442 : vector<16xf32>
      %mul3A_1228 = arith.mulf %add3A_1227, %div3A_439 : vector<16xf32>
      %swap3A_1229 = arith.constant 60 : i32
      %swap3A_1230 = arith.index_cast %swap3A_1229 : i32 to index
      %swap3A_1231 = arith.index_cast %mul3A_50 : i32 to index
      %swap3A_1232 = tpu.vector_load %arg4[%swap3A_1230, %swap3A_1231] {strides = array<i32>} : memref<64x1024xf32, #tpu.memory_space<vmem>>, vector<1x16xf32>,
      %swap3A_1233 = vector.shape_cast %swap3A_1232 : vector<1x16xf32> to vector<16xf32>
      %swap3A_1234 = vector.shape_cast %mul3A_1228 : vector<16xf32> to vector<1x16xf32>
      tpu.vector_store %arg4[%swap3A_1230, %swap3A_1231], %swap3A_1234 {strides = array<i32>} : memref<64x1024xf32, #tpu.memory_space<vmem>>, vector<1x16xf32>,
      %get3A_1235 = arith.constant 61 : i32
      %get3A_1236 = arith.index_cast %get3A_1235 : i32 to index
      %get3A_1237 = arith.index_cast %mul3A_50 : i32 to index
      %get3A_1238 = tpu.vector_load %arg4[%get3A_1236, %get3A_1237] {strides = array<i32>} : memref<64x1024xf32, #tpu.memory_space<vmem>>, vector<1x16xf32>,
      %get3A_1239 = vector.shape_cast %get3A_1238 : vector<1x16xf32> to vector<16xf32>
      %add3A_1240 = arith.addf %get3A_1239, %mul3A_442 : vector<16xf32>
      %mul3A_1241 = arith.mulf %add3A_1240, %div3A_439 : vector<16xf32>
      %swap3A_1242 = arith.constant 61 : i32
      %swap3A_1243 = arith.index_cast %swap3A_1242 : i32 to index
      %swap3A_1244 = arith.index_cast %mul3A_50 : i32 to index
      %swap3A_1245 = tpu.vector_load %arg4[%swap3A_1243, %swap3A_1244] {strides = array<i32>} : memref<64x1024xf32, #tpu.memory_space<vmem>>, vector<1x16xf32>,
      %swap3A_1246 = vector.shape_cast %swap3A_1245 : vector<1x16xf32> to vector<16xf32>
      %swap3A_1247 = vector.shape_cast %mul3A_1241 : vector<16xf32> to vector<1x16xf32>
      tpu.vector_store %arg4[%swap3A_1243, %swap3A_1244], %swap3A_1247 {strides = array<i32>} : memref<64x1024xf32, #tpu.memory_space<vmem>>, vector<1x16xf32>,
      %get3A_1248 = arith.constant 62 : i32
      %get3A_1249 = arith.index_cast %get3A_1248 : i32 to index
      %get3A_1250 = arith.index_cast %mul3A_50 : i32 to index
      %get3A_1251 = tpu.vector_load %arg4[%get3A_1249, %get3A_1250] {strides = array<i32>} : memref<64x1024xf32, #tpu.memory_space<vmem>>, vector<1x16xf32>,
      %get3A_1252 = vector.shape_cast %get3A_1251 : vector<1x16xf32> to vector<16xf32>
      %add3A_1253 = arith.addf %get3A_1252, %mul3A_442 : vector<16xf32>
      %mul3A_1254 = arith.mulf %add3A_1253, %div3A_439 : vector<16xf32>
      %swap3A_1255 = arith.constant 62 : i32
      %swap3A_1256 = arith.index_cast %swap3A_1255 : i32 to index
      %swap3A_1257 = arith.index_cast %mul3A_50 : i32 to index
      %swap3A_1258 = tpu.vector_load %arg4[%swap3A_1256, %swap3A_1257] {strides = array<i32>} : memref<64x1024xf32, #tpu.memory_space<vmem>>, vector<1x16xf32>,
      %swap3A_1259 = vector.shape_cast %swap3A_1258 : vector<1x16xf32> to vector<16xf32>
      %swap3A_1260 = vector.shape_cast %mul3A_1254 : vector<16xf32> to vector<1x16xf32>
      tpu.vector_store %arg4[%swap3A_1256, %swap3A_1257], %swap3A_1260 {strides = array<i32>} : memref<64x1024xf32, #tpu.memory_space<vmem>>, vector<1x16xf32>,
      %get3A_1261 = arith.constant 63 : i32
      %get3A_1262 = arith.index_cast %get3A_1261 : i32 to index
      %get3A_1263 = arith.index_cast %mul3A_50 : i32 to index
      %get3A_1264 = tpu.vector_load %arg4[%get3A_1262, %get3A_1263] {strides = array<i32>} : memref<64x1024xf32, #tpu.memory_space<vmem>>, vector<1x16xf32>,
      %get3A_1265 = vector.shape_cast %get3A_1264 : vector<1x16xf32> to vector<16xf32>
      %add3A_1266 = arith.addf %get3A_1265, %mul3A_442 : vector<16xf32>
      %mul3A_1267 = arith.mulf %add3A_1266, %div3A_439 : vector<16xf32>
      %swap3A_1268 = arith.constant 63 : i32
      %swap3A_1269 = arith.index_cast %swap3A_1268 : i32 to index
      %swap3A_1270 = arith.index_cast %mul3A_50 : i32 to index
      %swap3A_1271 = tpu.vector_load %arg4[%swap3A_1269, %swap3A_1270] {strides = array<i32>} : memref<64x1024xf32, #tpu.memory_space<vmem>>, vector<1x16xf32>,
      %swap3A_1272 = vector.shape_cast %swap3A_1271 : vector<1x16xf32> to vector<16xf32>
      %swap3A_1273 = vector.shape_cast %mul3A_1267 : vector<16xf32> to vector<1x16xf32>
      tpu.vector_store %arg4[%swap3A_1269, %swap3A_1270], %swap3A_1273 {strides = array<i32>} : memref<64x1024xf32, #tpu.memory_space<vmem>>, vector<1x16xf32>,
    }
    %scan3A_39 = arith.constant 64 : i32
    %dma_start3A_40 = arith.constant 0 : i32
    %dma_start3A_41 = tpu.memref_slice %arg3[%dma_start3A_40, %add3A_25] : memref<64x65536xf32, #tpu.memory_space<hbm>> -> memref<64x1024xf32, #tpu.memory_space<hbm>>
    %dma_start3A_42 = arith.constant 0 : i32
    %dma_start3A_43 = tpu.memref_slice %arg3[%dma_start3A_42, %add3A_25] : memref<64x65536xf32, #tpu.memory_space<hbm>> -> memref<64x1024xf32, #tpu.memory_space<hbm>>
    tpu.enqueue_dma source(%arg4 : memref<64x1024xf32, #tpu.memory_space<vmem>>) target(%dma_start3A_43 : memref<64x1024xf32, #tpu.memory_space<hbm>>) target_semaphore(%arg6 : memref<!tpu.dma_semaphore, #tpu.memory_space<semaphore_mem>>)
    %dma_wait3A_44 = arith.constant 0 : i32
    %dma_wait3A_45 = tpu.memref_slice %arg3[%dma_wait3A_44, %add3A_25] : memref<64x65536xf32, #tpu.memory_space<hbm>> -> memref<64x1024xf32, #tpu.memory_space<hbm>>
    %dma_wait3A_46 = arith.constant 0 : i32
    %dma_wait3A_47 = tpu.memref_slice %arg3[%dma_wait3A_46, %add3A_25] : memref<64x65536xf32, #tpu.memory_space<hbm>> -> memref<64x1024xf32, #tpu.memory_space<hbm>>
    tpu.wait_dma2 semaphore(%arg6 : memref<!tpu.dma_semaphore, #tpu.memory_space<semaphore_mem>>) src(%arg4 : memref<64x1024xf32, #tpu.memory_space<vmem>>) dst(%dma_wait3A_47 : memref<64x1024xf32, #tpu.memory_space<hbm>>)
    return
  }
}

</mosaic_0001>

<sc_bundles>
// kernel: kernel.3.cloned.1.call-start
scs
__scs_entry_jumppad:
0x0: {  	(pc) =	sbr.rel $0x88, $3  }
0x1: {  	(tag) =	ssettag $0x0;
	lr =	simm.s32 $0x1  }
0x2: {  	[smem:$0x3FA0] =	sst lr;
	_ =	strace $0xD0000000  }
0x3: {  	_ = 	snop  }
0x4: {  	_ = 	snop  }
0x5: {  	_ = 	snop  }
0x6: {  	_ = 	snop  }
0x7: {  	_ = 	snop  }
__scs_overlays_trampoline_lowered:
0x8: {  	[smem:$0x3FAF] =	sst s0  }
0x9: {  	[smem:$0x3FB0] =	sst s1  }
0xa: {  	[smem:$0x3FB1] =	sst s2  }
0xb: {  	[smem:$0x3FB2] =	sst s3  }
0xc: {  	[smem:$0x3FB3] =	sst s4  }
0xd: {  	[smem:$0x3FB4] =	sst s5  }
0xe: {  	[smem:$0x3FB5] =	sst s6  }
0xf: {  	[smem:$0x3FB6] =	sst s7  }
0x10: {  	[smem:$0x3FB7] =	sst s8  }
0x11: {  	[smem:$0x3FB8] =	sst s9;
	s0 =	simm.s32 @!p0 $0x0  }
0x12: {  	s1 =	sld [smem:$0x3F9E];
	s0 =	simm.s32 @p0 $0x1  }
0x13: {  	[smem:$0x3FB9] =	sst s0;
	s0 =	simm.s32 @!p1 $0x0  }
0x14: {  	s2 =	sld [smem:$0x3F9D];
	s0 =	simm.s32 @p1 $0x1  }
0x15: {  	[smem:$0x3FBA] =	sst s0;
	s0 =	simm.s32 @!p2 $0x0  }
0x16: {  	s3 =	sld [smem:$0x3FDB];
	s0 =	simm.s32 @p2 $0x1  }
0x17: {  	s4 =	simm.s32 $0x1BF5;
	[smem:$0x3FBC] =	sst s0  }
0x18: {  	s0 =	sld [smem:$0x3F9F];
	_ =	swait.ge [sflag:s4], $0x0  }
0x19: {  	s7 =	sld [smem:$0x3FA0]  }
0x1a: {  	s8 =	sadd.s32 $0xFFFFE003, lr  }
0x1b: {  	s9 =	sadd.s32 $0xFFFFFEF7, lr;
	s5 =	simm.s32 $0xFFFFFFFF;
	p2 =	slt.u32 s8, $0xFFFFF086  }
0x1c: {  	p1 =	slt.u32 s9, $0xF7A;
	s5 =	simm.s32 @!p2 $0x0  }
0x1d: {  	s5 =	simm.s32 @p1 $0x1;
	p0 =	seq.s32 s7, s2  }
0x1e: {  	s7 =	smul.u32 @!p0 $0xF7A, s2;
	p2 =	seq.s32 @!p0 s5, $0x0  }
0x1f: {  	s9 =	smul.u32 $0xF7A, s1;
	s8 =	simm.s32 @!p0 $0x1BF5;
	p2 =	por !p2, p0  }
0x20: {  	[sflag:s8] =	ssyncset.s32 @!p0 $0xFFFFF086;
	s6 =	sadd.s32 @!p0 s3, s7;
	s7 =	simm.s32 @!p0 $0x108  }
0x21: {  	s3 =	sadd.s32 s3, s9;
	s6 =	sadd.s32 @!p0 $0x88, s6;
	s7 =	simm.s32 @p2 $0x1082  }
0x22: {  	[simem:s7], [sflag:s8] =	dma.local @!p0 [hbm:s6], $0xF7A  }
0x23: {  	s9 =	sor.u32 $0xD0000000, s2;
	s6 =	simm.s32 $0x108;
	_ =	swait.ge @!p0 [sflag:s8], $0x0  }
0x24: {  	s3 =	sadd.s32 $0x88, s3;
	s6 =	simm.s32 @!p1 $0x1082;
	[sflag:s4] =	ssyncset.s32 $0xFFFFF086  }
0x25: {  	[simem:s6], [sflag:s4] =	dma.local [hbm:s3], $0xF7A  }
0x26: {  	[smem:$0x3FA0] =	sst s1;
	(tag) =	ssettag s2;
	_ =	strace s9  }
0x27: {  	s1 =	sld [smem:$0x3FB0]  }
0x28: {  	s2 =	sld [smem:$0x3FB1]  }
0x29: {  	s4 =	sld [smem:$0x3FB3]  }
0x2a: {  	p0 =	seq.s32 s5, $0x0;
	s5 =	sld [smem:$0x3FB4]  }
0x2b: {  	s6 =	sld [smem:$0x3FB5]  }
0x2c: {  	s7 =	sld [smem:$0x3FB6]  }
0x2d: {  	s3 =	simm.s32 $0x108;
	s8 =	sld [smem:$0x3FB7]  }
0x2e: {  	s3 =	simm.s32 @!p0 $0x1082;
	s9 =	sld [smem:$0x3FB8]  }
0x2f: {  	lr =	sadd.s32 s0, s3;
	s0 =	sld [smem:$0x3FAF]  }
0x30: {  	s3 =	sld [smem:$0x3FB2]  }
0x31: {  	[smem:$0x3FBB] =	sst s10  }
0x32: {  	s10 =	sld [smem:$0x3FB9];
	_ =	sdelay $0x3  }
0x33: {  	p0 =	seq.s32 s10, $0x1;
	s10 =	sld [smem:$0x3FBB];
	_ =	sdelay $0x3  }
0x34: {  	[smem:$0x3FBB] =	sst s10  }
0x35: {  	s10 =	sld [smem:$0x3FBA];
	_ =	sdelay $0x3  }
0x36: {  	p1 =	seq.s32 s10, $0x1;
	s10 =	sld [smem:$0x3FBB];
	_ =	sdelay $0x3  }
0x37: {  	[smem:$0x3FBB] =	sst s10  }
0x38: {  	s10 =	sld [smem:$0x3FBC]  }
0x39: {  	_ = 	snop;
	(pc) =	sbr.ind lr, $3  }
0x3a: {  	_ = 	snop  }
0x3b: {  	_ = 	snop  }
0x3c: {  	p2 =	seq.s32 s10, $0x1;
	s10 =	sld [smem:$0x3FBB]  }
0x3d: {  	_ =	shalt  }
0x3e: {  	_ =	shalt  }
0x3f: {  	_ =	shalt  }
0x40: {  	_ =	shalt  }
0x41: {  	_ =	shalt  }
0x42: {  	_ =	shalt  }
0x43: {  	_ =	shalt  }
0x44: {  	_ =	shalt  }
0x45: {  	_ =	shalt  }
0x46: {  	_ =	shalt  }
0x47: {  	_ =	shalt  }
0x48: {  	_ =	shalt  }
0x49: {  	_ =	shalt  }
0x4a: {  	_ =	shalt  }
0x4b: {  	_ =	shalt  }
0x4c: {  	_ =	shalt  }
0x4d: {  	_ =	shalt  }
0x4e: {  	_ =	shalt  }
0x4f: {  	_ =	shalt  }
0x50: {  	_ =	shalt  }
0x51: {  	_ =	shalt  }
0x52: {  	_ =	shalt  }
0x53: {  	_ =	shalt  }
0x54: {  	_ =	shalt  }
0x55: {  	_ =	shalt  }
0x56: {  	_ =	shalt  }
0x57: {  	_ =	shalt  }
0x58: {  	_ =	shalt  }
0x59: {  	_ =	shalt  }
0x5a: {  	_ =	shalt  }
0x5b: {  	_ =	shalt  }
0x5c: {  	_ =	shalt  }
0x5d: {  	_ =	shalt  }
0x5e: {  	_ =	shalt  }
0x5f: {  	_ =	shalt  }
0x60: {  	_ =	shalt  }
0x61: {  	_ =	shalt  }
0x62: {  	_ =	shalt  }
0x63: {  	_ =	shalt  }
0x64: {  	_ =	shalt  }
0x65: {  	_ =	shalt  }
0x66: {  	_ =	shalt  }
0x67: {  	_ =	shalt  }
0x68: {  	_ =	shalt  }
0x69: {  	_ =	shalt  }
0x6a: {  	_ =	shalt  }
0x6b: {  	_ =	shalt  }
0x6c: {  	_ =	shalt  }
0x6d: {  	_ =	shalt  }
0x6e: {  	_ =	shalt  }
0x6f: {  	_ =	shalt  }
0x70: {  	_ =	shalt  }
0x71: {  	_ =	shalt  }
0x72: {  	_ =	shalt  }
0x73: {  	_ =	shalt  }
0x74: {  	_ =	shalt  }
0x75: {  	_ =	shalt  }
0x76: {  	_ =	shalt  }
0x77: {  	_ =	shalt  }
0x78: {  	_ =	shalt  }
0x79: {  	_ =	shalt  }
0x7a: {  	_ =	shalt  }
0x7b: {  	_ =	shalt  }
0x7c: {  	_ =	shalt  }
0x7d: {  	_ =	shalt  }
0x7e: {  	_ =	shalt  }
0x7f: {  	_ =	shalt  }
0x80: {  	_ =	shalt  }
0x81: {  	_ =	shalt  }
0x82: {  	_ =	shalt  }
0x83: {  	_ =	shalt  }
0x84: {  	_ =	shalt  }
0x85: {  	_ =	shalt  }
0x86: {  	_ =	shalt  }
0x87: {  	_ =	shalt  }
.Lfunc_end0:
.L_simem_size_0:
called_computation_lowered:
.L_overlay_start_0:
0x88: {  	s2 =	sld [smem:$0x3FD9]  }
0x89: {  	s3 =	sld [smem:$0x3FFE];
	_ =	sdelay $0x1  }
0x8a: {  	s1 =	srdreg.scid  }
0x8b: {  	s0 =	sand.u32 $0x1, s1  }
0x8c: {  	s18 =	sshll.u32 s0, $0xA;
	s2 =	sadd.s32 s3, s2  }
0x8d: {  	s2 =	sadd.s32 s2, s18  }
0x8e: {  	[smem:$0x3FC7] =	sst s2  }
0x8f: {  	_ = 	snop  }
0x90: {  	s2 =	sld [smem:$0x3FC9]  }
0x91: {  	s19 =	sld [smem:$0x3FD0];
	(tm) =	ssettm $0x1  }
0x92: {  	s4 =	sld [smem:$0x3FFB];
	_ =	sdelay $0x3  }
0x93: {  	_ =	strace s4  }
0x94: {  	s4 =	sld [smem:$0x3FFC];
	_ =	sdelay $0x3  }
0x95: {  	_ =	strace s4  }
0x96: {  	s4 =	sld [smem:$0x3FFD];
	_ =	sdelay $0x3  }
0x97: {  	_ =	strace s4  }
0x98: {  	_ =	strace $0x8FFFFFFF  }
0x99: {  	s20 =	sld [smem:$0x3FDB];
	_ =	sdelay $0x1  }
0x9a: {  	s5 =	simm.s32 $_scs_section_size  }
0x9b: {  	s6 =	simm.s32 $_size__tile_overlayer_lowered;
	s7 =	simm.s32 $_tile_overlayer_lowered  }
0x9c: {  	s23 =	simm.s32 $0x1BFF;
	s22 =	sshll.u32 s7, $0x1;
	s4 =	sadd.s32 s5, s20  }
0x9d: {  	s8 =	simm.s32 $0x0;
	s21 =	sshll.u32 s6, $0x1;
	s6 =	sadd.s32 s22, s4  }
0x9e: {  	[timem:s8], [sflag:s23] =	dma.local [hbm:s6], s21  }
0x9f: {  	_ =	swait.ge [sflag:s23], s21  }
0xa0: {  	s5 =	ssub.s32 $0x0, s21;
	[sflag:s23] =	ssyncset.done $0x0  }
0xa1: {  	[sflag:s23] =	ssyncadd.s32 s5;
	_ =	sdelay $0x1  }
0xa2: {  	s24 =	simm.s32 $0x1B8B  }
0xa3: {  	_ =	swait.ge [sflag:s24], $0x1  }
0xa4: {  	[sflag:s24] =	ssyncset.done $0x0  }
0xa5: {  	s25 =	simm.s32 $0x1B8E;
	[sflag:s24] =	ssyncadd.s32 $0xFFFFFFFF  }
0xa6: {  	s26 =	simm.s32 $execute0_lowered;
	[smem:$0x3FD2] =	sst s25  }
0xa7: {  	s5 =	sshll.u32 s26, $0x1;
	_ =	strace $0x80000046;
	[dreg:$0x1] =	wrdreg $0xFFFFFFFF  }
0xa8: {  	s28 =	simm.s32 $_size_execute0_lowered;
	s4 =	sadd.s32 s4, s5;
	[dreg:$0x0] =	wrdreg $0x0  }
0xa9: {  	s5 =	sshll.u32 s28, $0x1;
	[dreg:$0x2] =	wrdreg s4  }
0xaa: {  	[dreg:$0x3] =	wrdreg s5  }
0xab: {  	[dreg:$0x4] =	wrdreg $0xC0  }
0xac: {  	_ =	task [dreg:s8], $0x5FFFF  }
0xad: {  	[dreg:$0x1] =	wrdreg $0xFFFFFFFF  }
0xae: {  	[dreg:$0x0] =	wrdreg $0x60  }
0xaf: {  	[dreg:$0x2] =	wrdreg s2  }
0xb0: {  	[dreg:$0x3] =	wrdreg s19  }
0xb1: {  	[dreg:$0x4] =	wrdreg $0x9  }
0xb2: {  	_ =	task.clear_ibuf [dreg:s8], $0x5FFFF;
	_ =	strace $0x90000046  }
0xb3: {  	s29 =	simm.s32 $0x9;
	_ =	strace $0x80000048  }
0xb4: {  	_ =	swait.ge [sflag:s29], $0x1  }
0xb5: {  	[sflag:s29] =	ssyncadd.s32 $0xFFFFFFFF  }
0xb6: {  	_ =	strace $0x90000048  }
0xb7: {  	_ =	sfence  }
0xb8: {  	s30 =	sld [smem:$0x0];
	_ =	sdelay $0x2  }
0xb9: {  	s31 =	sshll.u32 s1, $0xD;
	s1 =	sshrl.u32 s1, $0x2  }
0xba: {  	s3 =	sand.u32 $0x4000, s31;
	s1 =	sadd.s32 s1, s30  }
0xbb: {  	s0 =	sor.u32 s3, s0;
	s1 =	sshll.u32 s1, $0x11  }
0xbc: {  	s0 =	sor.u32 s1, s0  }
0xbd: {  	s0 =	sadd.s32 $0x8F2B, s0  }
0xbe: {  	[sflag:s0] =	ssyncadd.remote.s32 $0x1  }
0xbf: {  	_ =	sfence.sel $0xFFFF  }
0xc0: {  	[dreg:$0x0] =	wrdreg $0xFFFFFFFF;
	(pc) =	sbr.abs _section_cstart, $3  }
0xc1: {  	[dreg:$0x1] =	wrdreg $0xFFFFFFFF  }
0xc2: {  	_ =	task.clear_ibuf [dreg:s8], $0x2FFFF;
	_ =	strace $0x9FFFFFFF  }
0xc3: {  	(tm) =	ssettm $0x7FFFFFFF  }
tec
execute0_lowered:
.L_overlay_start_1:
0x0: {  	(tag) =	ssettag $0x1  }
0x1: {  	s5 =	rddreg [dreg:$0x0]  }
0x2: {  	s6 =	rddreg [dreg:$0x1]  }
0x3: {  	s0 =	rddreg [dreg:$0x2];
	s2 =	simm.s32 $0x0;
	s3 =	srdreg.scid  }
0x4: {  	s1 =	stileid.u32;
	s10 =	simm.s32 $0x1;
	s11 =	simm.s32 $0x2  }
0x5: {  	s12 =	simm.s32 $0x0;
	[smem:$0x7FF] =	sst s2;
	s3 =	sand.u32 $0x1, s3  }
0x6: {  	s7 =	sshll.u32 s1, $0xC;
	s4 =	ssub.s32 $0x2, s3;
	s3 =	sshll.u32 s3, $0xB  }
0x7: {  	_ =	strace $0x80000047;
	s8 =	sshrl.u32 s4, $0x1;
	s7 =	sor.u32 s3, s7  }
0x8: {  	s8 =	ssub.s32 s4, s8;
	s3 =	sadd.s32 s5, s7;
	s9 =	sor.u32 $0x400, s7  }
0x9: {  	s4 =	sadd.s32 s6, s7;
	s5 =	sadd.s32 s5, s9;
	s6 =	sadd.s32 s6, s9  }
0xa: {  	s7 =	smax.u32 s8, $0x1;
	s8 =	simm.s32 $0x2000;
	s9 =	simm.s32 $0x80000  }
.LBB2_1:
0xb: {  	[tilespmem:s2], [sflag:$0x1] =	stream.strided.gather [hbm4b:s3+s8], $0x10000, s9, s8, $0x38;
	[tilespmem:$0x10000] =	vst v63  }
0xc: {  	_ =	swait.ge [sflag:s10], $0x10000  }
0xd: {  	[sflag:s10] =	ssyncset.done $0x0  }
0xe: {  	s13 =	simm.s32 $0x0;
	s14 =	simm.s32 $0x0;
	[sflag:s10] =	ssyncadd.s32 $0xFFFF0000  }
.LBB2_2:
0xf: {  	s15 =	sand.u32 $0x70, s14;
	s16 =	sand.u32 $0x1C00, s13  }
0x10: {  	s15 =	sor.u32 s15, s16  }
0x11: {  	v0 =	vld [tilespmem:s15+$0x0]  }
0x12: {  	v7 =	vld [tilespmem:s15+$0x80];
	_ =	sdelay $0x1  }
0x13: {  	v6 =	vld [tilespmem:s15+$0x100];
	_ =	sdelay $0x1  }
0x14: {  	v5 =	vld [tilespmem:s15+$0x180]  }
0x15: {  	v1 =	vadd.f32 v7, v0  }
0x16: {  	v4 =	vld [tilespmem:s15+$0x200]  }
0x17: {  	v1 =	vadd.f32 v6, v1  }
0x18: {  	v3 =	vld [tilespmem:s15+$0x280]  }
0x19: {  	v1 =	vadd.f32 v5, v1  }
0x1a: {  	s31 =	sor.u32 s13, s14;
	v2 =	vld [tilespmem:s15+$0x300]  }
0x1b: {  	s16 =	sor.u32 $0x380, s31;
	v1 =	vadd.f32 v4, v1  }
0x1c: {  	v8 =	vld [tilespmem:s16+$0x0]  }
0x1d: {  	v1 =	vadd.f32 v3, v1  }
0x1e: {  	v9 =	vld [tilespmem:s15+$0x2000]  }
0x1f: {  	v1 =	vadd.f32 v2, v1  }
0x20: {  	v10 =	vld [tilespmem:s15+$0x2080]  }
0x21: {  	v1 =	vadd.f32 v8, v1  }
0x22: {  	v59 =	vld [tilespmem:s15+$0x2100]  }
0x23: {  	v1 =	vadd.f32 v9, v1  }
0x24: {  	v60 =	vld [tilespmem:s15+$0x2180]  }
0x25: {  	v1 =	vadd.f32 v10, v1  }
0x26: {  	v61 =	vld [tilespmem:s15+$0x2200]  }
0x27: {  	v1 =	vadd.f32 v59, v1  }
0x28: {  	v62 =	vld [tilespmem:s15+$0x2280]  }
0x29: {  	v1 =	vadd.f32 v60, v1  }
0x2a: {  	v63 =	vld [tilespmem:s15+$0x2300]  }
0x2b: {  	v1 =	vadd.f32 v61, v1  }
0x2c: {  	v12 =	vld [tilespmem:s15+$0x2380]  }
0x2d: {  	v1 =	vadd.f32 v62, v1  }
0x2e: {  	v13 =	vld [tilespmem:s15+$0x4000]  }
0x2f: {  	v1 =	vadd.f32 v63, v1  }
0x30: {  	v14 =	vld [tilespmem:s15+$0x4080]  }
0x31: {  	v1 =	vadd.f32 v12, v1  }
0x32: {  	v15 =	vld [tilespmem:s15+$0x4100]  }
0x33: {  	v1 =	vadd.f32 v13, v1  }
0x34: {  	v16 =	vld [tilespmem:s15+$0x4180]  }
0x35: {  	v1 =	vadd.f32 v14, v1  }
0x36: {  	v17 =	vld [tilespmem:s15+$0x4200]  }
0x37: {  	v1 =	vadd.f32 v15, v1  }
0x38: {  	v18 =	vld [tilespmem:s15+$0x4280]  }
0x39: {  	v1 =	vadd.f32 v16, v1  }
0x3a: {  	v19 =	vld [tilespmem:s15+$0x4300]  }
0x3b: {  	v1 =	vadd.f32 v17, v1  }
0x3c: {  	v20 =	vld [tilespmem:s15+$0x4380]  }
0x3d: {  	v1 =	vadd.f32 v18, v1  }
0x3e: {  	v21 =	vld [tilespmem:s15+$0x6000]  }
0x3f: {  	v1 =	vadd.f32 v19, v1  }
0x40: {  	v22 =	vld [tilespmem:s15+$0x6080]  }
0x41: {  	v1 =	vadd.f32 v20, v1  }
0x42: {  	v23 =	vld [tilespmem:s15+$0x6100]  }
0x43: {  	v1 =	vadd.f32 v21, v1  }
0x44: {  	v24 =	vld [tilespmem:s15+$0x6180]  }
0x45: {  	v1 =	vadd.f32 v22, v1  }
0x46: {  	v25 =	vld [tilespmem:s15+$0x6200]  }
0x47: {  	v1 =	vadd.f32 v23, v1  }
0x48: {  	v26 =	vld [tilespmem:s15+$0x6280]  }
0x49: {  	v1 =	vadd.f32 v24, v1  }
0x4a: {  	v27 =	vld [tilespmem:s15+$0x6300]  }
0x4b: {  	v1 =	vadd.f32 v25, v1  }
0x4c: {  	v28 =	vld [tilespmem:s15+$0x6380]  }
0x4d: {  	v1 =	vadd.f32 v26, v1  }
0x4e: {  	v29 =	vld [tilespmem:s15+$0x8000]  }
0x4f: {  	v1 =	vadd.f32 v27, v1  }
0x50: {  	v30 =	vld [tilespmem:s15+$0x8080]  }
0x51: {  	v1 =	vadd.f32 v28, v1  }
0x52: {  	v31 =	vld [tilespmem:s15+$0x8100]  }
0x53: {  	v1 =	vadd.f32 v29, v1  }
0x54: {  	v32 =	vld [tilespmem:s15+$0x8180]  }
0x55: {  	v1 =	vadd.f32 v30, v1  }
0x56: {  	v33 =	vld [tilespmem:s15+$0x8200]  }
0x57: {  	v1 =	vadd.f32 v31, v1  }
0x58: {  	v34 =	vld [tilespmem:s15+$0x8280]  }
0x59: {  	v1 =	vadd.f32 v32, v1  }
0x5a: {  	v35 =	vld [tilespmem:s15+$0x8300]  }
0x5b: {  	v1 =	vadd.f32 v33, v1  }
0x5c: {  	v36 =	vld [tilespmem:s15+$0x8380]  }
0x5d: {  	v1 =	vadd.f32 v34, v1  }
0x5e: {  	v37 =	vld [tilespmem:s15+$0xA000]  }
0x5f: {  	v1 =	vadd.f32 v35, v1  }
0x60: {  	v38 =	vld [tilespmem:s15+$0xA080]  }
0x61: {  	v1 =	vadd.f32 v36, v1  }
0x62: {  	v39 =	vld [tilespmem:s15+$0xA100]  }
0x63: {  	v1 =	vadd.f32 v37, v1  }
0x64: {  	v40 =	vld [tilespmem:s15+$0xA180]  }
0x65: {  	v1 =	vadd.f32 v38, v1  }
0x66: {  	v41 =	vld [tilespmem:s15+$0xA200]  }
0x67: {  	v1 =	vadd.f32 v39, v1  }
0x68: {  	v42 =	vld [tilespmem:s15+$0xA280]  }
0x69: {  	v1 =	vadd.f32 v40, v1  }
0x6a: {  	v43 =	vld [tilespmem:s15+$0xA300]  }
0x6b: {  	v1 =	vadd.f32 v41, v1  }
0x6c: {  	v44 =	vld [tilespmem:s15+$0xA380]  }
0x6d: {  	v1 =	vadd.f32 v42, v1  }
0x6e: {  	v45 =	vld [tilespmem:s15+$0xC000]  }
0x6f: {  	v1 =	vadd.f32 v43, v1  }
0x70: {  	v46 =	vld [tilespmem:s15+$0xC080]  }
0x71: {  	v1 =	vadd.f32 v44, v1  }
0x72: {  	v47 =	vld [tilespmem:s15+$0xC100]  }
0x73: {  	v1 =	vadd.f32 v45, v1  }
0x74: {  	v48 =	vld [tilespmem:s15+$0xC180]  }
0x75: {  	v1 =	vadd.f32 v46, v1  }
0x76: {  	v49 =	vld [tilespmem:s15+$0xC200]  }
0x77: {  	v1 =	vadd.f32 v47, v1  }
0x78: {  	v50 =	vld [tilespmem:s15+$0xC280]  }
0x79: {  	v1 =	vadd.f32 v48, v1  }
0x7a: {  	v51 =	vld [tilespmem:s15+$0xC300]  }
0x7b: {  	v1 =	vadd.f32 v49, v1  }
0x7c: {  	v52 =	vld [tilespmem:s15+$0xC380]  }
0x7d: {  	v1 =	vadd.f32 v50, v1  }
0x7e: {  	v53 =	vld [tilespmem:s15+$0xE000]  }
0x7f: {  	v1 =	vadd.f32 v51, v1  }
0x80: {  	v54 =	vld [tilespmem:s15+$0xE080]  }
0x81: {  	v1 =	vadd.f32 v52, v1  }
0x82: {  	v55 =	vld [tilespmem:s15+$0xE100]  }
0x83: {  	v1 =	vadd.f32 v53, v1  }
0x84: {  	v56 =	vld [tilespmem:s15+$0xE180]  }
0x85: {  	v1 =	vadd.f32 v54, v1  }
0x86: {  	v57 =	vld [tilespmem:s15+$0xE200]  }
0x87: {  	v1 =	vadd.f32 v55, v1  }
0x88: {  	v58 =	vld [tilespmem:s15+$0xE280]  }
0x89: {  	v1 =	vadd.f32 v56, v1  }
0x8a: {  	v59 =	vld [tilespmem:s15+$0xE300]  }
0x8b: {  	v1 =	vadd.f32 v57, v1  }
0x8c: {  	v60 =	vld [tilespmem:s15+$0xE380]  }
0x8d: {  	v1 =	vadd.f32 v58, v1;
	_ =	sdelay $0x1  }
0x8e: {  	v1 =	vadd.f32 v59, v1;
	_ =	sdelay $0x1  }
0x8f: {  	v1 =	vadd.f32 v60, v1;
	_ =	sdelay $0x1  }
0x90: {  	v61 =	vsub.f32 $9.999999740e-06, v1;
	_ =	sdelay $0x1  }
0x91: {  	v8 =	vmax.f32 v61, $0.0e+00  }
0x92: {  	v1 =	vadd.f32 v8, v1;
	_ =	sdelay $0x1  }
0x93: {  	(erf) = vrcp.f32 v1;
	_ =	sdelay $0x5  }
0x94: {  	v1 =	vmul.f32 $1.562500000e-02, v8;
	_ =	sdelay $0x1  }
0x95: {  	v8 =	vadd.f32 v1, v0  }
0x96: {  	v7 =	vadd.f32 v1, v7;
	v0 =	vpop (erf)  }
0x97: {  	v6 =	vadd.f32 v1, v6;
	v8 =	vmul.f32 v0, v8  }
0x98: {  	v5 =	vadd.f32 v1, v5;
	v7 =	vmul.f32 v0, v7  }
0x99: {  	v4 =	vadd.f32 v1, v4;
	v6 =	vmul.f32 v0, v6;
	[tilespmem:s15+$0x0] =	vst v8  }
0x9a: {  	v3 =	vadd.f32 v1, v3;
	v5 =	vmul.f32 v0, v5;
	[tilespmem:s15+$0x80] =	vst v7  }
0x9b: {  	v2 =	vadd.f32 v1, v2;
	v4 =	vmul.f32 v0, v4;
	[tilespmem:s15+$0x100] =	vst v6  }
0x9c: {  	v3 =	vmul.f32 v0, v3;
	[tilespmem:s15+$0x180] =	vst v5  }
0x9d: {  	v2 =	vmul.f32 v0, v2;
	[tilespmem:s15+$0x200] =	vst v4  }
0x9e: {  	[tilespmem:s15+$0x280] =	vst v3  }
0x9f: {  	[tilespmem:s15+$0x300] =	vst v2  }
0xa0: {  	v2 =	vld [tilespmem:s16+$0x0];
	_ =	sdelay $0x4  }
0xa1: {  	v2 =	vadd.f32 v2, v1;
	_ =	sdelay $0x1  }
0xa2: {  	v2 =	vmul.f32 v2, v0;
	_ =	sdelay $0x1  }
0xa3: {  	[tilespmem:s16+$0x0] =	vst v2  }
0xa4: {  	v2 =	vld [tilespmem:s15+$0x2000]  }
0xa5: {  	v62 =	vld [tilespmem:s15+$0x2080]  }
0xa6: {  	v63 =	vld [tilespmem:s15+$0x2100]  }
0xa7: {  	v12 =	vld [tilespmem:s15+$0x2180]  }
0xa8: {  	v13 =	vld [tilespmem:s15+$0x2200]  }
0xa9: {  	v14 =	vld [tilespmem:s15+$0x2280];
	v2 =	vadd.f32 v2, v1  }
0xaa: {  	v15 =	vld [tilespmem:s15+$0x2300];
	v3 =	vadd.f32 v62, v1  }
0xab: {  	v16 =	vld [tilespmem:s15+$0x2380];
	v4 =	vadd.f32 v63, v1;
	v2 =	vmul.f32 v2, v0  }
0xac: {  	v17 =	vld [tilespmem:s15+$0x4000];
	v5 =	vadd.f32 v12, v1;
	v3 =	vmul.f32 v3, v0  }
0xad: {  	v20 =	vld [tilespmem:s15+$0x4080];
	v19 =	vadd.f32 v13, v1;
	v18 =	vmul.f32 v4, v0;
	[tilespmem:s15+$0x2000] =	vst v2  }
0xae: {  	v23 =	vld [tilespmem:s15+$0x4100];
	v22 =	vadd.f32 v14, v1;
	v21 =	vmul.f32 v5, v0;
	[tilespmem:s15+$0x2080] =	vst v3  }
0xaf: {  	v26 =	vld [tilespmem:s15+$0x4180];
	v25 =	vadd.f32 v15, v1;
	v24 =	vmul.f32 v19, v0;
	[tilespmem:s15+$0x2100] =	vst v18  }
0xb0: {  	v29 =	vld [tilespmem:s15+$0x4200];
	v28 =	vadd.f32 v16, v1;
	v27 =	vmul.f32 v22, v0;
	[tilespmem:s15+$0x2180] =	vst v21  }
0xb1: {  	v32 =	vld [tilespmem:s15+$0x4280];
	v31 =	vadd.f32 v17, v1;
	v30 =	vmul.f32 v25, v0;
	[tilespmem:s15+$0x2200] =	vst v24  }
0xb2: {  	v35 =	vld [tilespmem:s15+$0x4300];
	v34 =	vadd.f32 v20, v1;
	v33 =	vmul.f32 v28, v0;
	[tilespmem:s15+$0x2280] =	vst v27  }
0xb3: {  	v38 =	vld [tilespmem:s15+$0x4380];
	v37 =	vadd.f32 v23, v1;
	v36 =	vmul.f32 v31, v0;
	[tilespmem:s15+$0x2300] =	vst v30  }
0xb4: {  	v41 =	vld [tilespmem:s15+$0x6000];
	v40 =	vadd.f32 v26, v1;
	v39 =	vmul.f32 v34, v0;
	[tilespmem:s15+$0x2380] =	vst v33  }
0xb5: {  	v44 =	vld [tilespmem:s15+$0x6080];
	v43 =	vadd.f32 v29, v1;
	v42 =	vmul.f32 v37, v0;
	[tilespmem:s15+$0x4000] =	vst v36  }
0xb6: {  	v47 =	vld [tilespmem:s15+$0x6100];
	v46 =	vadd.f32 v32, v1;
	v45 =	vmul.f32 v40, v0;
	[tilespmem:s15+$0x4080] =	vst v39  }
0xb7: {  	v50 =	vld [tilespmem:s15+$0x6180];
	v49 =	vadd.f32 v35, v1;
	v48 =	vmul.f32 v43, v0;
	[tilespmem:s15+$0x4100] =	vst v42  }
0xb8: {  	v53 =	vld [tilespmem:s15+$0x6200];
	v52 =	vadd.f32 v38, v1;
	v51 =	vmul.f32 v46, v0;
	[tilespmem:s15+$0x4180] =	vst v45  }
0xb9: {  	v56 =	vld [tilespmem:s15+$0x6280];
	v55 =	vadd.f32 v41, v1;
	v54 =	vmul.f32 v49, v0;
	[tilespmem:s15+$0x4200] =	vst v48  }
0xba: {  	v59 =	vld [tilespmem:s15+$0x6300];
	v58 =	vadd.f32 v44, v1;
	v57 =	vmul.f32 v52, v0;
	[tilespmem:s15+$0x4280] =	vst v51  }
0xbb: {  	v61 =	vadd.f32 v47, v1;
	v62 =	vld [tilespmem:s15+$0x6380];
	v60 =	vmul.f32 v55, v0;
	[tilespmem:s15+$0x4300] =	vst v54  }
0xbc: {  	v11 =	vadd.f32 v50, v1;
	v12 =	vld [tilespmem:s15+$0x8000];
	v63 =	vmul.f32 v58, v0;
	[tilespmem:s15+$0x4380] =	vst v57  }
0xbd: {  	v14 =	vadd.f32 v53, v1;
	v15 =	vld [tilespmem:s15+$0x8080];
	v13 =	vmul.f32 v61, v0;
	[tilespmem:s15+$0x6000] =	vst v60  }
0xbe: {  	v17 =	vadd.f32 v56, v1;
	v16 =	vmul.f32 v11, v0;
	[tilespmem:s15+$0x6080] =	vst v63;
	v18 =	vld [tilespmem:s15+$0x8100]  }
0xbf: {  	v20 =	vadd.f32 v59, v1;
	v19 =	vmul.f32 v14, v0;
	[tilespmem:s15+$0x6100] =	vst v13;
	v21 =	vld [tilespmem:s15+$0x8180]  }
0xc0: {  	v22 =	vmul.f32 v17, v0;
	[tilespmem:s15+$0x6180] =	vst v16;
	v24 =	vld [tilespmem:s15+$0x8200];
	v23 =	vadd.f32 v62, v1  }
0xc1: {  	v25 =	vmul.f32 v20, v0;
	[tilespmem:s15+$0x6200] =	vst v19;
	v27 =	vld [tilespmem:s15+$0x8280];
	v26 =	vadd.f32 v12, v1  }
0xc2: {  	[tilespmem:s15+$0x6280] =	vst v22;
	v30 =	vld [tilespmem:s15+$0x8300];
	v29 =	vadd.f32 v15, v1;
	v28 =	vmul.f32 v23, v0  }
0xc3: {  	[tilespmem:s15+$0x6300] =	vst v25;
	v33 =	vld [tilespmem:s15+$0x8380];
	v31 =	vmul.f32 v26, v0;
	v32 =	vadd.f32 v18, v1  }
0xc4: {  	v36 =	vld [tilespmem:s15+$0xA000];
	v34 =	vmul.f32 v29, v0;
	[tilespmem:s15+$0x6380] =	vst v28;
	v35 =	vadd.f32 v21, v1  }
0xc5: {  	v39 =	vld [tilespmem:s15+$0xA080];
	[tilespmem:s15+$0x8000] =	vst v31;
	v38 =	vadd.f32 v24, v1;
	v37 =	vmul.f32 v32, v0  }
0xc6: {  	v42 =	vld [tilespmem:s15+$0xA100];
	[tilespmem:s15+$0x8080] =	vst v34;
	v41 =	vadd.f32 v27, v1;
	v40 =	vmul.f32 v35, v0  }
0xc7: {  	v45 =	vld [tilespmem:s15+$0xA180];
	v44 =	vadd.f32 v30, v1;
	v43 =	vmul.f32 v38, v0;
	[tilespmem:s15+$0x8100] =	vst v37  }
0xc8: {  	v48 =	vld [tilespmem:s15+$0xA200];
	v47 =	vadd.f32 v33, v1;
	v46 =	vmul.f32 v41, v0;
	[tilespmem:s15+$0x8180] =	vst v40  }
0xc9: {  	v51 =	vld [tilespmem:s15+$0xA280];
	v50 =	vadd.f32 v36, v1;
	v49 =	vmul.f32 v44, v0;
	[tilespmem:s15+$0x8200] =	vst v43  }
0xca: {  	v54 =	vld [tilespmem:s15+$0xA300];
	v53 =	vadd.f32 v39, v1;
	v52 =	vmul.f32 v47, v0;
	[tilespmem:s15+$0x8280] =	vst v46  }
0xcb: {  	v57 =	vld [tilespmem:s15+$0xA380];
	v56 =	vadd.f32 v42, v1;
	v55 =	vmul.f32 v50, v0;
	[tilespmem:s15+$0x8300] =	vst v49  }
0xcc: {  	v60 =	vld [tilespmem:s15+$0xC000];
	v59 =	vadd.f32 v45, v1;
	v58 =	vmul.f32 v53, v0;
	[tilespmem:s15+$0x8380] =	vst v52  }
0xcd: {  	v63 =	vld [tilespmem:s15+$0xC080];
	v62 =	vadd.f32 v48, v1;
	v61 =	vmul.f32 v56, v0;
	[tilespmem:s15+$0xA000] =	vst v55  }
0xce: {  	v14 =	vld [tilespmem:s15+$0xC100];
	v13 =	vadd.f32 v51, v1;
	v12 =	vmul.f32 v59, v0;
	[tilespmem:s15+$0xA080] =	vst v58  }
0xcf: {  	v17 =	vld [tilespmem:s15+$0xC180];
	v16 =	vadd.f32 v54, v1;
	v15 =	vmul.f32 v62, v0;
	[tilespmem:s15+$0xA100] =	vst v61  }
0xd0: {  	v20 =	vld [tilespmem:s15+$0xC200];
	v19 =	vadd.f32 v57, v1;
	v18 =	vmul.f32 v13, v0;
	[tilespmem:s15+$0xA180] =	vst v12  }
0xd1: {  	v23 =	vld [tilespmem:s15+$0xC280];
	v22 =	vadd.f32 v60, v1;
	v21 =	vmul.f32 v16, v0;
	[tilespmem:s15+$0xA200] =	vst v15  }
0xd2: {  	v26 =	vld [tilespmem:s15+$0xC300];
	v25 =	vadd.f32 v63, v1;
	v24 =	vmul.f32 v19, v0;
	[tilespmem:s15+$0xA280] =	vst v18  }
0xd3: {  	v29 =	vld [tilespmem:s15+$0xC380];
	v28 =	vadd.f32 v14, v1;
	v27 =	vmul.f32 v22, v0;
	[tilespmem:s15+$0xA300] =	vst v21  }
0xd4: {  	v31 =	vadd.f32 v17, v1;
	v30 =	vmul.f32 v25, v0;
	v32 =	vld [tilespmem:s15+$0xE000];
	[tilespmem:s15+$0xA380] =	vst v24  }
0xd5: {  	v34 =	vadd.f32 v20, v1;
	v33 =	vmul.f32 v28, v0;
	v35 =	vld [tilespmem:s15+$0xE080];
	[tilespmem:s15+$0xC000] =	vst v27  }
0xd6: {  	v36 =	vmul.f32 v31, v0;
	v38 =	vld [tilespmem:s15+$0xE100];
	[tilespmem:s15+$0xC080] =	vst v30;
	v37 =	vadd.f32 v23, v1  }
0xd7: {  	v39 =	vmul.f32 v34, v0;
	v41 =	vld [tilespmem:s15+$0xE180];
	[tilespmem:s15+$0xC100] =	vst v33;
	v40 =	vadd.f32 v26, v1  }
0xd8: {  	v44 =	vld [tilespmem:s15+$0xE200];
	[tilespmem:s15+$0xC180] =	vst v36;
	v43 =	vadd.f32 v29, v1;
	v42 =	vmul.f32 v37, v0  }
0xd9: {  	v47 =	vld [tilespmem:s15+$0xE280];
	[tilespmem:s15+$0xC200] =	vst v39;
	v45 =	vmul.f32 v40, v0;
	v46 =	vadd.f32 v32, v1  }
0xda: {  	v50 =	vld [tilespmem:s15+$0xE300];
	v48 =	vmul.f32 v43, v0;
	v49 =	vadd.f32 v35, v1;
	[tilespmem:s15+$0xC280] =	vst v42  }
0xdb: {  	v53 =	vld [tilespmem:s15+$0xE380];
	v52 =	vadd.f32 v38, v1;
	[tilespmem:s15+$0xC300] =	vst v45;
	v51 =	vmul.f32 v46, v0  }
0xdc: {  	v55 =	vadd.f32 v41, v1;
	[tilespmem:s15+$0xC380] =	vst v48;
	v54 =	vmul.f32 v49, v0  }
0xdd: {  	v57 =	vadd.f32 v44, v1;
	v56 =	vmul.f32 v52, v0;
	[tilespmem:s15+$0xE000] =	vst v51  }
0xde: {  	v59 =	vadd.f32 v47, v1;
	v58 =	vmul.f32 v55, v0;
	[tilespmem:s15+$0xE080] =	vst v54  }
0xdf: {  	p0 =	sne.s32 s14, $0x3F0;
	v61 =	vadd.f32 v50, v1;
	v60 =	vmul.f32 v57, v0;
	[tilespmem:s15+$0xE100] =	vst v56  }
.Ltmp0:
0xe0: {  	v1 =	vadd.f32 v53, v1;
	v62 =	vmul.f32 v59, v0;
	[tilespmem:s15+$0xE180] =	vst v58;
	(pc) =	sbr.rel @p0 .LBB2_2-.Ltmp0, $4  }
0xe1: {  	v63 =	vmul.f32 v61, v0;
	[tilespmem:s15+$0xE200] =	vst v60  }
0xe2: {  	v0 =	vmul.f32 v1, v0;
	[tilespmem:s15+$0xE280] =	vst v62  }
0xe3: {  	[tilespmem:s15+$0xE300] =	vst v63  }
0xe4: {  	s13 =	sadd.s32 $0x80, s13;
	s14 =	sadd.s32 $0x10, s14;
	[tilespmem:s15+$0xE380] =	vst v0  }
0xe5: {  	s13 =	simm.s32 $0x0  }
0xe6: {  	[hbm4b:s4+s8] =	stream.strided.scatter [tilespmem:s13], [sflag:$0x2], $0x10000, s9, s8, $0x38;
	[tilespmem:$0x10000] =	vst v63  }
0xe7: {  	_ =	swait.ge [sflag:s11], $0x10000  }
0xe8: {  	[sflag:s11] =	ssyncset.done $0x0  }
0xe9: {  	[sflag:s11] =	ssyncadd.s32 $0xFFFF0000  }
0xea: {  	[tilespmem:s13], [sflag:$0x1] =	stream.strided.gather [hbm4b:s5+s8], $0x10000, s9, s8, $0x38;
	[tilespmem:$0x10000] =	vst v63  }
0xeb: {  	_ =	swait.ge [sflag:s10], $0x10000  }
0xec: {  	[sflag:s10] =	ssyncset.done $0x0  }
0xed: {  	s14 =	simm.s32 $0x0;
	[sflag:s10] =	ssyncadd.s32 $0xFFFF0000  }
.LBB2_4:
0xee: {  	s15 =	sand.u32 $0x70, s14;
	s16 =	sand.u32 $0x1C00, s13  }
0xef: {  	s15 =	sor.u32 s15, s16  }
0xf0: {  	v0 =	vld [tilespmem:s15+$0x0]  }
0xf1: {  	v7 =	vld [tilespmem:s15+$0x80];
	_ =	sdelay $0x1  }
0xf2: {  	v6 =	vld [tilespmem:s15+$0x100];
	_ =	sdelay $0x1  }
0xf3: {  	v5 =	vld [tilespmem:s15+$0x180]  }
0xf4: {  	v1 =	vadd.f32 v7, v0  }
0xf5: {  	v4 =	vld [tilespmem:s15+$0x200]  }
0xf6: {  	v1 =	vadd.f32 v6, v1  }
0xf7: {  	v3 =	vld [tilespmem:s15+$0x280]  }
0xf8: {  	v1 =	vadd.f32 v5, v1  }
0xf9: {  	s31 =	sor.u32 s13, s14;
	v2 =	vld [tilespmem:s15+$0x300]  }
0xfa: {  	s16 =	sor.u32 $0x380, s31;
	v1 =	vadd.f32 v4, v1  }
0xfb: {  	v8 =	vld [tilespmem:s16+$0x0]  }
0xfc: {  	v1 =	vadd.f32 v3, v1  }
0xfd: {  	v9 =	vld [tilespmem:s15+$0x2000]  }
0xfe: {  	v1 =	vadd.f32 v2, v1  }
0xff: {  	v10 =	vld [tilespmem:s15+$0x2080]  }
0x100: {  	v1 =	vadd.f32 v8, v1  }
0x101: {  	v59 =	vld [tilespmem:s15+$0x2100]  }
0x102: {  	v1 =	vadd.f32 v9, v1  }
0x103: {  	v60 =	vld [tilespmem:s15+$0x2180]  }
0x104: {  	v1 =	vadd.f32 v10, v1  }
0x105: {  	v61 =	vld [tilespmem:s15+$0x2200]  }
0x106: {  	v1 =	vadd.f32 v59, v1  }
0x107: {  	v62 =	vld [tilespmem:s15+$0x2280]  }
0x108: {  	v1 =	vadd.f32 v60, v1  }
0x109: {  	v63 =	vld [tilespmem:s15+$0x2300]  }
0x10a: {  	v1 =	vadd.f32 v61, v1  }
0x10b: {  	v12 =	vld [tilespmem:s15+$0x2380]  }
0x10c: {  	v1 =	vadd.f32 v62, v1  }
0x10d: {  	v13 =	vld [tilespmem:s15+$0x4000]  }
0x10e: {  	v1 =	vadd.f32 v63, v1  }
0x10f: {  	v14 =	vld [tilespmem:s15+$0x4080]  }
0x110: {  	v1 =	vadd.f32 v12, v1  }
0x111: {  	v15 =	vld [tilespmem:s15+$0x4100]  }
0x112: {  	v1 =	vadd.f32 v13, v1  }
0x113: {  	v16 =	vld [tilespmem:s15+$0x4180]  }
0x114: {  	v1 =	vadd.f32 v14, v1  }
0x115: {  	v17 =	vld [tilespmem:s15+$0x4200]  }
0x116: {  	v1 =	vadd.f32 v15, v1  }
0x117: {  	v18 =	vld [tilespmem:s15+$0x4280]  }
0x118: {  	v1 =	vadd.f32 v16, v1  }
0x119: {  	v19 =	vld [tilespmem:s15+$0x4300]  }
0x11a: {  	v1 =	vadd.f32 v17, v1  }
0x11b: {  	v20 =	vld [tilespmem:s15+$0x4380]  }
0x11c: {  	v1 =	vadd.f32 v18, v1  }
0x11d: {  	v21 =	vld [tilespmem:s15+$0x6000]  }
0x11e: {  	v1 =	vadd.f32 v19, v1  }
0x11f: {  	v22 =	vld [tilespmem:s15+$0x6080]  }
0x120: {  	v1 =	vadd.f32 v20, v1  }
0x121: {  	v23 =	vld [tilespmem:s15+$0x6100]  }
0x122: {  	v1 =	vadd.f32 v21, v1  }
0x123: {  	v24 =	vld [tilespmem:s15+$0x6180]  }
0x124: {  	v1 =	vadd.f32 v22, v1  }
0x125: {  	v25 =	vld [tilespmem:s15+$0x6200]  }
0x126: {  	v1 =	vadd.f32 v23, v1  }
0x127: {  	v26 =	vld [tilespmem:s15+$0x6280]  }
0x128: {  	v1 =	vadd.f32 v24, v1  }
0x129: {  	v27 =	vld [tilespmem:s15+$0x6300]  }
0x12a: {  	v1 =	vadd.f32 v25, v1  }
0x12b: {  	v28 =	vld [tilespmem:s15+$0x6380]  }
0x12c: {  	v1 =	vadd.f32 v26, v1  }
0x12d: {  	v29 =	vld [tilespmem:s15+$0x8000]  }
0x12e: {  	v1 =	vadd.f32 v27, v1  }
0x12f: {  	v30 =	vld [tilespmem:s15+$0x8080]  }
0x130: {  	v1 =	vadd.f32 v28, v1  }
0x131: {  	v31 =	vld [tilespmem:s15+$0x8100]  }
0x132: {  	v1 =	vadd.f32 v29, v1  }
0x133: {  	v32 =	vld [tilespmem:s15+$0x8180]  }
0x134: {  	v1 =	vadd.f32 v30, v1  }
0x135: {  	v33 =	vld [tilespmem:s15+$0x8200]  }
0x136: {  	v1 =	vadd.f32 v31, v1  }
0x137: {  	v34 =	vld [tilespmem:s15+$0x8280]  }
0x138: {  	v1 =	vadd.f32 v32, v1  }
0x139: {  	v35 =	vld [tilespmem:s15+$0x8300]  }
0x13a: {  	v1 =	vadd.f32 v33, v1  }
0x13b: {  	v36 =	vld [tilespmem:s15+$0x8380]  }
0x13c: {  	v1 =	vadd.f32 v34, v1  }
0x13d: {  	v37 =	vld [tilespmem:s15+$0xA000]  }
0x13e: {  	v1 =	vadd.f32 v35, v1  }
0x13f: {  	v38 =	vld [tilespmem:s15+$0xA080]  }
0x140: {  	v1 =	vadd.f32 v36, v1  }
0x141: {  	v39 =	vld [tilespmem:s15+$0xA100]  }
0x142: {  	v1 =	vadd.f32 v37, v1  }
0x143: {  	v40 =	vld [tilespmem:s15+$0xA180]  }
0x144: {  	v1 =	vadd.f32 v38, v1  }
0x145: {  	v41 =	vld [tilespmem:s15+$0xA200]  }
0x146: {  	v1 =	vadd.f32 v39, v1  }
0x147: {  	v42 =	vld [tilespmem:s15+$0xA280]  }
0x148: {  	v1 =	vadd.f32 v40, v1  }
0x149: {  	v43 =	vld [tilespmem:s15+$0xA300]  }
0x14a: {  	v1 =	vadd.f32 v41, v1  }
0x14b: {  	v44 =	vld [tilespmem:s15+$0xA380]  }
0x14c: {  	v1 =	vadd.f32 v42, v1  }
0x14d: {  	v45 =	vld [tilespmem:s15+$0xC000]  }
0x14e: {  	v1 =	vadd.f32 v43, v1  }
0x14f: {  	v46 =	vld [tilespmem:s15+$0xC080]  }
0x150: {  	v1 =	vadd.f32 v44, v1  }
0x151: {  	v47 =	vld [tilespmem:s15+$0xC100]  }
0x152: {  	v1 =	vadd.f32 v45, v1  }
0x153: {  	v48 =	vld [tilespmem:s15+$0xC180]  }
0x154: {  	v1 =	vadd.f32 v46, v1  }
0x155: {  	v49 =	vld [tilespmem:s15+$0xC200]  }
0x156: {  	v1 =	vadd.f32 v47, v1  }
0x157: {  	v50 =	vld [tilespmem:s15+$0xC280]  }
0x158: {  	v1 =	vadd.f32 v48, v1  }
0x159: {  	v51 =	vld [tilespmem:s15+$0xC300]  }
0x15a: {  	v1 =	vadd.f32 v49, v1  }
0x15b: {  	v52 =	vld [tilespmem:s15+$0xC380]  }
0x15c: {  	v1 =	vadd.f32 v50, v1  }
0x15d: {  	v53 =	vld [tilespmem:s15+$0xE000]  }
0x15e: {  	v1 =	vadd.f32 v51, v1  }
0x15f: {  	v54 =	vld [tilespmem:s15+$0xE080]  }
0x160: {  	v1 =	vadd.f32 v52, v1  }
0x161: {  	v55 =	vld [tilespmem:s15+$0xE100]  }
0x162: {  	v1 =	vadd.f32 v53, v1  }
0x163: {  	v56 =	vld [tilespmem:s15+$0xE180]  }
0x164: {  	v1 =	vadd.f32 v54, v1  }
0x165: {  	v57 =	vld [tilespmem:s15+$0xE200]  }
0x166: {  	v1 =	vadd.f32 v55, v1  }
0x167: {  	v58 =	vld [tilespmem:s15+$0xE280]  }
0x168: {  	v1 =	vadd.f32 v56, v1  }
0x169: {  	v59 =	vld [tilespmem:s15+$0xE300]  }
0x16a: {  	v1 =	vadd.f32 v57, v1  }
0x16b: {  	v60 =	vld [tilespmem:s15+$0xE380]  }
0x16c: {  	v1 =	vadd.f32 v58, v1;
	_ =	sdelay $0x1  }
0x16d: {  	v1 =	vadd.f32 v59, v1;
	_ =	sdelay $0x1  }
0x16e: {  	v1 =	vadd.f32 v60, v1;
	_ =	sdelay $0x1  }
0x16f: {  	v61 =	vsub.f32 $9.999999740e-06, v1;
	_ =	sdelay $0x1  }
0x170: {  	v8 =	vmax.f32 v61, $0.0e+00  }
0x171: {  	v1 =	vadd.f32 v8, v1;
	_ =	sdelay $0x1  }
0x172: {  	(erf) = vrcp.f32 v1;
	_ =	sdelay $0x5  }
0x173: {  	v1 =	vmul.f32 $1.562500000e-02, v8;
	_ =	sdelay $0x1  }
0x174: {  	v8 =	vadd.f32 v1, v0  }
0x175: {  	v7 =	vadd.f32 v1, v7;
	v0 =	vpop (erf)  }
0x176: {  	v6 =	vadd.f32 v1, v6;
	v8 =	vmul.f32 v0, v8  }
0x177: {  	v5 =	vadd.f32 v1, v5;
	v7 =	vmul.f32 v0, v7  }
0x178: {  	v4 =	vadd.f32 v1, v4;
	v6 =	vmul.f32 v0, v6;
	[tilespmem:s15+$0x0] =	vst v8  }
0x179: {  	v3 =	vadd.f32 v1, v3;
	v5 =	vmul.f32 v0, v5;
	[tilespmem:s15+$0x80] =	vst v7  }
0x17a: {  	v2 =	vadd.f32 v1, v2;
	v4 =	vmul.f32 v0, v4;
	[tilespmem:s15+$0x100] =	vst v6  }
0x17b: {  	v3 =	vmul.f32 v0, v3;
	[tilespmem:s15+$0x180] =	vst v5  }
0x17c: {  	v2 =	vmul.f32 v0, v2;
	[tilespmem:s15+$0x200] =	vst v4  }
0x17d: {  	[tilespmem:s15+$0x280] =	vst v3  }
0x17e: {  	[tilespmem:s15+$0x300] =	vst v2  }
0x17f: {  	v2 =	vld [tilespmem:s16+$0x0];
	_ =	sdelay $0x4  }
0x180: {  	v2 =	vadd.f32 v2, v1;
	_ =	sdelay $0x1  }
0x181: {  	v2 =	vmul.f32 v2, v0;
	_ =	sdelay $0x1  }
0x182: {  	[tilespmem:s16+$0x0] =	vst v2  }
0x183: {  	v2 =	vld [tilespmem:s15+$0x2000]  }
0x184: {  	v62 =	vld [tilespmem:s15+$0x2080]  }
0x185: {  	v63 =	vld [tilespmem:s15+$0x2100]  }
0x186: {  	v12 =	vld [tilespmem:s15+$0x2180]  }
0x187: {  	v13 =	vld [tilespmem:s15+$0x2200]  }
0x188: {  	v14 =	vld [tilespmem:s15+$0x2280];
	v2 =	vadd.f32 v2, v1  }
0x189: {  	v15 =	vld [tilespmem:s15+$0x2300];
	v3 =	vadd.f32 v62, v1  }
0x18a: {  	v16 =	vld [tilespmem:s15+$0x2380];
	v4 =	vadd.f32 v63, v1;
	v2 =	vmul.f32 v2, v0  }
0x18b: {  	v17 =	vld [tilespmem:s15+$0x4000];
	v5 =	vadd.f32 v12, v1;
	v3 =	vmul.f32 v3, v0  }
0x18c: {  	v20 =	vld [tilespmem:s15+$0x4080];
	v19 =	vadd.f32 v13, v1;
	v18 =	vmul.f32 v4, v0;
	[tilespmem:s15+$0x2000] =	vst v2  }
0x18d: {  	v23 =	vld [tilespmem:s15+$0x4100];
	v22 =	vadd.f32 v14, v1;
	v21 =	vmul.f32 v5, v0;
	[tilespmem:s15+$0x2080] =	vst v3  }
0x18e: {  	v26 =	vld [tilespmem:s15+$0x4180];
	v25 =	vadd.f32 v15, v1;
	v24 =	vmul.f32 v19, v0;
	[tilespmem:s15+$0x2100] =	vst v18  }
0x18f: {  	v29 =	vld [tilespmem:s15+$0x4200];
	v28 =	vadd.f32 v16, v1;
	v27 =	vmul.f32 v22, v0;
	[tilespmem:s15+$0x2180] =	vst v21  }
0x190: {  	v32 =	vld [tilespmem:s15+$0x4280];
	v31 =	vadd.f32 v17, v1;
	v30 =	vmul.f32 v25, v0;
	[tilespmem:s15+$0x2200] =	vst v24  }
0x191: {  	v35 =	vld [tilespmem:s15+$0x4300];
	v34 =	vadd.f32 v20, v1;
	v33 =	vmul.f32 v28, v0;
	[tilespmem:s15+$0x2280] =	vst v27  }
0x192: {  	v38 =	vld [tilespmem:s15+$0x4380];
	v37 =	vadd.f32 v23, v1;
	v36 =	vmul.f32 v31, v0;
	[tilespmem:s15+$0x2300] =	vst v30  }
0x193: {  	v41 =	vld [tilespmem:s15+$0x6000];
	v40 =	vadd.f32 v26, v1;
	v39 =	vmul.f32 v34, v0;
	[tilespmem:s15+$0x2380] =	vst v33  }
0x194: {  	v44 =	vld [tilespmem:s15+$0x6080];
	v43 =	vadd.f32 v29, v1;
	v42 =	vmul.f32 v37, v0;
	[tilespmem:s15+$0x4000] =	vst v36  }
0x195: {  	v47 =	vld [tilespmem:s15+$0x6100];
	v46 =	vadd.f32 v32, v1;
	v45 =	vmul.f32 v40, v0;
	[tilespmem:s15+$0x4080] =	vst v39  }
0x196: {  	v50 =	vld [tilespmem:s15+$0x6180];
	v49 =	vadd.f32 v35, v1;
	v48 =	vmul.f32 v43, v0;
	[tilespmem:s15+$0x4100] =	vst v42  }
0x197: {  	v53 =	vld [tilespmem:s15+$0x6200];
	v52 =	vadd.f32 v38, v1;
	v51 =	vmul.f32 v46, v0;
	[tilespmem:s15+$0x4180] =	vst v45  }
0x198: {  	v56 =	vld [tilespmem:s15+$0x6280];
	v55 =	vadd.f32 v41, v1;
	v54 =	vmul.f32 v49, v0;
	[tilespmem:s15+$0x4200] =	vst v48  }
0x199: {  	v59 =	vld [tilespmem:s15+$0x6300];
	v58 =	vadd.f32 v44, v1;
	v57 =	vmul.f32 v52, v0;
	[tilespmem:s15+$0x4280] =	vst v51  }
0x19a: {  	v61 =	vadd.f32 v47, v1;
	v62 =	vld [tilespmem:s15+$0x6380];
	v60 =	vmul.f32 v55, v0;
	[tilespmem:s15+$0x4300] =	vst v54  }
0x19b: {  	v11 =	vadd.f32 v50, v1;
	v12 =	vld [tilespmem:s15+$0x8000];
	v63 =	vmul.f32 v58, v0;
	[tilespmem:s15+$0x4380] =	vst v57  }
0x19c: {  	v14 =	vadd.f32 v53, v1;
	v15 =	vld [tilespmem:s15+$0x8080];
	v13 =	vmul.f32 v61, v0;
	[tilespmem:s15+$0x6000] =	vst v60  }
0x19d: {  	v17 =	vadd.f32 v56, v1;
	v16 =	vmul.f32 v11, v0;
	[tilespmem:s15+$0x6080] =	vst v63;
	v18 =	vld [tilespmem:s15+$0x8100]  }
0x19e: {  	v20 =	vadd.f32 v59, v1;
	v19 =	vmul.f32 v14, v0;
	[tilespmem:s15+$0x6100] =	vst v13;
	v21 =	vld [tilespmem:s15+$0x8180]  }
0x19f: {  	v22 =	vmul.f32 v17, v0;
	[tilespmem:s15+$0x6180] =	vst v16;
	v24 =	vld [tilespmem:s15+$0x8200];
	v23 =	vadd.f32 v62, v1  }
0x1a0: {  	v25 =	vmul.f32 v20, v0;
	[tilespmem:s15+$0x6200] =	vst v19;
	v27 =	vld [tilespmem:s15+$0x8280];
	v26 =	vadd.f32 v12, v1  }
0x1a1: {  	[tilespmem:s15+$0x6280] =	vst v22;
	v30 =	vld [tilespmem:s15+$0x8300];
	v29 =	vadd.f32 v15, v1;
	v28 =	vmul.f32 v23, v0  }
0x1a2: {  	[tilespmem:s15+$0x6300] =	vst v25;
	v33 =	vld [tilespmem:s15+$0x8380];
	v31 =	vmul.f32 v26, v0;
	v32 =	vadd.f32 v18, v1  }
0x1a3: {  	v36 =	vld [tilespmem:s15+$0xA000];
	v34 =	vmul.f32 v29, v0;
	[tilespmem:s15+$0x6380] =	vst v28;
	v35 =	vadd.f32 v21, v1  }
0x1a4: {  	v39 =	vld [tilespmem:s15+$0xA080];
	[tilespmem:s15+$0x8000] =	vst v31;
	v38 =	vadd.f32 v24, v1;
	v37 =	vmul.f32 v32, v0  }
0x1a5: {  	v42 =	vld [tilespmem:s15+$0xA100];
	[tilespmem:s15+$0x8080] =	vst v34;
	v41 =	vadd.f32 v27, v1;
	v40 =	vmul.f32 v35, v0  }
0x1a6: {  	v45 =	vld [tilespmem:s15+$0xA180];
	v44 =	vadd.f32 v30, v1;
	v43 =	vmul.f32 v38, v0;
	[tilespmem:s15+$0x8100] =	vst v37  }
0x1a7: {  	v48 =	vld [tilespmem:s15+$0xA200];
	v47 =	vadd.f32 v33, v1;
	v46 =	vmul.f32 v41, v0;
	[tilespmem:s15+$0x8180] =	vst v40  }
0x1a8: {  	v51 =	vld [tilespmem:s15+$0xA280];
	v50 =	vadd.f32 v36, v1;
	v49 =	vmul.f32 v44, v0;
	[tilespmem:s15+$0x8200] =	vst v43  }
0x1a9: {  	v54 =	vld [tilespmem:s15+$0xA300];
	v53 =	vadd.f32 v39, v1;
	v52 =	vmul.f32 v47, v0;
	[tilespmem:s15+$0x8280] =	vst v46  }
0x1aa: {  	v57 =	vld [tilespmem:s15+$0xA380];
	v56 =	vadd.f32 v42, v1;
	v55 =	vmul.f32 v50, v0;
	[tilespmem:s15+$0x8300] =	vst v49  }
0x1ab: {  	v60 =	vld [tilespmem:s15+$0xC000];
	v59 =	vadd.f32 v45, v1;
	v58 =	vmul.f32 v53, v0;
	[tilespmem:s15+$0x8380] =	vst v52  }
0x1ac: {  	v63 =	vld [tilespmem:s15+$0xC080];
	v62 =	vadd.f32 v48, v1;
	v61 =	vmul.f32 v56, v0;
	[tilespmem:s15+$0xA000] =	vst v55  }
0x1ad: {  	v14 =	vld [tilespmem:s15+$0xC100];
	v13 =	vadd.f32 v51, v1;
	v12 =	vmul.f32 v59, v0;
	[tilespmem:s15+$0xA080] =	vst v58  }
0x1ae: {  	v17 =	vld [tilespmem:s15+$0xC180];
	v16 =	vadd.f32 v54, v1;
	v15 =	vmul.f32 v62, v0;
	[tilespmem:s15+$0xA100] =	vst v61  }
0x1af: {  	v20 =	vld [tilespmem:s15+$0xC200];
	v19 =	vadd.f32 v57, v1;
	v18 =	vmul.f32 v13, v0;
	[tilespmem:s15+$0xA180] =	vst v12  }
0x1b0: {  	v23 =	vld [tilespmem:s15+$0xC280];
	v22 =	vadd.f32 v60, v1;
	v21 =	vmul.f32 v16, v0;
	[tilespmem:s15+$0xA200] =	vst v15  }
0x1b1: {  	v26 =	vld [tilespmem:s15+$0xC300];
	v25 =	vadd.f32 v63, v1;
	v24 =	vmul.f32 v19, v0;
	[tilespmem:s15+$0xA280] =	vst v18  }
0x1b2: {  	v29 =	vld [tilespmem:s15+$0xC380];
	v28 =	vadd.f32 v14, v1;
	v27 =	vmul.f32 v22, v0;
	[tilespmem:s15+$0xA300] =	vst v21  }
0x1b3: {  	v31 =	vadd.f32 v17, v1;
	v30 =	vmul.f32 v25, v0;
	v32 =	vld [tilespmem:s15+$0xE000];
	[tilespmem:s15+$0xA380] =	vst v24  }
0x1b4: {  	v34 =	vadd.f32 v20, v1;
	v33 =	vmul.f32 v28, v0;
	v35 =	vld [tilespmem:s15+$0xE080];
	[tilespmem:s15+$0xC000] =	vst v27  }
0x1b5: {  	v36 =	vmul.f32 v31, v0;
	v38 =	vld [tilespmem:s15+$0xE100];
	[tilespmem:s15+$0xC080] =	vst v30;
	v37 =	vadd.f32 v23, v1  }
0x1b6: {  	v39 =	vmul.f32 v34, v0;
	v41 =	vld [tilespmem:s15+$0xE180];
	[tilespmem:s15+$0xC100] =	vst v33;
	v40 =	vadd.f32 v26, v1  }
0x1b7: {  	v44 =	vld [tilespmem:s15+$0xE200];
	[tilespmem:s15+$0xC180] =	vst v36;
	v43 =	vadd.f32 v29, v1;
	v42 =	vmul.f32 v37, v0  }
0x1b8: {  	v47 =	vld [tilespmem:s15+$0xE280];
	[tilespmem:s15+$0xC200] =	vst v39;
	v45 =	vmul.f32 v40, v0;
	v46 =	vadd.f32 v32, v1  }
0x1b9: {  	v50 =	vld [tilespmem:s15+$0xE300];
	v48 =	vmul.f32 v43, v0;
	v49 =	vadd.f32 v35, v1;
	[tilespmem:s15+$0xC280] =	vst v42  }
0x1ba: {  	v53 =	vld [tilespmem:s15+$0xE380];
	v52 =	vadd.f32 v38, v1;
	[tilespmem:s15+$0xC300] =	vst v45;
	v51 =	vmul.f32 v46, v0  }
0x1bb: {  	v55 =	vadd.f32 v41, v1;
	[tilespmem:s15+$0xC380] =	vst v48;
	v54 =	vmul.f32 v49, v0  }
0x1bc: {  	v57 =	vadd.f32 v44, v1;
	v56 =	vmul.f32 v52, v0;
	[tilespmem:s15+$0xE000] =	vst v51  }
0x1bd: {  	v59 =	vadd.f32 v47, v1;
	v58 =	vmul.f32 v55, v0;
	[tilespmem:s15+$0xE080] =	vst v54  }
0x1be: {  	p0 =	sne.s32 s14, $0x3F0;
	v61 =	vadd.f32 v50, v1;
	v60 =	vmul.f32 v57, v0;
	[tilespmem:s15+$0xE100] =	vst v56  }
.Ltmp1:
0x1bf: {  	v1 =	vadd.f32 v53, v1;
	v62 =	vmul.f32 v59, v0;
	[tilespmem:s15+$0xE180] =	vst v58;
	(pc) =	sbr.rel @p0 .LBB2_4-.Ltmp1, $4  }
0x1c0: {  	v63 =	vmul.f32 v61, v0;
	[tilespmem:s15+$0xE200] =	vst v60  }
0x1c1: {  	v0 =	vmul.f32 v1, v0;
	[tilespmem:s15+$0xE280] =	vst v62  }
0x1c2: {  	[tilespmem:s15+$0xE300] =	vst v63  }
0x1c3: {  	s13 =	sadd.s32 $0x80, s13;
	s14 =	sadd.s32 $0x10, s14;
	[tilespmem:s15+$0xE380] =	vst v0  }
0x1c4: {  	s12 =	sadd.s32 $0x1, s12  }
0x1c5: {  	p0 =	sne.s32 s12, s7  }
.Ltmp2:
0x1c6: {  	_ = 	snop;
	(pc) =	sbr.rel @p0 .LBB2_1-.Ltmp2, $4  }
0x1c7: {  	[hbm4b:s6+s8] =	stream.strided.scatter [tilespmem:s2], [sflag:$0x2], $0x10000, s9, s8, $0x38;
	[tilespmem:$0x10000] =	vst v63  }
0x1c8: {  	_ =	swait.ge [sflag:s11], $0x10000  }
0x1c9: {  	[sflag:s11] =	ssyncset.done $0x0  }
0x1ca: {  	[sflag:s11] =	ssyncadd.s32 $0xFFFF0000  }
0x1cb: {  	_ =	sfence.sel $0x180000  }
0x1cc: {  	[bflag:$0x0] =	sbarrier.arrive $0xFFFF  }
0x1cd: {  	p0 =	sne.s32 s1, $0x0;
	_ =	strace $0x90000047  }
0x1ce: {  	s0 =	sadd.s32 @!p0 $0x100000, s0;
	[bflag:$0x2] =	sbarrier.arrive $0xFFFF  }
0x1cf: {  	[sflag:s0] =	ssyncadd.tile.s32 @!p0 $0x1;
	_ =	shalt  }
.Lfunc_end2:
_tile_overlayer_lowered:
.L_overlay_start_2:
0x1d0: {  	(tag) =	ssettag $0x2  }
0x1d1: {  	s0 =	rddreg [dreg:$0x0];
	s2 =	stileid.u32  }
0x1d2: {  	s1 =	rddreg [dreg:$0x1];
	p0 =	sne.s32 s2, $0x0  }
0x1d3: {  	s3 =	rddreg [dreg:$0x2];
	[bflag:$0x3] =	sbarrier.arrive $0xFFFF;
	s2 =	simm.s32 @!p0 $0x1C03  }
0x1d4: {  	[timem:s3], [sflag:s2] =	dma.local @!p0 [hbm:s0], s1  }
0x1d5: {  	s0 =	simm.s32 @!p0 $0x3  }
0x1d6: {  	_ =	swait.ge @!p0 [sflag:s0], s1  }
0x1d7: {  	s1 =	ssub.s32 @!p0 $0x0, s1;
	[sflag:s0] =	ssyncset.done @!p0 $0x0  }
0x1d8: {  	[sflag:s0] =	ssyncadd.s32 @!p0 s1  }
0x1d9: {  	[bflag:$0x3] =	sbarrier.arrive $0xFFFF  }
0x1da: {  	_ =	shalt  }

</sc_bundles>
